<compile_context>
chip_gen: v7x
topology: tpu7x:2x2x1
jax: 0.10.2.dev20260603
libtpu: 0.0.44.dev20260713+nightly
codegen_flags: <defaults>
</compile_context>

<pallas_src>
import functools

import jax
import jax.numpy as jnp
from jax import lax
from jax.experimental import pallas as pl
from jax.experimental.pallas import tpu as pltpu
from jax.experimental.pallas import tpu_sc as plsc

N = 10000
D_IN = 128
H1, C1 = 8, 8
H2, C2 = 1, 7

NC, NS, LANES = 2, 16, 16
NW = NC * NS
K = 128
B = 2
N_PAD = 10240
RPS = N_PAD // NS

HH = H1 // NC
W36 = 40
W4 = 8
W2_8 = C2 + 1

_MESH = plsc.VectorSubcoreMesh(
    core_axis_name="c", subcore_axis_name="s", num_cores=NC, num_subcores=NS)
_SC_PARAMS = pltpu.CompilerParams(
    needs_layout_passes=False, use_tc_tiling_on_sc=False)


def _sc_edge_pass_l1(t36, tD, idx, zeros36, nouter, e_total):
    T = nouter * B * K

    @functools.partial(
        pl.kernel,
        out_type=jax.ShapeDtypeStruct((NC, N_PAD, W36), jnp.float32),
        mesh=_MESH,
        compiler_params=_SC_PARAMS,
        scratch_types=[
            pltpu.VMEM_SHARED((N_PAD, W36), jnp.float32),
            pltpu.VMEM_SHARED((N_PAD, W36), jnp.float32),
            pltpu.VMEM_SHARED((N_PAD, W4), jnp.float32),
            [pltpu.VMEM((2 * B, K), jnp.int32)] * 2,
            [pltpu.VMEM((B * K, W36), jnp.float32)] * 2,
            [pltpu.VMEM((B * K, W4), jnp.float32)] * 2,
            [pltpu.VMEM((B * K, W36), jnp.float32)] * 2,
            pltpu.SemaphoreType.DMA,
            pltpu.SemaphoreType.DMA,
            pltpu.SemaphoreType.DMA,
        ],
    )
    def k(t36_hbm, tD_hbm, idx_hbm, z_hbm, part_hbm,
          accum, tsh, adsh, idxv, rowsv, rowsdv, outv, gsem, g2sem, ssem):
        cid = lax.axis_index("c")
        sid = lax.axis_index("s")
        r0 = sid * RPS
        pltpu.sync_copy(z_hbm.at[pl.ds(r0, RPS)], accum.at[pl.ds(r0, RPS)])
        pltpu.sync_copy(t36_hbm.at[cid, pl.ds(r0, RPS)], tsh.at[pl.ds(r0, RPS)])
        pltpu.sync_copy(tD_hbm.at[cid, pl.ds(r0, RPS)], adsh.at[pl.ds(r0, RPS)])
        plsc.subcore_barrier()

        iota = lax.iota(jnp.int32, LANES)

        def load_idx(it, buf):
            r = (sid * (nouter + 1) + it) * (2 * B)
            pltpu.sync_copy(idx_hbm.at[pl.ds(r, 2 * B)], idxv[buf])

        def fire_gathers(buf):
            ds = []
            for j in range(B):
                ds.append(pltpu.async_copy(
                    tsh.at[idxv[buf].at[j]],
                    rowsv[buf].at[pl.ds(j * K, K)], gsem))
                ds.append(pltpu.async_copy(
                    adsh.at[idxv[buf].at[B + j]],
                    rowsdv[buf].at[pl.ds(j * K, K)], g2sem))
            return ds

        def compute(it, buf):
            rv, rdv, ov = rowsv[buf], rowsdv[buf], outv[buf]
            ebase = sid * T + it * (B * K)

            def group(g, carry2):
                rows = g * LANES + iota
                fmask = jnp.where((ebase + g * LANES + iota) < e_total, 1.0, 0.0)
                for hd in range(HH):
                    colw = jnp.full((LANES,), HH * C1 + hd, jnp.int32)
                    a_s = plsc.load_gather(rv, [rows, colw])
                    a_d = plsc.load_gather(rdv, [rows, jnp.full((LANES,), hd, jnp.int32)])
                    alpha = a_s + a_d
                    alpha = jnp.where(alpha >= 0, alpha, 0.2 * alpha)
                    w = jnp.exp(alpha) * fmask
                    plsc.store_scatter(ov, [rows, colw], w)
                    for c in range(C1):
                        col = jnp.full((LANES,), hd * C1 + c, jnp.int32)
                        hv = plsc.load_gather(rv, [rows, col])
                        plsc.store_scatter(ov, [rows, col], w * hv)
                return carry2

            lax.fori_loop(0, B * K // LANES, group, 0)

        def fire_scatters(buf):
            return [pltpu.async_copy(
                outv[buf].at[pl.ds(j * K, K)],
                accum.at[idxv[buf].at[B + j]], ssem, add=True)
                for j in range(B)]

        load_idx(0, 0)
        for d in fire_gathers(0):
            d.wait()

        def pair(ip, carry):
            for cur in range(2):
                it = ip * 2 + cur
                nxt = 1 - cur
                load_idx(it + 1, nxt)
                gds = fire_gathers(nxt)
                compute(it, cur)
                sds = fire_scatters(cur)
                for d in gds:
                    d.wait()
                for d in sds:
                    d.wait()
            return carry

        lax.fori_loop(0, nouter // 2, pair, 0)
        plsc.subcore_barrier()
        pltpu.sync_copy(accum.at[pl.ds(r0, RPS)], part_hbm.at[cid, pl.ds(r0, RPS)])

    return k(t36, tD, idx, zeros36)


def _sc_edge_pass_l2(table8, ad2, idx, zeros8, nouter, e_total):
    T = nouter * B * K

    @functools.partial(
        pl.kernel,
        out_type=jax.ShapeDtypeStruct((NC, N_PAD, W2_8), jnp.float32),
        mesh=_MESH,
        compiler_params=_SC_PARAMS,
        scratch_types=[
            pltpu.VMEM_SHARED((N_PAD, W2_8), jnp.float32),
            pltpu.VMEM((N, W2_8), jnp.float32),
            pltpu.VMEM((N,), jnp.float32),
            [pltpu.VMEM((2 * B, K), jnp.int32)] * 2,
            [pltpu.VMEM((B * K, W2_8), jnp.float32)] * 2,
            pltpu.SemaphoreType.DMA,
        ],
    )
    def k(t8_hbm, ad_hbm, idx_hbm, z_hbm, part_hbm,
          accum, t8buf, adbuf, idxv, outv, ssem):
        cid = lax.axis_index("c")
        sid = lax.axis_index("s")
        wid = sid * NC + cid
        r0 = sid * RPS
        pltpu.sync_copy(z_hbm.at[pl.ds(r0, RPS)], accum.at[pl.ds(r0, RPS)])
        pltpu.sync_copy(t8_hbm, t8buf)
        pltpu.sync_copy(ad_hbm, adbuf)
        plsc.subcore_barrier()

        iota = lax.iota(jnp.int32, LANES)

        def load_idx(it, buf):
            r = (wid * (nouter + 1) + it) * (2 * B)
            pltpu.sync_copy(idx_hbm.at[pl.ds(r, 2 * B)], idxv[buf])

        def compute(it, buf):
            ov, iv = outv[buf], idxv[buf]
            ebase = wid * T + it * (B * K)

            def group(g, carry2):
                rows = g * LANES + iota
                fmask = jnp.where((ebase + g * LANES + iota) < e_total, 1.0, 0.0)
                j = g // (K // LANES)
                gk = g % (K // LANES)
                svals = iv[j, pl.ds(gk * LANES, LANES)]
                dvals = iv[B + j, pl.ds(gk * LANES, LANES)]
                colw = jnp.full((LANES,), C2, jnp.int32)
                a_s = plsc.load_gather(t8buf, [svals, colw])
                a_d = plsc.load_gather(adbuf, [dvals])
                alpha = a_s + a_d
                alpha = jnp.where(alpha >= 0, alpha, 0.2 * alpha)
                w = jnp.exp(alpha) * fmask
                plsc.store_scatter(ov, [rows, colw], w)
                for c in range(C2):
                    col = jnp.full((LANES,), c, jnp.int32)
                    hv = plsc.load_gather(t8buf, [svals, col])
                    plsc.store_scatter(ov, [rows, col], w * hv)
                return carry2

            lax.fori_loop(0, B * K // LANES, group, 0)

        def fire_scatters(buf):
            return [pltpu.async_copy(
                outv[buf].at[pl.ds(j * K, K)],
                accum.at[idxv[buf].at[B + j]], ssem, add=True)
                for j in range(B)]

        load_idx(0, 0)

        def pair(ip, carry):
            for cur in range(2):
                it = ip * 2 + cur
                nxt = 1 - cur
                load_idx(it + 1, nxt)
                compute(it, cur)
                sds = fire_scatters(cur)
                for d in sds:
                    d.wait()
            return carry

        lax.fori_loop(0, nouter // 2, pair, 0)
        plsc.subcore_barrier()
        pltpu.sync_copy(accum.at[pl.ds(r0, RPS)], part_hbm.at[cid, pl.ds(r0, RPS)])

    return k(table8, ad2, idx, zeros8)


_BN = N_PAD // 16


def _tc_tables1(xp, wcat3):
    def body(x_ref, w_ref, o36_ref, oD_ref):
        h = jnp.dot(x_ref[...], w_ref[0], preferred_element_type=jnp.float32)
        o36_ref[0] = h[:, :W36]
        oD_ref[0] = h[:, W36:]

    return pl.pallas_call(
        body,
        grid=(NC, N_PAD // _BN),
        in_specs=[pl.BlockSpec((_BN, D_IN), lambda c, i: (i, 0)),
                  pl.BlockSpec((1, D_IN, W36 + W4), lambda c, i: (c, 0, 0))],
        out_specs=[pl.BlockSpec((1, _BN, W36), lambda c, i: (c, i, 0)),
                   pl.BlockSpec((1, _BN, W4), lambda c, i: (c, i, 0))],
        out_shape=[jax.ShapeDtypeStruct((NC, N_PAD, W36), jnp.float32),
                   jax.ShapeDtypeStruct((NC, N_PAD, W4), jnp.float32)],
    )(xp, wcat3)


_BM = 1000


def _tc_mid(part1, b1row, rrep, m8, adv):
    def body(p_ref, b_ref, r_ref, m_ref, a_ref, t8_ref, ad_ref):
        num = jnp.concatenate(
            [p_ref[0, :, :HH * C1], p_ref[1, :, :HH * C1]], axis=1)
        den = jnp.concatenate(
            [p_ref[0, :, HH * C1:HH * C1 + HH], p_ref[1, :, HH * C1:HH * C1 + HH]],
            axis=1)
        denr = jnp.dot(den, r_ref[...], preferred_element_type=jnp.float32)
        out1 = num / denr + b_ref[...]
        t8_ref[...] = jnp.dot(out1, m_ref[...], preferred_element_type=jnp.float32)
        ad_ref[...] = jnp.dot(out1, a_ref[...], preferred_element_type=jnp.float32)

    return pl.pallas_call(
        body,
        grid=(N // _BM,),
        in_specs=[pl.BlockSpec((NC, _BM, W36), lambda i: (0, i, 0)),
                  pl.BlockSpec((1, H1 * C1), lambda i: (0, 0)),
                  pl.BlockSpec((H1, H1 * C1), lambda i: (0, 0)),
                  pl.BlockSpec((H1 * C1, W2_8), lambda i: (0, 0)),
                  pl.BlockSpec((H1 * C1, 1), lambda i: (0, 0))],
        out_specs=[pl.BlockSpec((_BM, W2_8), lambda i: (i, 0)),
                   pl.BlockSpec((_BM, 1), lambda i: (i, 0))],
        out_shape=[jax.ShapeDtypeStruct((N, W2_8), jnp.float32),
                   jax.ShapeDtypeStruct((N, 1), jnp.float32)],
    )(part1, b1row, rrep, m8, adv)


def _tc_final(part2, b2row):
    def body(p_ref, b_ref, o_ref):
        num = p_ref[0, :, :C2] + p_ref[1, :, :C2]
        den = p_ref[0, :, C2:] + p_ref[1, :, C2:]
        o = num / den + b_ref[...]
        m = jnp.max(o, axis=1, keepdims=True)
        ex = jnp.exp(o - m)
        o_ref[...] = (o - m) - jnp.log(jnp.sum(ex, axis=1, keepdims=True))

    return pl.pallas_call(
        body,
        grid=(N // _BM,),
        in_specs=[pl.BlockSpec((NC, _BM, W2_8), lambda i: (0, i, 0)),
                  pl.BlockSpec((1, C2), lambda i: (0, 0))],
        out_specs=pl.BlockSpec((_BM, C2), lambda i: (i, 0)),
        out_shape=jax.ShapeDtypeStruct((N, C2), jnp.float32),
    )(part2, b2row)


def _build_idx(src, dst, nsplit, nouter):
    idx = jnp.stack([src.reshape(nsplit, nouter, B, K),
                     dst.reshape(nsplit, nouter, B, K)], axis=2)
    idx = jnp.concatenate(
        [idx, jnp.zeros((nsplit, 1, 2, B, K), jnp.int32)], axis=1)
    return idx.reshape(nsplit * (nouter + 1) * 2 * B, K)


def kernel(x, edge_index, W1, att_src1, att_dst1, b1, W2, att_src2, att_dst2, b2):
    W1r = W1.reshape(D_IN, H1, C1)
    wsrc1 = jnp.einsum("dhc,hc->dh", W1r, att_src1[0])
    wdst1 = jnp.einsum("dhc,hc->dh", W1r, att_dst1[0])
    zc = jnp.zeros((D_IN, W36 - HH * C1 - HH), jnp.float32)
    zd = jnp.zeros((D_IN, W4 - HH), jnp.float32)
    wcat3 = jnp.stack([
        jnp.concatenate([W1[:, :HH * C1], wsrc1[:, :HH], zc,
                         wdst1[:, :HH], zd], axis=1),
        jnp.concatenate([W1[:, HH * C1:], wsrc1[:, HH:], zc,
                         wdst1[:, HH:], zd], axis=1),
    ])

    m8 = jnp.concatenate([W2, (W2 @ att_src2[0, 0])[:, None]], axis=1)
    adv = (W2 @ att_dst2[0, 0])[:, None]
    rrep = jnp.repeat(jnp.eye(H1, dtype=jnp.float32), C1, axis=1)
    b1row = b1.reshape(1, H1 * C1)
    b2row = b2.reshape(1, C2)

    e_in = edge_index.shape[1]
    e_total = e_in + N
    loops = jnp.arange(N, dtype=jnp.int32)

    def padded(nsplit):
        nouter = -(-e_total // (nsplit * B * K))
        nouter += nouter % 2
        e_pad = nsplit * nouter * B * K
        padz = jnp.zeros((e_pad - e_total,), jnp.int32)
        s = jnp.concatenate([edge_index[0].astype(jnp.int32), loops, padz])
        d = jnp.concatenate([edge_index[1].astype(jnp.int32), loops, padz])
        return _build_idx(s, d, nsplit, nouter), nouter

    idx16, nouter16 = padded(NS)
    idx32, nouter32 = padded(NW)

    xp = jnp.concatenate([x, jnp.zeros((N_PAD - N, D_IN), jnp.float32)])
    zeros36 = jnp.zeros((N_PAD, W36), jnp.float32)
    zeros8 = jnp.zeros((N_PAD, W2_8), jnp.float32)

    t36, tD = _tc_tables1(xp, wcat3)
    part1 = _sc_edge_pass_l1(t36, tD, idx16, zeros36, nouter16, e_total)
    table8, ad2 = _tc_mid(part1, b1row, rrep, m8, adv)
    part2 = _sc_edge_pass_l2(table8, ad2.reshape(N), idx32, zeros8, nouter32, e_total)
    return _tc_final(part2, b2row)

# --- scband reference (transcript-rebuilt; emitter-appended) ---
"""Pipeline reference for scband-net-38560216384189 (READ-ONLY COPY).

The authoritative reference and input builder live on the scoring server;
editing this copy changes nothing except your own understanding.
"""

import jax, jax.numpy as jnp
import numpy as np

N = 10000
E = 320000
D_IN = 128
H1, C1 = 8, 8
H2, C2 = 1, 7


def gat_layer(x, src, dst, W, att_src, att_dst, bias, heads, out_ch, concat):
    n = x.shape[0]
    h = (x @ W).reshape(n, heads, out_ch)
    a_s = jnp.sum(h * att_src, axis=-1)
    a_d = jnp.sum(h * att_dst, axis=-1)
    alpha = a_s[src] + a_d[dst]
    alpha = jax.nn.leaky_relu(alpha, negative_slope=0.2)
    amax = jax.ops.segment_max(alpha, dst, num_segments=n)
    amax = jax.lax.stop_gradient(jnp.where(jnp.isfinite(amax), amax, 0.0))
    e = jnp.exp(alpha - amax[dst])
    denom = jax.ops.segment_sum(e, dst, num_segments=n)
    coef = e / (denom[dst] + 1e-16)
    msg = h[src] * coef[:, :, None]
    out = jax.ops.segment_sum(msg, dst, num_segments=n)
    if concat:
        out = out.reshape(n, heads * out_ch)
    else:
        out = jnp.mean(out, axis=1)
    return out + bias


def setup_inputs(seed: int = 0):
    key = jax.random.key(seed)
    ks = jax.random.split(key, 10)
    x = jax.random.normal(ks[0], (N, D_IN), dtype=jnp.float32)
    edge_index = jax.random.randint(ks[1], (2, E), 0, N, dtype=jnp.int32)
    g1 = 1.0 / np.sqrt(D_IN)
    W1 = jax.random.normal(ks[2], (D_IN, H1 * C1), dtype=jnp.float32) * g1
    att_src1 = jax.random.normal(ks[3], (1, H1, C1), dtype=jnp.float32) * 0.1
    att_dst1 = jax.random.normal(ks[4], (1, H1, C1), dtype=jnp.float32) * 0.1
    b1 = jnp.zeros((H1 * C1,), dtype=jnp.float32)
    g2 = 1.0 / np.sqrt(H1 * C1)
    W2 = jax.random.normal(ks[5], (H1 * C1, H2 * C2), dtype=jnp.float32) * g2
    att_src2 = jax.random.normal(ks[6], (1, H2, C2), dtype=jnp.float32) * 0.1
    att_dst2 = jax.random.normal(ks[7], (1, H2, C2), dtype=jnp.float32) * 0.1
    b2 = jnp.zeros((C2,), dtype=jnp.float32)
    return {"x": x, "edge_index": edge_index, "W1": W1, "att_src1": att_src1, "att_dst1": att_dst1, "b1": b1, "W2": W2, "att_src2": att_src2, "att_dst2": att_dst2, "b2": b2}


def reference(x, edge_index, W1, att_src1, att_dst1, b1, W2, att_src2, att_dst2, b2):
    n = x.shape[0]
    loops = jnp.arange(n, dtype=edge_index.dtype)
    src = jnp.concatenate([edge_index[0], loops])
    dst = jnp.concatenate([edge_index[1], loops])
    h1 = gat_layer(x, src, dst, W1, att_src1, att_dst1, b1, H1, C1, True)
    h2 = gat_layer(h1, src, dst, W2, att_src2, att_dst2, b2, H2, C2, True)
    return jax.nn.log_softmax(h2, axis=1)

if __name__ == "__main__":
    import jax
    _d = setup_inputs()
    print(jax.jit(kernel)(*tuple(_d.values())))

</pallas_src>

<mosaic_0001>
#map = affine_map<(d0, d1) -> (0, 0, 0)>
#map1 = affine_map<(d0, d1) -> (0, 0)>
module attributes {stable_mosaic.version = 14 : i64} {
  func.func @k(%arg0: i32, %arg1: i32, %arg2: memref<2x10240x40xf32, #tpu.memory_space<hbm>>, %arg3: memref<2x10240x8xf32, #tpu.memory_space<hbm>>, %arg4: memref<5312x128xi32, #tpu.memory_space<hbm>>, %arg5: memref<10240x40xf32, #tpu.memory_space<hbm>>, %arg6: memref<2x10240x40xf32, #tpu.memory_space<hbm>>, %arg7: memref<10240x40xf32, #tpu.memory_space<vmem_shared>>, %arg8: memref<10240x40xf32, #tpu.memory_space<vmem_shared>>, %arg9: memref<10240x8xf32, #tpu.memory_space<vmem_shared>>, %arg10: memref<4x128xi32, #tpu.memory_space<vmem>>, %arg11: memref<4x128xi32, #tpu.memory_space<vmem>>, %arg12: memref<256x40xf32, #tpu.memory_space<vmem>>, %arg13: memref<256x40xf32, #tpu.memory_space<vmem>>, %arg14: memref<256x8xf32, #tpu.memory_space<vmem>>, %arg15: memref<256x8xf32, #tpu.memory_space<vmem>>, %arg16: memref<256x40xf32, #tpu.memory_space<vmem>>, %arg17: memref<256x40xf32, #tpu.memory_space<vmem>>, %arg18: memref<!tpu.dma_semaphore, #tpu.memory_space<semaphore_mem>>, %arg19: memref<!tpu.dma_semaphore, #tpu.memory_space<semaphore_mem>>, %arg20: memref<!tpu.dma_semaphore, #tpu.memory_space<semaphore_mem>>) attributes {dimension_semantics = [#tpu.dimension_semantics<core_parallel>, #tpu.dimension_semantics<subcore_parallel>], iteration_bounds = array<i64: 2, 16>, scalar_prefetch = 0 : i64, scratch_operands = 14 : i64, tpu.core_type = #tpu.core_type<sc_vector_subcore>, window_params = [{transform_indices = #map}, {transform_indices = #map}, {transform_indices = #map1}, {transform_indices = #map1}, {transform_indices = #map}]} {
    %mul3A = arith.constant 640 : i32
    %mul3A_0 = arith.muli %arg1, %mul3A : i32
    "tpu.region"() ({
      %run_scoped3A = tpu.sem_alloc : memref<!tpu.dma_semaphore, #tpu.memory_space<semaphore_mem>>
      %dma_start3A_90 = arith.constant 0 : i32
      %dma_start3A_91 = tpu.memref_slice %arg7[%mul3A_0, %dma_start3A_90] : memref<10240x40xf32, #tpu.memory_space<vmem_shared>> -> memref<640x40xf32, #tpu.memory_space<vmem_shared>>
      %dma_start3A_92 = arith.constant 0 : i32
      %dma_start3A_93 = tpu.memref_slice %arg5[%mul3A_0, %dma_start3A_92] : memref<10240x40xf32, #tpu.memory_space<hbm>> -> memref<640x40xf32, #tpu.memory_space<hbm>>
      tpu.enqueue_dma source(%dma_start3A_93 : memref<640x40xf32, #tpu.memory_space<hbm>>) target(%dma_start3A_91 : memref<640x40xf32, #tpu.memory_space<vmem_shared>>) target_semaphore(%run_scoped3A : memref<!tpu.dma_semaphore, #tpu.memory_space<semaphore_mem>>)
      %dma_wait3A_94 = arith.constant 0 : i32
      %dma_wait3A_95 = tpu.memref_slice %arg7[%mul3A_0, %dma_wait3A_94] : memref<10240x40xf32, #tpu.memory_space<vmem_shared>> -> memref<640x40xf32, #tpu.memory_space<vmem_shared>>
      %dma_wait3A_96 = arith.constant 0 : i32
      %dma_wait3A_97 = tpu.memref_slice %arg5[%mul3A_0, %dma_wait3A_96] : memref<10240x40xf32, #tpu.memory_space<hbm>> -> memref<640x40xf32, #tpu.memory_space<hbm>>
      tpu.wait_dma2 semaphore(%run_scoped3A : memref<!tpu.dma_semaphore, #tpu.memory_space<semaphore_mem>>) src(%dma_wait3A_97 : memref<640x40xf32, #tpu.memory_space<hbm>>) dst(%dma_wait3A_95 : memref<640x40xf32, #tpu.memory_space<vmem_shared>>)
      tpu.yield
    }) : () -> ()
    "tpu.region"() ({
      %run_scoped3A = tpu.sem_alloc : memref<!tpu.dma_semaphore, #tpu.memory_space<semaphore_mem>>
      %dma_start3A_90 = arith.constant 0 : i32
      %dma_start3A_91 = tpu.memref_slice %arg8[%mul3A_0, %dma_start3A_90] : memref<10240x40xf32, #tpu.memory_space<vmem_shared>> -> memref<640x40xf32, #tpu.memory_space<vmem_shared>>
      %dma_start3A_92 = arith.constant 0 : i32
      %dma_start3A_93 = tpu.memref_slice %arg2[%arg0, %mul3A_0, %dma_start3A_92] : memref<2x10240x40xf32, #tpu.memory_space<hbm>> -> memref<1x640x40xf32, #tpu.memory_space<hbm>>
      %dma_start3A_94 = tpu.memref_squeeze %dma_start3A_93 : memref<1x640x40xf32, #tpu.memory_space<hbm>> -> memref<640x40xf32, #tpu.memory_space<hbm>>
      tpu.enqueue_dma source(%dma_start3A_94 : memref<640x40xf32, #tpu.memory_space<hbm>>) target(%dma_start3A_91 : memref<640x40xf32, #tpu.memory_space<vmem_shared>>) target_semaphore(%run_scoped3A : memref<!tpu.dma_semaphore, #tpu.memory_space<semaphore_mem>>)
      %dma_wait3A_95 = arith.constant 0 : i32
      %dma_wait3A_96 = tpu.memref_slice %arg8[%mul3A_0, %dma_wait3A_95] : memref<10240x40xf32, #tpu.memory_space<vmem_shared>> -> memref<640x40xf32, #tpu.memory_space<vmem_shared>>
      %dma_wait3A_97 = arith.constant 0 : i32
      %dma_wait3A_98 = tpu.memref_slice %arg2[%arg0, %mul3A_0, %dma_wait3A_97] : memref<2x10240x40xf32, #tpu.memory_space<hbm>> -> memref<1x640x40xf32, #tpu.memory_space<hbm>>
      %dma_wait3A_99 = tpu.memref_squeeze %dma_wait3A_98 : memref<1x640x40xf32, #tpu.memory_space<hbm>> -> memref<640x40xf32, #tpu.memory_space<hbm>>
      tpu.wait_dma2 semaphore(%run_scoped3A : memref<!tpu.dma_semaphore, #tpu.memory_space<semaphore_mem>>) src(%dma_wait3A_99 : memref<640x40xf32, #tpu.memory_space<hbm>>) dst(%dma_wait3A_96 : memref<640x40xf32, #tpu.memory_space<vmem_shared>>)
      tpu.yield
    }) : () -> ()
    "tpu.region"() ({
      %run_scoped3A = tpu.sem_alloc : memref<!tpu.dma_semaphore, #tpu.memory_space<semaphore_mem>>
      %dma_start3A_90 = arith.constant 0 : i32
      %dma_start3A_91 = tpu.memref_slice %arg9[%mul3A_0, %dma_start3A_90] : memref<10240x8xf32, #tpu.memory_space<vmem_shared>> -> memref<640x8xf32, #tpu.memory_space<vmem_shared>>
      %dma_start3A_92 = arith.constant 0 : i32
      %dma_start3A_93 = tpu.memref_slice %arg3[%arg0, %mul3A_0, %dma_start3A_92] : memref<2x10240x8xf32, #tpu.memory_space<hbm>> -> memref<1x640x8xf32, #tpu.memory_space<hbm>>
      %dma_start3A_94 = tpu.memref_squeeze %dma_start3A_93 : memref<1x640x8xf32, #tpu.memory_space<hbm>> -> memref<640x8xf32, #tpu.memory_space<hbm>>
      tpu.enqueue_dma source(%dma_start3A_94 : memref<640x8xf32, #tpu.memory_space<hbm>>) target(%dma_start3A_91 : memref<640x8xf32, #tpu.memory_space<vmem_shared>>) target_semaphore(%run_scoped3A : memref<!tpu.dma_semaphore, #tpu.memory_space<semaphore_mem>>)
      %dma_wait3A_95 = arith.constant 0 : i32
      %dma_wait3A_96 = tpu.memref_slice %arg9[%mul3A_0, %dma_wait3A_95] : memref<10240x8xf32, #tpu.memory_space<vmem_shared>> -> memref<640x8xf32, #tpu.memory_space<vmem_shared>>
      %dma_wait3A_97 = arith.constant 0 : i32
      %dma_wait3A_98 = tpu.memref_slice %arg3[%arg0, %mul3A_0, %dma_wait3A_97] : memref<2x10240x8xf32, #tpu.memory_space<hbm>> -> memref<1x640x8xf32, #tpu.memory_space<hbm>>
      %dma_wait3A_99 = tpu.memref_squeeze %dma_wait3A_98 : memref<1x640x8xf32, #tpu.memory_space<hbm>> -> memref<640x8xf32, #tpu.memory_space<hbm>>
      tpu.wait_dma2 semaphore(%run_scoped3A : memref<!tpu.dma_semaphore, #tpu.memory_space<semaphore_mem>>) src(%dma_wait3A_99 : memref<640x8xf32, #tpu.memory_space<hbm>>) dst(%dma_wait3A_96 : memref<640x8xf32, #tpu.memory_space<vmem_shared>>)
      tpu.yield
    }) : () -> ()
    %barrier3A = arith.constant 0 : index
    tpu.barrier barrier_id(%barrier3A)
    %iota3A = tpu.iota {dimensions = array<i32: 0>} : vector<16xi32>
    %mul3A_1 = arith.constant 83 : i32
    %mul3A_2 = arith.muli %arg1, %mul3A_1 : i32
    %add3A = arith.constant 0 : i32
    %add3A_3 = arith.addi %mul3A_2, %add3A : i32
    %mul3A_4 = arith.constant 4 : i32
    %mul3A_5 = arith.muli %add3A_3, %mul3A_4 : i32
    "tpu.region"() ({
      %run_scoped3A = tpu.sem_alloc : memref<!tpu.dma_semaphore, #tpu.memory_space<semaphore_mem>>
      %dma_start3A_90 = arith.constant 0 : i32
      %dma_start3A_91 = tpu.memref_slice %arg4[%mul3A_5, %dma_start3A_90] : memref<5312x128xi32, #tpu.memory_space<hbm>> -> memref<4x128xi32, #tpu.memory_space<hbm>>
      %dma_start3A_92 = arith.constant 0 : i32
      %dma_start3A_93 = tpu.memref_slice %arg4[%mul3A_5, %dma_start3A_92] : memref<5312x128xi32, #tpu.memory_space<hbm>> -> memref<4x128xi32, #tpu.memory_space<hbm>>
      tpu.enqueue_dma source(%dma_start3A_93 : memref<4x128xi32, #tpu.memory_space<hbm>>) target(%arg10 : memref<4x128xi32, #tpu.memory_space<vmem>>) target_semaphore(%run_scoped3A : memref<!tpu.dma_semaphore, #tpu.memory_space<semaphore_mem>>)
      %dma_wait3A_94 = arith.constant 0 : i32
      %dma_wait3A_95 = tpu.memref_slice %arg4[%mul3A_5, %dma_wait3A_94] : memref<5312x128xi32, #tpu.memory_space<hbm>> -> memref<4x128xi32, #tpu.memory_space<hbm>>
      %dma_wait3A_96 = arith.constant 0 : i32
      %dma_wait3A_97 = tpu.memref_slice %arg4[%mul3A_5, %dma_wait3A_96] : memref<5312x128xi32, #tpu.memory_space<hbm>> -> memref<4x128xi32, #tpu.memory_space<hbm>>
      tpu.wait_dma2 semaphore(%run_scoped3A : memref<!tpu.dma_semaphore, #tpu.memory_space<semaphore_mem>>) src(%dma_wait3A_97 : memref<4x128xi32, #tpu.memory_space<hbm>>) dst(%arg10 : memref<4x128xi32, #tpu.memory_space<vmem>>)
      tpu.yield
    }) : () -> ()
    %dma_start3A = arith.constant 0 : i32
    %dma_start3A_6 = arith.constant 0 : i32
    %dma_start3A_7 = arith.constant 0 : i32
    %dma_start3A_8 = tpu.memref_slice %arg12[%dma_start3A_6, %dma_start3A_7] : memref<256x40xf32, #tpu.memory_space<vmem>> -> memref<128x40xf32, #tpu.memory_space<vmem>>
    %dma_start3A_9 = arith.constant 0 : i32
    %dma_start3A_10 = tpu.memref_slice %arg10[%dma_start3A, %dma_start3A_9] : memref<4x128xi32, #tpu.memory_space<vmem>> -> memref<1x128xi32, #tpu.memory_space<vmem>>
    %dma_start3A_11 = tpu.memref_squeeze %dma_start3A_10 : memref<1x128xi32, #tpu.memory_space<vmem>> -> memref<128xi32, #tpu.memory_space<vmem>>
    %dma_start3A_12 = arith.constant 0 : i32
    %dma_start3A_13 = arith.constant 0 : i32
    %dma_start3A_14 = tpu.memref_slice %arg8[%dma_start3A_12, %dma_start3A_13] : memref<10240x40xf32, #tpu.memory_space<vmem_shared>> -> memref<10240x40xf32, #tpu.memory_space<vmem_shared>>
    tpu.enqueue_indirect_dma source(%dma_start3A_14 : memref<10240x40xf32, #tpu.memory_space<vmem_shared>>) target(%dma_start3A_8 : memref<128x40xf32, #tpu.memory_space<vmem>>) offsets(%dma_start3A_11 : memref<128xi32, #tpu.memory_space<vmem>>) semaphore(%arg18 : memref<!tpu.dma_semaphore, #tpu.memory_space<semaphore_mem>>)
    %dma_start3A_15 = arith.constant 2 : i32
    %dma_start3A_16 = arith.constant 0 : i32
    %dma_start3A_17 = arith.constant 0 : i32
    %dma_start3A_18 = tpu.memref_slice %arg14[%dma_start3A_16, %dma_start3A_17] : memref<256x8xf32, #tpu.memory_space<vmem>> -> memref<128x8xf32, #tpu.memory_space<vmem>>
    %dma_start3A_19 = arith.constant 0 : i32
    %dma_start3A_20 = tpu.memref_slice %arg10[%dma_start3A_15, %dma_start3A_19] : memref<4x128xi32, #tpu.memory_space<vmem>> -> memref<1x128xi32, #tpu.memory_space<vmem>>
    %dma_start3A_21 = tpu.memref_squeeze %dma_start3A_20 : memref<1x128xi32, #tpu.memory_space<vmem>> -> memref<128xi32, #tpu.memory_space<vmem>>
    %dma_start3A_22 = arith.constant 0 : i32
    %dma_start3A_23 = arith.constant 0 : i32
    %dma_start3A_24 = tpu.memref_slice %arg9[%dma_start3A_22, %dma_start3A_23] : memref<10240x8xf32, #tpu.memory_space<vmem_shared>> -> memref<10240x8xf32, #tpu.memory_space<vmem_shared>>
    tpu.enqueue_indirect_dma source(%dma_start3A_24 : memref<10240x8xf32, #tpu.memory_space<vmem_shared>>) target(%dma_start3A_18 : memref<128x8xf32, #tpu.memory_space<vmem>>) offsets(%dma_start3A_21 : memref<128xi32, #tpu.memory_space<vmem>>) semaphore(%arg19 : memref<!tpu.dma_semaphore, #tpu.memory_space<semaphore_mem>>)
    %dma_start3A_25 = arith.constant 1 : i32
    %dma_start3A_26 = arith.constant 128 : i32
    %dma_start3A_27 = arith.constant 0 : i32
    %dma_start3A_28 = tpu.memref_slice %arg12[%dma_start3A_26, %dma_start3A_27] : memref<256x40xf32, #tpu.memory_space<vmem>> -> memref<128x40xf32, #tpu.memory_space<vmem>>
    %dma_start3A_29 = arith.constant 0 : i32
    %dma_start3A_30 = tpu.memref_slice %arg10[%dma_start3A_25, %dma_start3A_29] : memref<4x128xi32, #tpu.memory_space<vmem>> -> memref<1x128xi32, #tpu.memory_space<vmem>>
    %dma_start3A_31 = tpu.memref_squeeze %dma_start3A_30 : memref<1x128xi32, #tpu.memory_space<vmem>> -> memref<128xi32, #tpu.memory_space<vmem>>
    %dma_start3A_32 = arith.constant 0 : i32
    %dma_start3A_33 = arith.constant 0 : i32
    %dma_start3A_34 = tpu.memref_slice %arg8[%dma_start3A_32, %dma_start3A_33] : memref<10240x40xf32, #tpu.memory_space<vmem_shared>> -> memref<10240x40xf32, #tpu.memory_space<vmem_shared>>
    tpu.enqueue_indirect_dma source(%dma_start3A_34 : memref<10240x40xf32, #tpu.memory_space<vmem_shared>>) target(%dma_start3A_28 : memref<128x40xf32, #tpu.memory_space<vmem>>) offsets(%dma_start3A_31 : memref<128xi32, #tpu.memory_space<vmem>>) semaphore(%arg18 : memref<!tpu.dma_semaphore, #tpu.memory_space<semaphore_mem>>)
    %dma_start3A_35 = arith.constant 3 : i32
    %dma_start3A_36 = arith.constant 128 : i32
    %dma_start3A_37 = arith.constant 0 : i32
    %dma_start3A_38 = tpu.memref_slice %arg14[%dma_start3A_36, %dma_start3A_37] : memref<256x8xf32, #tpu.memory_space<vmem>> -> memref<128x8xf32, #tpu.memory_space<vmem>>
    %dma_start3A_39 = arith.constant 0 : i32
    %dma_start3A_40 = tpu.memref_slice %arg10[%dma_start3A_35, %dma_start3A_39] : memref<4x128xi32, #tpu.memory_space<vmem>> -> memref<1x128xi32, #tpu.memory_space<vmem>>
    %dma_start3A_41 = tpu.memref_squeeze %dma_start3A_40 : memref<1x128xi32, #tpu.memory_space<vmem>> -> memref<128xi32, #tpu.memory_space<vmem>>
    %dma_start3A_42 = arith.constant 0 : i32
    %dma_start3A_43 = arith.constant 0 : i32
    %dma_start3A_44 = tpu.memref_slice %arg9[%dma_start3A_42, %dma_start3A_43] : memref<10240x8xf32, #tpu.memory_space<vmem_shared>> -> memref<10240x8xf32, #tpu.memory_space<vmem_shared>>
    tpu.enqueue_indirect_dma source(%dma_start3A_44 : memref<10240x8xf32, #tpu.memory_space<vmem_shared>>) target(%dma_start3A_38 : memref<128x8xf32, #tpu.memory_space<vmem>>) offsets(%dma_start3A_41 : memref<128xi32, #tpu.memory_space<vmem>>) semaphore(%arg19 : memref<!tpu.dma_semaphore, #tpu.memory_space<semaphore_mem>>)
    %dma_wait3A = arith.constant 0 : i32
    %dma_wait3A_45 = arith.constant 0 : i32
    %dma_wait3A_46 = arith.constant 0 : i32
    %dma_wait3A_47 = tpu.memref_slice %arg12[%dma_wait3A_45, %dma_wait3A_46] : memref<256x40xf32, #tpu.memory_space<vmem>> -> memref<128x40xf32, #tpu.memory_space<vmem>>
    %dma_wait3A_48 = arith.constant 0 : i32
    %dma_wait3A_49 = tpu.memref_slice %arg10[%dma_wait3A, %dma_wait3A_48] : memref<4x128xi32, #tpu.memory_space<vmem>> -> memref<1x128xi32, #tpu.memory_space<vmem>>
    %dma_wait3A_50 = tpu.memref_squeeze %dma_wait3A_49 : memref<1x128xi32, #tpu.memory_space<vmem>> -> memref<128xi32, #tpu.memory_space<vmem>>
    %dma_wait3A_51 = arith.constant 0 : i32
    %dma_wait3A_52 = arith.constant 0 : i32
    %dma_wait3A_53 = tpu.memref_slice %arg8[%dma_wait3A_51, %dma_wait3A_52] : memref<10240x40xf32, #tpu.memory_space<vmem_shared>> -> memref<10240x40xf32, #tpu.memory_space<vmem_shared>>
    tpu.wait_indirect_dma semaphore(%arg18 : memref<!tpu.dma_semaphore, #tpu.memory_space<semaphore_mem>>) src(%dma_wait3A_53 : memref<10240x40xf32, #tpu.memory_space<vmem_shared>>) dst(%dma_wait3A_47 : memref<128x40xf32, #tpu.memory_space<vmem>>)
    %dma_wait3A_54 = arith.constant 2 : i32
    %dma_wait3A_55 = arith.constant 0 : i32
    %dma_wait3A_56 = arith.constant 0 : i32
    %dma_wait3A_57 = tpu.memref_slice %arg14[%dma_wait3A_55, %dma_wait3A_56] : memref<256x8xf32, #tpu.memory_space<vmem>> -> memref<128x8xf32, #tpu.memory_space<vmem>>
    %dma_wait3A_58 = arith.constant 0 : i32
    %dma_wait3A_59 = tpu.memref_slice %arg10[%dma_wait3A_54, %dma_wait3A_58] : memref<4x128xi32, #tpu.memory_space<vmem>> -> memref<1x128xi32, #tpu.memory_space<vmem>>
    %dma_wait3A_60 = tpu.memref_squeeze %dma_wait3A_59 : memref<1x128xi32, #tpu.memory_space<vmem>> -> memref<128xi32, #tpu.memory_space<vmem>>
    %dma_wait3A_61 = arith.constant 0 : i32
    %dma_wait3A_62 = arith.constant 0 : i32
    %dma_wait3A_63 = tpu.memref_slice %arg9[%dma_wait3A_61, %dma_wait3A_62] : memref<10240x8xf32, #tpu.memory_space<vmem_shared>> -> memref<10240x8xf32, #tpu.memory_space<vmem_shared>>
    tpu.wait_indirect_dma semaphore(%arg19 : memref<!tpu.dma_semaphore, #tpu.memory_space<semaphore_mem>>) src(%dma_wait3A_63 : memref<10240x8xf32, #tpu.memory_space<vmem_shared>>) dst(%dma_wait3A_57 : memref<128x8xf32, #tpu.memory_space<vmem>>)
    %dma_wait3A_64 = arith.constant 1 : i32
    %dma_wait3A_65 = arith.constant 128 : i32
    %dma_wait3A_66 = arith.constant 0 : i32
    %dma_wait3A_67 = tpu.memref_slice %arg12[%dma_wait3A_65, %dma_wait3A_66] : memref<256x40xf32, #tpu.memory_space<vmem>> -> memref<128x40xf32, #tpu.memory_space<vmem>>
    %dma_wait3A_68 = arith.constant 0 : i32
    %dma_wait3A_69 = tpu.memref_slice %arg10[%dma_wait3A_64, %dma_wait3A_68] : memref<4x128xi32, #tpu.memory_space<vmem>> -> memref<1x128xi32, #tpu.memory_space<vmem>>
    %dma_wait3A_70 = tpu.memref_squeeze %dma_wait3A_69 : memref<1x128xi32, #tpu.memory_space<vmem>> -> memref<128xi32, #tpu.memory_space<vmem>>
    %dma_wait3A_71 = arith.constant 0 : i32
    %dma_wait3A_72 = arith.constant 0 : i32
    %dma_wait3A_73 = tpu.memref_slice %arg8[%dma_wait3A_71, %dma_wait3A_72] : memref<10240x40xf32, #tpu.memory_space<vmem_shared>> -> memref<10240x40xf32, #tpu.memory_space<vmem_shared>>
    tpu.wait_indirect_dma semaphore(%arg18 : memref<!tpu.dma_semaphore, #tpu.memory_space<semaphore_mem>>) src(%dma_wait3A_73 : memref<10240x40xf32, #tpu.memory_space<vmem_shared>>) dst(%dma_wait3A_67 : memref<128x40xf32, #tpu.memory_space<vmem>>)
    %dma_wait3A_74 = arith.constant 3 : i32
    %dma_wait3A_75 = arith.constant 128 : i32
    %dma_wait3A_76 = arith.constant 0 : i32
    %dma_wait3A_77 = tpu.memref_slice %arg14[%dma_wait3A_75, %dma_wait3A_76] : memref<256x8xf32, #tpu.memory_space<vmem>> -> memref<128x8xf32, #tpu.memory_space<vmem>>
    %dma_wait3A_78 = arith.constant 0 : i32
    %dma_wait3A_79 = tpu.memref_slice %arg10[%dma_wait3A_74, %dma_wait3A_78] : memref<4x128xi32, #tpu.memory_space<vmem>> -> memref<1x128xi32, #tpu.memory_space<vmem>>
    %dma_wait3A_80 = tpu.memref_squeeze %dma_wait3A_79 : memref<1x128xi32, #tpu.memory_space<vmem>> -> memref<128xi32, #tpu.memory_space<vmem>>
    %dma_wait3A_81 = arith.constant 0 : i32
    %dma_wait3A_82 = arith.constant 0 : i32
    %dma_wait3A_83 = tpu.memref_slice %arg9[%dma_wait3A_81, %dma_wait3A_82] : memref<10240x8xf32, #tpu.memory_space<vmem_shared>> -> memref<10240x8xf32, #tpu.memory_space<vmem_shared>>
    tpu.wait_indirect_dma semaphore(%arg19 : memref<!tpu.dma_semaphore, #tpu.memory_space<semaphore_mem>>) src(%dma_wait3A_83 : memref<10240x8xf32, #tpu.memory_space<vmem_shared>>) dst(%dma_wait3A_77 : memref<128x8xf32, #tpu.memory_space<vmem>>)
    %scan3A = arith.constant 0 : i32
    %scan3A_84 = arith.constant 0 : i32
    %scan3A_85 = arith.constant 41 : i32
    %scan3A_86 = arith.addi %scan3A_84, %scan3A_85 : i32
    %scan3A_87 = arith.constant 1 : i32
    scf.for %scan3A_90 = %scan3A_84 to %scan3A_86 step %scan3A_87  : i32 {
      %mul3A_91 = arith.constant 2 : i32
      %mul3A_92 = arith.muli %scan3A_90, %mul3A_91 : i32
      %add3A_93 = arith.constant 0 : i32
      %add3A_94 = arith.addi %mul3A_92, %add3A_93 : i32
      %add3A_95 = arith.constant 1 : i32
      %add3A_96 = arith.addi %add3A_94, %add3A_95 : i32
      %mul3A_97 = arith.constant 83 : i32
      %mul3A_98 = arith.muli %arg1, %mul3A_97 : i32
      %add3A_99 = arith.addi %mul3A_98, %add3A_96 : i32
      %mul3A_100 = arith.constant 4 : i32
      %mul3A_101 = arith.muli %add3A_99, %mul3A_100 : i32
      "tpu.region"() ({
        %run_scoped3A = tpu.sem_alloc : memref<!tpu.dma_semaphore, #tpu.memory_space<semaphore_mem>>
        %dma_start3A_375 = arith.constant 0 : i32
        %dma_start3A_376 = tpu.memref_slice %arg4[%mul3A_101, %dma_start3A_375] : memref<5312x128xi32, #tpu.memory_space<hbm>> -> memref<4x128xi32, #tpu.memory_space<hbm>>
        %dma_start3A_377 = arith.constant 0 : i32
        %dma_start3A_378 = tpu.memref_slice %arg4[%mul3A_101, %dma_start3A_377] : memref<5312x128xi32, #tpu.memory_space<hbm>> -> memref<4x128xi32, #tpu.memory_space<hbm>>
        tpu.enqueue_dma source(%dma_start3A_378 : memref<4x128xi32, #tpu.memory_space<hbm>>) target(%arg11 : memref<4x128xi32, #tpu.memory_space<vmem>>) target_semaphore(%run_scoped3A : memref<!tpu.dma_semaphore, #tpu.memory_space<semaphore_mem>>)
        %dma_wait3A_379 = arith.constant 0 : i32
        %dma_wait3A_380 = tpu.memref_slice %arg4[%mul3A_101, %dma_wait3A_379] : memref<5312x128xi32, #tpu.memory_space<hbm>> -> memref<4x128xi32, #tpu.memory_space<hbm>>
        %dma_wait3A_381 = arith.constant 0 : i32
        %dma_wait3A_382 = tpu.memref_slice %arg4[%mul3A_101, %dma_wait3A_381] : memref<5312x128xi32, #tpu.memory_space<hbm>> -> memref<4x128xi32, #tpu.memory_space<hbm>>
        tpu.wait_dma2 semaphore(%run_scoped3A : memref<!tpu.dma_semaphore, #tpu.memory_space<semaphore_mem>>) src(%dma_wait3A_382 : memref<4x128xi32, #tpu.memory_space<hbm>>) dst(%arg11 : memref<4x128xi32, #tpu.memory_space<vmem>>)
        tpu.yield
      }) : () -> ()
      %dma_start3A_102 = arith.constant 0 : i32
      %dma_start3A_103 = arith.constant 0 : i32
      %dma_start3A_104 = arith.constant 0 : i32
      %dma_start3A_105 = tpu.memref_slice %arg13[%dma_start3A_103, %dma_start3A_104] : memref<256x40xf32, #tpu.memory_space<vmem>> -> memref<128x40xf32, #tpu.memory_space<vmem>>
      %dma_start3A_106 = arith.constant 0 : i32
      %dma_start3A_107 = tpu.memref_slice %arg11[%dma_start3A_102, %dma_start3A_106] : memref<4x128xi32, #tpu.memory_space<vmem>> -> memref<1x128xi32, #tpu.memory_space<vmem>>
      %dma_start3A_108 = tpu.memref_squeeze %dma_start3A_107 : memref<1x128xi32, #tpu.memory_space<vmem>> -> memref<128xi32, #tpu.memory_space<vmem>>
      %dma_start3A_109 = arith.constant 0 : i32
      %dma_start3A_110 = arith.constant 0 : i32
      %dma_start3A_111 = tpu.memref_slice %arg8[%dma_start3A_109, %dma_start3A_110] : memref<10240x40xf32, #tpu.memory_space<vmem_shared>> -> memref<10240x40xf32, #tpu.memory_space<vmem_shared>>
      tpu.enqueue_indirect_dma source(%dma_start3A_111 : memref<10240x40xf32, #tpu.memory_space<vmem_shared>>) target(%dma_start3A_105 : memref<128x40xf32, #tpu.memory_space<vmem>>) offsets(%dma_start3A_108 : memref<128xi32, #tpu.memory_space<vmem>>) semaphore(%arg18 : memref<!tpu.dma_semaphore, #tpu.memory_space<semaphore_mem>>)
      %dma_start3A_112 = arith.constant 2 : i32
      %dma_start3A_113 = arith.constant 0 : i32
      %dma_start3A_114 = arith.constant 0 : i32
      %dma_start3A_115 = tpu.memref_slice %arg15[%dma_start3A_113, %dma_start3A_114] : memref<256x8xf32, #tpu.memory_space<vmem>> -> memref<128x8xf32, #tpu.memory_space<vmem>>
      %dma_start3A_116 = arith.constant 0 : i32
      %dma_start3A_117 = tpu.memref_slice %arg11[%dma_start3A_112, %dma_start3A_116] : memref<4x128xi32, #tpu.memory_space<vmem>> -> memref<1x128xi32, #tpu.memory_space<vmem>>
      %dma_start3A_118 = tpu.memref_squeeze %dma_start3A_117 : memref<1x128xi32, #tpu.memory_space<vmem>> -> memref<128xi32, #tpu.memory_space<vmem>>
      %dma_start3A_119 = arith.constant 0 : i32
      %dma_start3A_120 = arith.constant 0 : i32
      %dma_start3A_121 = tpu.memref_slice %arg9[%dma_start3A_119, %dma_start3A_120] : memref<10240x8xf32, #tpu.memory_space<vmem_shared>> -> memref<10240x8xf32, #tpu.memory_space<vmem_shared>>
      tpu.enqueue_indirect_dma source(%dma_start3A_121 : memref<10240x8xf32, #tpu.memory_space<vmem_shared>>) target(%dma_start3A_115 : memref<128x8xf32, #tpu.memory_space<vmem>>) offsets(%dma_start3A_118 : memref<128xi32, #tpu.memory_space<vmem>>) semaphore(%arg19 : memref<!tpu.dma_semaphore, #tpu.memory_space<semaphore_mem>>)
      %dma_start3A_122 = arith.constant 1 : i32
      %dma_start3A_123 = arith.constant 128 : i32
      %dma_start3A_124 = arith.constant 0 : i32
      %dma_start3A_125 = tpu.memref_slice %arg13[%dma_start3A_123, %dma_start3A_124] : memref<256x40xf32, #tpu.memory_space<vmem>> -> memref<128x40xf32, #tpu.memory_space<vmem>>
      %dma_start3A_126 = arith.constant 0 : i32
      %dma_start3A_127 = tpu.memref_slice %arg11[%dma_start3A_122, %dma_start3A_126] : memref<4x128xi32, #tpu.memory_space<vmem>> -> memref<1x128xi32, #tpu.memory_space<vmem>>
      %dma_start3A_128 = tpu.memref_squeeze %dma_start3A_127 : memref<1x128xi32, #tpu.memory_space<vmem>> -> memref<128xi32, #tpu.memory_space<vmem>>
      %dma_start3A_129 = arith.constant 0 : i32
      %dma_start3A_130 = arith.constant 0 : i32
      %dma_start3A_131 = tpu.memref_slice %arg8[%dma_start3A_129, %dma_start3A_130] : memref<10240x40xf32, #tpu.memory_space<vmem_shared>> -> memref<10240x40xf32, #tpu.memory_space<vmem_shared>>
      tpu.enqueue_indirect_dma source(%dma_start3A_131 : memref<10240x40xf32, #tpu.memory_space<vmem_shared>>) target(%dma_start3A_125 : memref<128x40xf32, #tpu.memory_space<vmem>>) offsets(%dma_start3A_128 : memref<128xi32, #tpu.memory_space<vmem>>) semaphore(%arg18 : memref<!tpu.dma_semaphore, #tpu.memory_space<semaphore_mem>>)
      %dma_start3A_132 = arith.constant 3 : i32
      %dma_start3A_133 = arith.constant 128 : i32
      %dma_start3A_134 = arith.constant 0 : i32
      %dma_start3A_135 = tpu.memref_slice %arg15[%dma_start3A_133, %dma_start3A_134] : memref<256x8xf32, #tpu.memory_space<vmem>> -> memref<128x8xf32, #tpu.memory_space<vmem>>
      %dma_start3A_136 = arith.constant 0 : i32
      %dma_start3A_137 = tpu.memref_slice %arg11[%dma_start3A_132, %dma_start3A_136] : memref<4x128xi32, #tpu.memory_space<vmem>> -> memref<1x128xi32, #tpu.memory_space<vmem>>
      %dma_start3A_138 = tpu.memref_squeeze %dma_start3A_137 : memref<1x128xi32, #tpu.memory_space<vmem>> -> memref<128xi32, #tpu.memory_space<vmem>>
      %dma_start3A_139 = arith.constant 0 : i32
      %dma_start3A_140 = arith.constant 0 : i32
      %dma_start3A_141 = tpu.memref_slice %arg9[%dma_start3A_139, %dma_start3A_140] : memref<10240x8xf32, #tpu.memory_space<vmem_shared>> -> memref<10240x8xf32, #tpu.memory_space<vmem_shared>>
      tpu.enqueue_indirect_dma source(%dma_start3A_141 : memref<10240x8xf32, #tpu.memory_space<vmem_shared>>) target(%dma_start3A_135 : memref<128x8xf32, #tpu.memory_space<vmem>>) offsets(%dma_start3A_138 : memref<128xi32, #tpu.memory_space<vmem>>) semaphore(%arg19 : memref<!tpu.dma_semaphore, #tpu.memory_space<semaphore_mem>>)
      %mul3A_142 = arith.constant 20992 : i32
      %mul3A_143 = arith.muli %arg1, %mul3A_142 : i32
      %mul3A_144 = arith.constant 256 : i32
      %mul3A_145 = arith.muli %add3A_94, %mul3A_144 : i32
      %add3A_146 = arith.addi %mul3A_143, %mul3A_145 : i32
      %scan3A_147 = arith.constant 0 : i32
      %scan3A_148 = arith.constant 0 : i32
      %scan3A_149 = arith.constant 16 : i32
      %scan3A_150 = arith.addi %scan3A_148, %scan3A_149 : i32
      %scan3A_151 = arith.constant 1 : i32
      scf.for %scan3A_375 = %scan3A_148 to %scan3A_150 step %scan3A_151  : i32 {
        %mul3A_376 = arith.constant 16 : i32
        %mul3A_377 = arith.muli %scan3A_375, %mul3A_376 : i32
        %add3A_378 = vector.broadcast %mul3A_377 : i32 to vector<16xi32>
        %add3A_379 = arith.addi %add3A_378, %iota3A : vector<16xi32>
        %mul3A_380 = arith.constant 16 : i32
        %mul3A_381 = arith.muli %scan3A_375, %mul3A_380 : i32
        %add3A_382 = arith.addi %add3A_146, %mul3A_381 : i32
        %add3A_383 = vector.broadcast %add3A_382 : i32 to vector<16xi32>
        %add3A_384 = arith.addi %add3A_383, %iota3A : vector<16xi32>
        %lt3A = arith.constant 330000 : i32
        %lt3A_385 = vector.broadcast %lt3A : i32 to vector<16xi32>
        %lt3A_386 = arith.cmpi slt, %add3A_384, %lt3A_385 : vector<16xi32>
        %jit3A = arith.constant 1.000000e+00 : f32
        %jit3A_387 = arith.constant 0.000000e+00 : f32
        %broadcast_in_dim3A = vector.broadcast %jit3A : f32 to vector<16xf32>
        %broadcast_in_dim3A_388 = vector.broadcast %jit3A_387 : f32 to vector<16xf32>
        %select_n3A = arith.select %lt3A_386, %broadcast_in_dim3A, %broadcast_in_dim3A_388 : vector<16xi1>, vector<16xf32>
        %broadcast_in_dim3A_389 = arith.constant 32 : i32
        %broadcast_in_dim3A_390 = vector.broadcast %broadcast_in_dim3A_389 : i32 to vector<16xi32>
        %gather3A = tpu.vector_load_idx %arg12[%add3A_379, %broadcast_in_dim3A_390] : memref<256x40xf32, #tpu.memory_space<vmem>>[vector<16xi32>, vector<16xi32>], vector<16xf32>,
        %broadcast_in_dim3A_391 = arith.constant 0 : i32
        %broadcast_in_dim3A_392 = vector.broadcast %broadcast_in_dim3A_391 : i32 to vector<16xi32>
        %gather3A_393 = tpu.vector_load_idx %arg14[%add3A_379, %broadcast_in_dim3A_392] : memref<256x8xf32, #tpu.memory_space<vmem>>[vector<16xi32>, vector<16xi32>], vector<16xf32>,
        %add3A_394 = arith.addf %gather3A, %gather3A_393 : vector<16xf32>
        %ge3A = arith.constant 0.000000e+00 : f32
        %ge3A_395 = vector.broadcast %ge3A : f32 to vector<16xf32>
        %ge3A_396 = arith.cmpf oge, %add3A_394, %ge3A_395 : vector<16xf32>
        %mul3A_397 = arith.constant 2.000000e-01 : f32
        %mul3A_398 = vector.broadcast %mul3A_397 : f32 to vector<16xf32>
        %mul3A_399 = arith.mulf %mul3A_398, %add3A_394 : vector<16xf32>
        %select_n3A_400 = arith.select %ge3A_396, %add3A_394, %mul3A_399 : vector<16xi1>, vector<16xf32>
        %exp3A = math.exp %select_n3A_400 : vector<16xf32>
        %mul3A_401 = arith.mulf %exp3A, %select_n3A : vector<16xf32>
        tpu.vector_store_idx %arg16[%add3A_379, %broadcast_in_dim3A_390], %mul3A_401 : memref<256x40xf32, #tpu.memory_space<vmem>>[vector<16xi32>, vector<16xi32>], vector<16xf32>,
        %broadcast_in_dim3A_402 = arith.constant 0 : i32
        %broadcast_in_dim3A_403 = vector.broadcast %broadcast_in_dim3A_402 : i32 to vector<16xi32>
        %gather3A_404 = tpu.vector_load_idx %arg12[%add3A_379, %broadcast_in_dim3A_403] : memref<256x40xf32, #tpu.memory_space<vmem>>[vector<16xi32>, vector<16xi32>], vector<16xf32>,
        %mul3A_405 = arith.mulf %mul3A_401, %gather3A_404 : vector<16xf32>
        tpu.vector_store_idx %arg16[%add3A_379, %broadcast_in_dim3A_403], %mul3A_405 : memref<256x40xf32, #tpu.memory_space<vmem>>[vector<16xi32>, vector<16xi32>], vector<16xf32>,
        %broadcast_in_dim3A_406 = arith.constant 1 : i32
        %broadcast_in_dim3A_407 = vector.broadcast %broadcast_in_dim3A_406 : i32 to vector<16xi32>
        %gather3A_408 = tpu.vector_load_idx %arg12[%add3A_379, %broadcast_in_dim3A_407] : memref<256x40xf32, #tpu.memory_space<vmem>>[vector<16xi32>, vector<16xi32>], vector<16xf32>,
        %mul3A_409 = arith.mulf %mul3A_401, %gather3A_408 : vector<16xf32>
        tpu.vector_store_idx %arg16[%add3A_379, %broadcast_in_dim3A_407], %mul3A_409 : memref<256x40xf32, #tpu.memory_space<vmem>>[vector<16xi32>, vector<16xi32>], vector<16xf32>,
        %broadcast_in_dim3A_410 = arith.constant 2 : i32
        %broadcast_in_dim3A_411 = vector.broadcast %broadcast_in_dim3A_410 : i32 to vector<16xi32>
        %gather3A_412 = tpu.vector_load_idx %arg12[%add3A_379, %broadcast_in_dim3A_411] : memref<256x40xf32, #tpu.memory_space<vmem>>[vector<16xi32>, vector<16xi32>], vector<16xf32>,
        %mul3A_413 = arith.mulf %mul3A_401, %gather3A_412 : vector<16xf32>
        tpu.vector_store_idx %arg16[%add3A_379, %broadcast_in_dim3A_411], %mul3A_413 : memref<256x40xf32, #tpu.memory_space<vmem>>[vector<16xi32>, vector<16xi32>], vector<16xf32>,
        %broadcast_in_dim3A_414 = arith.constant 3 : i32
        %broadcast_in_dim3A_415 = vector.broadcast %broadcast_in_dim3A_414 : i32 to vector<16xi32>
        %gather3A_416 = tpu.vector_load_idx %arg12[%add3A_379, %broadcast_in_dim3A_415] : memref<256x40xf32, #tpu.memory_space<vmem>>[vector<16xi32>, vector<16xi32>], vector<16xf32>,
        %mul3A_417 = arith.mulf %mul3A_401, %gather3A_416 : vector<16xf32>
        tpu.vector_store_idx %arg16[%add3A_379, %broadcast_in_dim3A_415], %mul3A_417 : memref<256x40xf32, #tpu.memory_space<vmem>>[vector<16xi32>, vector<16xi32>], vector<16xf32>,
        %broadcast_in_dim3A_418 = arith.constant 4 : i32
        %broadcast_in_dim3A_419 = vector.broadcast %broadcast_in_dim3A_418 : i32 to vector<16xi32>
        %gather3A_420 = tpu.vector_load_idx %arg12[%add3A_379, %broadcast_in_dim3A_419] : memref<256x40xf32, #tpu.memory_space<vmem>>[vector<16xi32>, vector<16xi32>], vector<16xf32>,
        %mul3A_421 = arith.mulf %mul3A_401, %gather3A_420 : vector<16xf32>
        tpu.vector_store_idx %arg16[%add3A_379, %broadcast_in_dim3A_419], %mul3A_421 : memref<256x40xf32, #tpu.memory_space<vmem>>[vector<16xi32>, vector<16xi32>], vector<16xf32>,
        %broadcast_in_dim3A_422 = arith.constant 5 : i32
        %broadcast_in_dim3A_423 = vector.broadcast %broadcast_in_dim3A_422 : i32 to vector<16xi32>
        %gather3A_424 = tpu.vector_load_idx %arg12[%add3A_379, %broadcast_in_dim3A_423] : memref<256x40xf32, #tpu.memory_space<vmem>>[vector<16xi32>, vector<16xi32>], vector<16xf32>,
        %mul3A_425 = arith.mulf %mul3A_401, %gather3A_424 : vector<16xf32>
        tpu.vector_store_idx %arg16[%add3A_379, %broadcast_in_dim3A_423], %mul3A_425 : memref<256x40xf32, #tpu.memory_space<vmem>>[vector<16xi32>, vector<16xi32>], vector<16xf32>,
        %broadcast_in_dim3A_426 = arith.constant 6 : i32
        %broadcast_in_dim3A_427 = vector.broadcast %broadcast_in_dim3A_426 : i32 to vector<16xi32>
        %gather3A_428 = tpu.vector_load_idx %arg12[%add3A_379, %broadcast_in_dim3A_427] : memref<256x40xf32, #tpu.memory_space<vmem>>[vector<16xi32>, vector<16xi32>], vector<16xf32>,
        %mul3A_429 = arith.mulf %mul3A_401, %gather3A_428 : vector<16xf32>
        tpu.vector_store_idx %arg16[%add3A_379, %broadcast_in_dim3A_427], %mul3A_429 : memref<256x40xf32, #tpu.memory_space<vmem>>[vector<16xi32>, vector<16xi32>], vector<16xf32>,
        %broadcast_in_dim3A_430 = arith.constant 7 : i32
        %broadcast_in_dim3A_431 = vector.broadcast %broadcast_in_dim3A_430 : i32 to vector<16xi32>
        %gather3A_432 = tpu.vector_load_idx %arg12[%add3A_379, %broadcast_in_dim3A_431] : memref<256x40xf32, #tpu.memory_space<vmem>>[vector<16xi32>, vector<16xi32>], vector<16xf32>,
        %mul3A_433 = arith.mulf %mul3A_401, %gather3A_432 : vector<16xf32>
        tpu.vector_store_idx %arg16[%add3A_379, %broadcast_in_dim3A_431], %mul3A_433 : memref<256x40xf32, #tpu.memory_space<vmem>>[vector<16xi32>, vector<16xi32>], vector<16xf32>,
        %broadcast_in_dim3A_434 = arith.constant 33 : i32
        %broadcast_in_dim3A_435 = vector.broadcast %broadcast_in_dim3A_434 : i32 to vector<16xi32>
        %gather3A_436 = tpu.vector_load_idx %arg12[%add3A_379, %broadcast_in_dim3A_435] : memref<256x40xf32, #tpu.memory_space<vmem>>[vector<16xi32>, vector<16xi32>], vector<16xf32>,
        %broadcast_in_dim3A_437 = arith.constant 1 : i32
        %broadcast_in_dim3A_438 = vector.broadcast %broadcast_in_dim3A_437 : i32 to vector<16xi32>
        %gather3A_439 = tpu.vector_load_idx %arg14[%add3A_379, %broadcast_in_dim3A_438] : memref<256x8xf32, #tpu.memory_space<vmem>>[vector<16xi32>, vector<16xi32>], vector<16xf32>,
        %add3A_440 = arith.addf %gather3A_436, %gather3A_439 : vector<16xf32>
        %ge3A_441 = arith.constant 0.000000e+00 : f32
        %ge3A_442 = vector.broadcast %ge3A_441 : f32 to vector<16xf32>
        %ge3A_443 = arith.cmpf oge, %add3A_440, %ge3A_442 : vector<16xf32>
        %mul3A_444 = arith.constant 2.000000e-01 : f32
        %mul3A_445 = vector.broadcast %mul3A_444 : f32 to vector<16xf32>
        %mul3A_446 = arith.mulf %mul3A_445, %add3A_440 : vector<16xf32>
        %select_n3A_447 = arith.select %ge3A_443, %add3A_440, %mul3A_446 : vector<16xi1>, vector<16xf32>
        %exp3A_448 = math.exp %select_n3A_447 : vector<16xf32>
        %mul3A_449 = arith.mulf %exp3A_448, %select_n3A : vector<16xf32>
        tpu.vector_store_idx %arg16[%add3A_379, %broadcast_in_dim3A_435], %mul3A_449 : memref<256x40xf32, #tpu.memory_space<vmem>>[vector<16xi32>, vector<16xi32>], vector<16xf32>,
        %broadcast_in_dim3A_450 = arith.constant 8 : i32
        %broadcast_in_dim3A_451 = vector.broadcast %broadcast_in_dim3A_450 : i32 to vector<16xi32>
        %gather3A_452 = tpu.vector_load_idx %arg12[%add3A_379, %broadcast_in_dim3A_451] : memref<256x40xf32, #tpu.memory_space<vmem>>[vector<16xi32>, vector<16xi32>], vector<16xf32>,
        %mul3A_453 = arith.mulf %mul3A_449, %gather3A_452 : vector<16xf32>
        tpu.vector_store_idx %arg16[%add3A_379, %broadcast_in_dim3A_451], %mul3A_453 : memref<256x40xf32, #tpu.memory_space<vmem>>[vector<16xi32>, vector<16xi32>], vector<16xf32>,
        %broadcast_in_dim3A_454 = arith.constant 9 : i32
        %broadcast_in_dim3A_455 = vector.broadcast %broadcast_in_dim3A_454 : i32 to vector<16xi32>
        %gather3A_456 = tpu.vector_load_idx %arg12[%add3A_379, %broadcast_in_dim3A_455] : memref<256x40xf32, #tpu.memory_space<vmem>>[vector<16xi32>, vector<16xi32>], vector<16xf32>,
        %mul3A_457 = arith.mulf %mul3A_449, %gather3A_456 : vector<16xf32>
        tpu.vector_store_idx %arg16[%add3A_379, %broadcast_in_dim3A_455], %mul3A_457 : memref<256x40xf32, #tpu.memory_space<vmem>>[vector<16xi32>, vector<16xi32>], vector<16xf32>,
        %broadcast_in_dim3A_458 = arith.constant 10 : i32
        %broadcast_in_dim3A_459 = vector.broadcast %broadcast_in_dim3A_458 : i32 to vector<16xi32>
        %gather3A_460 = tpu.vector_load_idx %arg12[%add3A_379, %broadcast_in_dim3A_459] : memref<256x40xf32, #tpu.memory_space<vmem>>[vector<16xi32>, vector<16xi32>], vector<16xf32>,
        %mul3A_461 = arith.mulf %mul3A_449, %gather3A_460 : vector<16xf32>
        tpu.vector_store_idx %arg16[%add3A_379, %broadcast_in_dim3A_459], %mul3A_461 : memref<256x40xf32, #tpu.memory_space<vmem>>[vector<16xi32>, vector<16xi32>], vector<16xf32>,
        %broadcast_in_dim3A_462 = arith.constant 11 : i32
        %broadcast_in_dim3A_463 = vector.broadcast %broadcast_in_dim3A_462 : i32 to vector<16xi32>
        %gather3A_464 = tpu.vector_load_idx %arg12[%add3A_379, %broadcast_in_dim3A_463] : memref<256x40xf32, #tpu.memory_space<vmem>>[vector<16xi32>, vector<16xi32>], vector<16xf32>,
        %mul3A_465 = arith.mulf %mul3A_449, %gather3A_464 : vector<16xf32>
        tpu.vector_store_idx %arg16[%add3A_379, %broadcast_in_dim3A_463], %mul3A_465 : memref<256x40xf32, #tpu.memory_space<vmem>>[vector<16xi32>, vector<16xi32>], vector<16xf32>,
        %broadcast_in_dim3A_466 = arith.constant 12 : i32
        %broadcast_in_dim3A_467 = vector.broadcast %broadcast_in_dim3A_466 : i32 to vector<16xi32>
        %gather3A_468 = tpu.vector_load_idx %arg12[%add3A_379, %broadcast_in_dim3A_467] : memref<256x40xf32, #tpu.memory_space<vmem>>[vector<16xi32>, vector<16xi32>], vector<16xf32>,
        %mul3A_469 = arith.mulf %mul3A_449, %gather3A_468 : vector<16xf32>
        tpu.vector_store_idx %arg16[%add3A_379, %broadcast_in_dim3A_467], %mul3A_469 : memref<256x40xf32, #tpu.memory_space<vmem>>[vector<16xi32>, vector<16xi32>], vector<16xf32>,
        %broadcast_in_dim3A_470 = arith.constant 13 : i32
        %broadcast_in_dim3A_471 = vector.broadcast %broadcast_in_dim3A_470 : i32 to vector<16xi32>
        %gather3A_472 = tpu.vector_load_idx %arg12[%add3A_379, %broadcast_in_dim3A_471] : memref<256x40xf32, #tpu.memory_space<vmem>>[vector<16xi32>, vector<16xi32>], vector<16xf32>,
        %mul3A_473 = arith.mulf %mul3A_449, %gather3A_472 : vector<16xf32>
        tpu.vector_store_idx %arg16[%add3A_379, %broadcast_in_dim3A_471], %mul3A_473 : memref<256x40xf32, #tpu.memory_space<vmem>>[vector<16xi32>, vector<16xi32>], vector<16xf32>,
        %broadcast_in_dim3A_474 = arith.constant 14 : i32
        %broadcast_in_dim3A_475 = vector.broadcast %broadcast_in_dim3A_474 : i32 to vector<16xi32>
        %gather3A_476 = tpu.vector_load_idx %arg12[%add3A_379, %broadcast_in_dim3A_475] : memref<256x40xf32, #tpu.memory_space<vmem>>[vector<16xi32>, vector<16xi32>], vector<16xf32>,
        %mul3A_477 = arith.mulf %mul3A_449, %gather3A_476 : vector<16xf32>
        tpu.vector_store_idx %arg16[%add3A_379, %broadcast_in_dim3A_475], %mul3A_477 : memref<256x40xf32, #tpu.memory_space<vmem>>[vector<16xi32>, vector<16xi32>], vector<16xf32>,
        %broadcast_in_dim3A_478 = arith.constant 15 : i32
        %broadcast_in_dim3A_479 = vector.broadcast %broadcast_in_dim3A_478 : i32 to vector<16xi32>
        %gather3A_480 = tpu.vector_load_idx %arg12[%add3A_379, %broadcast_in_dim3A_479] : memref<256x40xf32, #tpu.memory_space<vmem>>[vector<16xi32>, vector<16xi32>], vector<16xf32>,
        %mul3A_481 = arith.mulf %mul3A_449, %gather3A_480 : vector<16xf32>
        tpu.vector_store_idx %arg16[%add3A_379, %broadcast_in_dim3A_479], %mul3A_481 : memref<256x40xf32, #tpu.memory_space<vmem>>[vector<16xi32>, vector<16xi32>], vector<16xf32>,
        %broadcast_in_dim3A_482 = arith.constant 34 : i32
        %broadcast_in_dim3A_483 = vector.broadcast %broadcast_in_dim3A_482 : i32 to vector<16xi32>
        %gather3A_484 = tpu.vector_load_idx %arg12[%add3A_379, %broadcast_in_dim3A_483] : memref<256x40xf32, #tpu.memory_space<vmem>>[vector<16xi32>, vector<16xi32>], vector<16xf32>,
        %broadcast_in_dim3A_485 = arith.constant 2 : i32
        %broadcast_in_dim3A_486 = vector.broadcast %broadcast_in_dim3A_485 : i32 to vector<16xi32>
        %gather3A_487 = tpu.vector_load_idx %arg14[%add3A_379, %broadcast_in_dim3A_486] : memref<256x8xf32, #tpu.memory_space<vmem>>[vector<16xi32>, vector<16xi32>], vector<16xf32>,
        %add3A_488 = arith.addf %gather3A_484, %gather3A_487 : vector<16xf32>
        %ge3A_489 = arith.constant 0.000000e+00 : f32
        %ge3A_490 = vector.broadcast %ge3A_489 : f32 to vector<16xf32>
        %ge3A_491 = arith.cmpf oge, %add3A_488, %ge3A_490 : vector<16xf32>
        %mul3A_492 = arith.constant 2.000000e-01 : f32
        %mul3A_493 = vector.broadcast %mul3A_492 : f32 to vector<16xf32>
        %mul3A_494 = arith.mulf %mul3A_493, %add3A_488 : vector<16xf32>
        %select_n3A_495 = arith.select %ge3A_491, %add3A_488, %mul3A_494 : vector<16xi1>, vector<16xf32>
        %exp3A_496 = math.exp %select_n3A_495 : vector<16xf32>
        %mul3A_497 = arith.mulf %exp3A_496, %select_n3A : vector<16xf32>
        tpu.vector_store_idx %arg16[%add3A_379, %broadcast_in_dim3A_483], %mul3A_497 : memref<256x40xf32, #tpu.memory_space<vmem>>[vector<16xi32>, vector<16xi32>], vector<16xf32>,
        %broadcast_in_dim3A_498 = arith.constant 16 : i32
        %broadcast_in_dim3A_499 = vector.broadcast %broadcast_in_dim3A_498 : i32 to vector<16xi32>
        %gather3A_500 = tpu.vector_load_idx %arg12[%add3A_379, %broadcast_in_dim3A_499] : memref<256x40xf32, #tpu.memory_space<vmem>>[vector<16xi32>, vector<16xi32>], vector<16xf32>,
        %mul3A_501 = arith.mulf %mul3A_497, %gather3A_500 : vector<16xf32>
        tpu.vector_store_idx %arg16[%add3A_379, %broadcast_in_dim3A_499], %mul3A_501 : memref<256x40xf32, #tpu.memory_space<vmem>>[vector<16xi32>, vector<16xi32>], vector<16xf32>,
        %broadcast_in_dim3A_502 = arith.constant 17 : i32
        %broadcast_in_dim3A_503 = vector.broadcast %broadcast_in_dim3A_502 : i32 to vector<16xi32>
        %gather3A_504 = tpu.vector_load_idx %arg12[%add3A_379, %broadcast_in_dim3A_503] : memref<256x40xf32, #tpu.memory_space<vmem>>[vector<16xi32>, vector<16xi32>], vector<16xf32>,
        %mul3A_505 = arith.mulf %mul3A_497, %gather3A_504 : vector<16xf32>
        tpu.vector_store_idx %arg16[%add3A_379, %broadcast_in_dim3A_503], %mul3A_505 : memref<256x40xf32, #tpu.memory_space<vmem>>[vector<16xi32>, vector<16xi32>], vector<16xf32>,
        %broadcast_in_dim3A_506 = arith.constant 18 : i32
        %broadcast_in_dim3A_507 = vector.broadcast %broadcast_in_dim3A_506 : i32 to vector<16xi32>
        %gather3A_508 = tpu.vector_load_idx %arg12[%add3A_379, %broadcast_in_dim3A_507] : memref<256x40xf32, #tpu.memory_space<vmem>>[vector<16xi32>, vector<16xi32>], vector<16xf32>,
        %mul3A_509 = arith.mulf %mul3A_497, %gather3A_508 : vector<16xf32>
        tpu.vector_store_idx %arg16[%add3A_379, %broadcast_in_dim3A_507], %mul3A_509 : memref<256x40xf32, #tpu.memory_space<vmem>>[vector<16xi32>, vector<16xi32>], vector<16xf32>,
        %broadcast_in_dim3A_510 = arith.constant 19 : i32
        %broadcast_in_dim3A_511 = vector.broadcast %broadcast_in_dim3A_510 : i32 to vector<16xi32>
        %gather3A_512 = tpu.vector_load_idx %arg12[%add3A_379, %broadcast_in_dim3A_511] : memref<256x40xf32, #tpu.memory_space<vmem>>[vector<16xi32>, vector<16xi32>], vector<16xf32>,
        %mul3A_513 = arith.mulf %mul3A_497, %gather3A_512 : vector<16xf32>
        tpu.vector_store_idx %arg16[%add3A_379, %broadcast_in_dim3A_511], %mul3A_513 : memref<256x40xf32, #tpu.memory_space<vmem>>[vector<16xi32>, vector<16xi32>], vector<16xf32>,
        %broadcast_in_dim3A_514 = arith.constant 20 : i32
        %broadcast_in_dim3A_515 = vector.broadcast %broadcast_in_dim3A_514 : i32 to vector<16xi32>
        %gather3A_516 = tpu.vector_load_idx %arg12[%add3A_379, %broadcast_in_dim3A_515] : memref<256x40xf32, #tpu.memory_space<vmem>>[vector<16xi32>, vector<16xi32>], vector<16xf32>,
        %mul3A_517 = arith.mulf %mul3A_497, %gather3A_516 : vector<16xf32>
        tpu.vector_store_idx %arg16[%add3A_379, %broadcast_in_dim3A_515], %mul3A_517 : memref<256x40xf32, #tpu.memory_space<vmem>>[vector<16xi32>, vector<16xi32>], vector<16xf32>,
        %broadcast_in_dim3A_518 = arith.constant 21 : i32
        %broadcast_in_dim3A_519 = vector.broadcast %broadcast_in_dim3A_518 : i32 to vector<16xi32>
        %gather3A_520 = tpu.vector_load_idx %arg12[%add3A_379, %broadcast_in_dim3A_519] : memref<256x40xf32, #tpu.memory_space<vmem>>[vector<16xi32>, vector<16xi32>], vector<16xf32>,
        %mul3A_521 = arith.mulf %mul3A_497, %gather3A_520 : vector<16xf32>
        tpu.vector_store_idx %arg16[%add3A_379, %broadcast_in_dim3A_519], %mul3A_521 : memref<256x40xf32, #tpu.memory_space<vmem>>[vector<16xi32>, vector<16xi32>], vector<16xf32>,
        %broadcast_in_dim3A_522 = arith.constant 22 : i32
        %broadcast_in_dim3A_523 = vector.broadcast %broadcast_in_dim3A_522 : i32 to vector<16xi32>
        %gather3A_524 = tpu.vector_load_idx %arg12[%add3A_379, %broadcast_in_dim3A_523] : memref<256x40xf32, #tpu.memory_space<vmem>>[vector<16xi32>, vector<16xi32>], vector<16xf32>,
        %mul3A_525 = arith.mulf %mul3A_497, %gather3A_524 : vector<16xf32>
        tpu.vector_store_idx %arg16[%add3A_379, %broadcast_in_dim3A_523], %mul3A_525 : memref<256x40xf32, #tpu.memory_space<vmem>>[vector<16xi32>, vector<16xi32>], vector<16xf32>,
        %broadcast_in_dim3A_526 = arith.constant 23 : i32
        %broadcast_in_dim3A_527 = vector.broadcast %broadcast_in_dim3A_526 : i32 to vector<16xi32>
        %gather3A_528 = tpu.vector_load_idx %arg12[%add3A_379, %broadcast_in_dim3A_527] : memref<256x40xf32, #tpu.memory_space<vmem>>[vector<16xi32>, vector<16xi32>], vector<16xf32>,
        %mul3A_529 = arith.mulf %mul3A_497, %gather3A_528 : vector<16xf32>
        tpu.vector_store_idx %arg16[%add3A_379, %broadcast_in_dim3A_527], %mul3A_529 : memref<256x40xf32, #tpu.memory_space<vmem>>[vector<16xi32>, vector<16xi32>], vector<16xf32>,
        %broadcast_in_dim3A_530 = arith.constant 35 : i32
        %broadcast_in_dim3A_531 = vector.broadcast %broadcast_in_dim3A_530 : i32 to vector<16xi32>
        %gather3A_532 = tpu.vector_load_idx %arg12[%add3A_379, %broadcast_in_dim3A_531] : memref<256x40xf32, #tpu.memory_space<vmem>>[vector<16xi32>, vector<16xi32>], vector<16xf32>,
        %broadcast_in_dim3A_533 = arith.constant 3 : i32
        %broadcast_in_dim3A_534 = vector.broadcast %broadcast_in_dim3A_533 : i32 to vector<16xi32>
        %gather3A_535 = tpu.vector_load_idx %arg14[%add3A_379, %broadcast_in_dim3A_534] : memref<256x8xf32, #tpu.memory_space<vmem>>[vector<16xi32>, vector<16xi32>], vector<16xf32>,
        %add3A_536 = arith.addf %gather3A_532, %gather3A_535 : vector<16xf32>
        %ge3A_537 = arith.constant 0.000000e+00 : f32
        %ge3A_538 = vector.broadcast %ge3A_537 : f32 to vector<16xf32>
        %ge3A_539 = arith.cmpf oge, %add3A_536, %ge3A_538 : vector<16xf32>
        %mul3A_540 = arith.constant 2.000000e-01 : f32
        %mul3A_541 = vector.broadcast %mul3A_540 : f32 to vector<16xf32>
        %mul3A_542 = arith.mulf %mul3A_541, %add3A_536 : vector<16xf32>
        %select_n3A_543 = arith.select %ge3A_539, %add3A_536, %mul3A_542 : vector<16xi1>, vector<16xf32>
        %exp3A_544 = math.exp %select_n3A_543 : vector<16xf32>
        %mul3A_545 = arith.mulf %exp3A_544, %select_n3A : vector<16xf32>
        tpu.vector_store_idx %arg16[%add3A_379, %broadcast_in_dim3A_531], %mul3A_545 : memref<256x40xf32, #tpu.memory_space<vmem>>[vector<16xi32>, vector<16xi32>], vector<16xf32>,
        %broadcast_in_dim3A_546 = arith.constant 24 : i32
        %broadcast_in_dim3A_547 = vector.broadcast %broadcast_in_dim3A_546 : i32 to vector<16xi32>
        %gather3A_548 = tpu.vector_load_idx %arg12[%add3A_379, %broadcast_in_dim3A_547] : memref<256x40xf32, #tpu.memory_space<vmem>>[vector<16xi32>, vector<16xi32>], vector<16xf32>,
        %mul3A_549 = arith.mulf %mul3A_545, %gather3A_548 : vector<16xf32>
        tpu.vector_store_idx %arg16[%add3A_379, %broadcast_in_dim3A_547], %mul3A_549 : memref<256x40xf32, #tpu.memory_space<vmem>>[vector<16xi32>, vector<16xi32>], vector<16xf32>,
        %broadcast_in_dim3A_550 = arith.constant 25 : i32
        %broadcast_in_dim3A_551 = vector.broadcast %broadcast_in_dim3A_550 : i32 to vector<16xi32>
        %gather3A_552 = tpu.vector_load_idx %arg12[%add3A_379, %broadcast_in_dim3A_551] : memref<256x40xf32, #tpu.memory_space<vmem>>[vector<16xi32>, vector<16xi32>], vector<16xf32>,
        %mul3A_553 = arith.mulf %mul3A_545, %gather3A_552 : vector<16xf32>
        tpu.vector_store_idx %arg16[%add3A_379, %broadcast_in_dim3A_551], %mul3A_553 : memref<256x40xf32, #tpu.memory_space<vmem>>[vector<16xi32>, vector<16xi32>], vector<16xf32>,
        %broadcast_in_dim3A_554 = arith.constant 26 : i32
        %broadcast_in_dim3A_555 = vector.broadcast %broadcast_in_dim3A_554 : i32 to vector<16xi32>
        %gather3A_556 = tpu.vector_load_idx %arg12[%add3A_379, %broadcast_in_dim3A_555] : memref<256x40xf32, #tpu.memory_space<vmem>>[vector<16xi32>, vector<16xi32>], vector<16xf32>,
        %mul3A_557 = arith.mulf %mul3A_545, %gather3A_556 : vector<16xf32>
        tpu.vector_store_idx %arg16[%add3A_379, %broadcast_in_dim3A_555], %mul3A_557 : memref<256x40xf32, #tpu.memory_space<vmem>>[vector<16xi32>, vector<16xi32>], vector<16xf32>,
        %broadcast_in_dim3A_558 = arith.constant 27 : i32
        %broadcast_in_dim3A_559 = vector.broadcast %broadcast_in_dim3A_558 : i32 to vector<16xi32>
        %gather3A_560 = tpu.vector_load_idx %arg12[%add3A_379, %broadcast_in_dim3A_559] : memref<256x40xf32, #tpu.memory_space<vmem>>[vector<16xi32>, vector<16xi32>], vector<16xf32>,
        %mul3A_561 = arith.mulf %mul3A_545, %gather3A_560 : vector<16xf32>
        tpu.vector_store_idx %arg16[%add3A_379, %broadcast_in_dim3A_559], %mul3A_561 : memref<256x40xf32, #tpu.memory_space<vmem>>[vector<16xi32>, vector<16xi32>], vector<16xf32>,
        %broadcast_in_dim3A_562 = arith.constant 28 : i32
        %broadcast_in_dim3A_563 = vector.broadcast %broadcast_in_dim3A_562 : i32 to vector<16xi32>
        %gather3A_564 = tpu.vector_load_idx %arg12[%add3A_379, %broadcast_in_dim3A_563] : memref<256x40xf32, #tpu.memory_space<vmem>>[vector<16xi32>, vector<16xi32>], vector<16xf32>,
        %mul3A_565 = arith.mulf %mul3A_545, %gather3A_564 : vector<16xf32>
        tpu.vector_store_idx %arg16[%add3A_379, %broadcast_in_dim3A_563], %mul3A_565 : memref<256x40xf32, #tpu.memory_space<vmem>>[vector<16xi32>, vector<16xi32>], vector<16xf32>,
        %broadcast_in_dim3A_566 = arith.constant 29 : i32
        %broadcast_in_dim3A_567 = vector.broadcast %broadcast_in_dim3A_566 : i32 to vector<16xi32>
        %gather3A_568 = tpu.vector_load_idx %arg12[%add3A_379, %broadcast_in_dim3A_567] : memref<256x40xf32, #tpu.memory_space<vmem>>[vector<16xi32>, vector<16xi32>], vector<16xf32>,
        %mul3A_569 = arith.mulf %mul3A_545, %gather3A_568 : vector<16xf32>
        tpu.vector_store_idx %arg16[%add3A_379, %broadcast_in_dim3A_567], %mul3A_569 : memref<256x40xf32, #tpu.memory_space<vmem>>[vector<16xi32>, vector<16xi32>], vector<16xf32>,
        %broadcast_in_dim3A_570 = arith.constant 30 : i32
        %broadcast_in_dim3A_571 = vector.broadcast %broadcast_in_dim3A_570 : i32 to vector<16xi32>
        %gather3A_572 = tpu.vector_load_idx %arg12[%add3A_379, %broadcast_in_dim3A_571] : memref<256x40xf32, #tpu.memory_space<vmem>>[vector<16xi32>, vector<16xi32>], vector<16xf32>,
        %mul3A_573 = arith.mulf %mul3A_545, %gather3A_572 : vector<16xf32>
        tpu.vector_store_idx %arg16[%add3A_379, %broadcast_in_dim3A_571], %mul3A_573 : memref<256x40xf32, #tpu.memory_space<vmem>>[vector<16xi32>, vector<16xi32>], vector<16xf32>,
        %broadcast_in_dim3A_574 = arith.constant 31 : i32
        %broadcast_in_dim3A_575 = vector.broadcast %broadcast_in_dim3A_574 : i32 to vector<16xi32>
        %gather3A_576 = tpu.vector_load_idx %arg12[%add3A_379, %broadcast_in_dim3A_575] : memref<256x40xf32, #tpu.memory_space<vmem>>[vector<16xi32>, vector<16xi32>], vector<16xf32>,
        %mul3A_577 = arith.mulf %mul3A_545, %gather3A_576 : vector<16xf32>
        tpu.vector_store_idx %arg16[%add3A_379, %broadcast_in_dim3A_575], %mul3A_577 : memref<256x40xf32, #tpu.memory_space<vmem>>[vector<16xi32>, vector<16xi32>], vector<16xf32>,
      }
      %scan3A_152 = arith.constant 16 : i32
      %dma_start3A_153 = arith.constant 2 : i32
      %dma_start3A_154 = arith.constant 0 : i32
      %dma_start3A_155 = arith.constant 0 : i32
      %dma_start3A_156 = tpu.memref_slice %arg16[%dma_start3A_154, %dma_start3A_155] : memref<256x40xf32, #tpu.memory_space<vmem>> -> memref<128x40xf32, #tpu.memory_space<vmem>>
      %dma_start3A_157 = arith.constant 0 : i32
      %dma_start3A_158 = tpu.memref_slice %arg10[%dma_start3A_153, %dma_start3A_157] : memref<4x128xi32, #tpu.memory_space<vmem>> -> memref<1x128xi32, #tpu.memory_space<vmem>>
      %dma_start3A_159 = tpu.memref_squeeze %dma_start3A_158 : memref<1x128xi32, #tpu.memory_space<vmem>> -> memref<128xi32, #tpu.memory_space<vmem>>
      %dma_start3A_160 = arith.constant 0 : i32
      %dma_start3A_161 = arith.constant 0 : i32
      %dma_start3A_162 = tpu.memref_slice %arg7[%dma_start3A_160, %dma_start3A_161] : memref<10240x40xf32, #tpu.memory_space<vmem_shared>> -> memref<10240x40xf32, #tpu.memory_space<vmem_shared>>
      tpu.enqueue_indirect_dma source(%dma_start3A_156 : memref<128x40xf32, #tpu.memory_space<vmem>>) target(%dma_start3A_162 : memref<10240x40xf32, #tpu.memory_space<vmem_shared>>) offsets(%dma_start3A_159 : memref<128xi32, #tpu.memory_space<vmem>>) semaphore(%arg20 : memref<!tpu.dma_semaphore, #tpu.memory_space<semaphore_mem>>) {add = true}
      %dma_start3A_163 = arith.constant 3 : i32
      %dma_start3A_164 = arith.constant 128 : i32
      %dma_start3A_165 = arith.constant 0 : i32
      %dma_start3A_166 = tpu.memref_slice %arg16[%dma_start3A_164, %dma_start3A_165] : memref<256x40xf32, #tpu.memory_space<vmem>> -> memref<128x40xf32, #tpu.memory_space<vmem>>
      %dma_start3A_167 = arith.constant 0 : i32
      %dma_start3A_168 = tpu.memref_slice %arg10[%dma_start3A_163, %dma_start3A_167] : memref<4x128xi32, #tpu.memory_space<vmem>> -> memref<1x128xi32, #tpu.memory_space<vmem>>
      %dma_start3A_169 = tpu.memref_squeeze %dma_start3A_168 : memref<1x128xi32, #tpu.memory_space<vmem>> -> memref<128xi32, #tpu.memory_space<vmem>>
      %dma_start3A_170 = arith.constant 0 : i32
      %dma_start3A_171 = arith.constant 0 : i32
      %dma_start3A_172 = tpu.memref_slice %arg7[%dma_start3A_170, %dma_start3A_171] : memref<10240x40xf32, #tpu.memory_space<vmem_shared>> -> memref<10240x40xf32, #tpu.memory_space<vmem_shared>>
      tpu.enqueue_indirect_dma source(%dma_start3A_166 : memref<128x40xf32, #tpu.memory_space<vmem>>) target(%dma_start3A_172 : memref<10240x40xf32, #tpu.memory_space<vmem_shared>>) offsets(%dma_start3A_169 : memref<128xi32, #tpu.memory_space<vmem>>) semaphore(%arg20 : memref<!tpu.dma_semaphore, #tpu.memory_space<semaphore_mem>>) {add = true}
      %dma_wait3A_173 = arith.constant 0 : i32
      %dma_wait3A_174 = arith.constant 0 : i32
      %dma_wait3A_175 = arith.constant 0 : i32
      %dma_wait3A_176 = tpu.memref_slice %arg13[%dma_wait3A_174, %dma_wait3A_175] : memref<256x40xf32, #tpu.memory_space<vmem>> -> memref<128x40xf32, #tpu.memory_space<vmem>>
      %dma_wait3A_177 = arith.constant 0 : i32
      %dma_wait3A_178 = tpu.memref_slice %arg11[%dma_wait3A_173, %dma_wait3A_177] : memref<4x128xi32, #tpu.memory_space<vmem>> -> memref<1x128xi32, #tpu.memory_space<vmem>>
      %dma_wait3A_179 = tpu.memref_squeeze %dma_wait3A_178 : memref<1x128xi32, #tpu.memory_space<vmem>> -> memref<128xi32, #tpu.memory_space<vmem>>
      %dma_wait3A_180 = arith.constant 0 : i32
      %dma_wait3A_181 = arith.constant 0 : i32
      %dma_wait3A_182 = tpu.memref_slice %arg8[%dma_wait3A_180, %dma_wait3A_181] : memref<10240x40xf32, #tpu.memory_space<vmem_shared>> -> memref<10240x40xf32, #tpu.memory_space<vmem_shared>>
      tpu.wait_indirect_dma semaphore(%arg18 : memref<!tpu.dma_semaphore, #tpu.memory_space<semaphore_mem>>) src(%dma_wait3A_182 : memref<10240x40xf32, #tpu.memory_space<vmem_shared>>) dst(%dma_wait3A_176 : memref<128x40xf32, #tpu.memory_space<vmem>>)
      %dma_wait3A_183 = arith.constant 2 : i32
      %dma_wait3A_184 = arith.constant 0 : i32
      %dma_wait3A_185 = arith.constant 0 : i32
      %dma_wait3A_186 = tpu.memref_slice %arg15[%dma_wait3A_184, %dma_wait3A_185] : memref<256x8xf32, #tpu.memory_space<vmem>> -> memref<128x8xf32, #tpu.memory_space<vmem>>
      %dma_wait3A_187 = arith.constant 0 : i32
      %dma_wait3A_188 = tpu.memref_slice %arg11[%dma_wait3A_183, %dma_wait3A_187] : memref<4x128xi32, #tpu.memory_space<vmem>> -> memref<1x128xi32, #tpu.memory_space<vmem>>
      %dma_wait3A_189 = tpu.memref_squeeze %dma_wait3A_188 : memref<1x128xi32, #tpu.memory_space<vmem>> -> memref<128xi32, #tpu.memory_space<vmem>>
      %dma_wait3A_190 = arith.constant 0 : i32
      %dma_wait3A_191 = arith.constant 0 : i32
      %dma_wait3A_192 = tpu.memref_slice %arg9[%dma_wait3A_190, %dma_wait3A_191] : memref<10240x8xf32, #tpu.memory_space<vmem_shared>> -> memref<10240x8xf32, #tpu.memory_space<vmem_shared>>
      tpu.wait_indirect_dma semaphore(%arg19 : memref<!tpu.dma_semaphore, #tpu.memory_space<semaphore_mem>>) src(%dma_wait3A_192 : memref<10240x8xf32, #tpu.memory_space<vmem_shared>>) dst(%dma_wait3A_186 : memref<128x8xf32, #tpu.memory_space<vmem>>)
      %dma_wait3A_193 = arith.constant 1 : i32
      %dma_wait3A_194 = arith.constant 128 : i32
      %dma_wait3A_195 = arith.constant 0 : i32
      %dma_wait3A_196 = tpu.memref_slice %arg13[%dma_wait3A_194, %dma_wait3A_195] : memref<256x40xf32, #tpu.memory_space<vmem>> -> memref<128x40xf32, #tpu.memory_space<vmem>>
      %dma_wait3A_197 = arith.constant 0 : i32
      %dma_wait3A_198 = tpu.memref_slice %arg11[%dma_wait3A_193, %dma_wait3A_197] : memref<4x128xi32, #tpu.memory_space<vmem>> -> memref<1x128xi32, #tpu.memory_space<vmem>>
      %dma_wait3A_199 = tpu.memref_squeeze %dma_wait3A_198 : memref<1x128xi32, #tpu.memory_space<vmem>> -> memref<128xi32, #tpu.memory_space<vmem>>
      %dma_wait3A_200 = arith.constant 0 : i32
      %dma_wait3A_201 = arith.constant 0 : i32
      %dma_wait3A_202 = tpu.memref_slice %arg8[%dma_wait3A_200, %dma_wait3A_201] : memref<10240x40xf32, #tpu.memory_space<vmem_shared>> -> memref<10240x40xf32, #tpu.memory_space<vmem_shared>>
      tpu.wait_indirect_dma semaphore(%arg18 : memref<!tpu.dma_semaphore, #tpu.memory_space<semaphore_mem>>) src(%dma_wait3A_202 : memref<10240x40xf32, #tpu.memory_space<vmem_shared>>) dst(%dma_wait3A_196 : memref<128x40xf32, #tpu.memory_space<vmem>>)
      %dma_wait3A_203 = arith.constant 3 : i32
      %dma_wait3A_204 = arith.constant 128 : i32
      %dma_wait3A_205 = arith.constant 0 : i32
      %dma_wait3A_206 = tpu.memref_slice %arg15[%dma_wait3A_204, %dma_wait3A_205] : memref<256x8xf32, #tpu.memory_space<vmem>> -> memref<128x8xf32, #tpu.memory_space<vmem>>
      %dma_wait3A_207 = arith.constant 0 : i32
      %dma_wait3A_208 = tpu.memref_slice %arg11[%dma_wait3A_203, %dma_wait3A_207] : memref<4x128xi32, #tpu.memory_space<vmem>> -> memref<1x128xi32, #tpu.memory_space<vmem>>
      %dma_wait3A_209 = tpu.memref_squeeze %dma_wait3A_208 : memref<1x128xi32, #tpu.memory_space<vmem>> -> memref<128xi32, #tpu.memory_space<vmem>>
      %dma_wait3A_210 = arith.constant 0 : i32
      %dma_wait3A_211 = arith.constant 0 : i32
      %dma_wait3A_212 = tpu.memref_slice %arg9[%dma_wait3A_210, %dma_wait3A_211] : memref<10240x8xf32, #tpu.memory_space<vmem_shared>> -> memref<10240x8xf32, #tpu.memory_space<vmem_shared>>
      tpu.wait_indirect_dma semaphore(%arg19 : memref<!tpu.dma_semaphore, #tpu.memory_space<semaphore_mem>>) src(%dma_wait3A_212 : memref<10240x8xf32, #tpu.memory_space<vmem_shared>>) dst(%dma_wait3A_206 : memref<128x8xf32, #tpu.memory_space<vmem>>)
      %dma_wait3A_213 = arith.constant 2 : i32
      %dma_wait3A_214 = arith.constant 0 : i32
      %dma_wait3A_215 = arith.constant 0 : i32
      %dma_wait3A_216 = tpu.memref_slice %arg16[%dma_wait3A_214, %dma_wait3A_215] : memref<256x40xf32, #tpu.memory_space<vmem>> -> memref<128x40xf32, #tpu.memory_space<vmem>>
      %dma_wait3A_217 = arith.constant 0 : i32
      %dma_wait3A_218 = tpu.memref_slice %arg10[%dma_wait3A_213, %dma_wait3A_217] : memref<4x128xi32, #tpu.memory_space<vmem>> -> memref<1x128xi32, #tpu.memory_space<vmem>>
      %dma_wait3A_219 = tpu.memref_squeeze %dma_wait3A_218 : memref<1x128xi32, #tpu.memory_space<vmem>> -> memref<128xi32, #tpu.memory_space<vmem>>
      %dma_wait3A_220 = arith.constant 0 : i32
      %dma_wait3A_221 = arith.constant 0 : i32
      %dma_wait3A_222 = tpu.memref_slice %arg7[%dma_wait3A_220, %dma_wait3A_221] : memref<10240x40xf32, #tpu.memory_space<vmem_shared>> -> memref<10240x40xf32, #tpu.memory_space<vmem_shared>>
      tpu.wait_indirect_dma semaphore(%arg20 : memref<!tpu.dma_semaphore, #tpu.memory_space<semaphore_mem>>) src(%dma_wait3A_216 : memref<128x40xf32, #tpu.memory_space<vmem>>) dst(%dma_wait3A_222 : memref<10240x40xf32, #tpu.memory_space<vmem_shared>>)
      %dma_wait3A_223 = arith.constant 3 : i32
      %dma_wait3A_224 = arith.constant 128 : i32
      %dma_wait3A_225 = arith.constant 0 : i32
      %dma_wait3A_226 = tpu.memref_slice %arg16[%dma_wait3A_224, %dma_wait3A_225] : memref<256x40xf32, #tpu.memory_space<vmem>> -> memref<128x40xf32, #tpu.memory_space<vmem>>
      %dma_wait3A_227 = arith.constant 0 : i32
      %dma_wait3A_228 = tpu.memref_slice %arg10[%dma_wait3A_223, %dma_wait3A_227] : memref<4x128xi32, #tpu.memory_space<vmem>> -> memref<1x128xi32, #tpu.memory_space<vmem>>
      %dma_wait3A_229 = tpu.memref_squeeze %dma_wait3A_228 : memref<1x128xi32, #tpu.memory_space<vmem>> -> memref<128xi32, #tpu.memory_space<vmem>>
      %dma_wait3A_230 = arith.constant 0 : i32
      %dma_wait3A_231 = arith.constant 0 : i32
      %dma_wait3A_232 = tpu.memref_slice %arg7[%dma_wait3A_230, %dma_wait3A_231] : memref<10240x40xf32, #tpu.memory_space<vmem_shared>> -> memref<10240x40xf32, #tpu.memory_space<vmem_shared>>
      tpu.wait_indirect_dma semaphore(%arg20 : memref<!tpu.dma_semaphore, #tpu.memory_space<semaphore_mem>>) src(%dma_wait3A_226 : memref<128x40xf32, #tpu.memory_space<vmem>>) dst(%dma_wait3A_232 : memref<10240x40xf32, #tpu.memory_space<vmem_shared>>)
      %mul3A_233 = arith.constant 2 : i32
      %mul3A_234 = arith.muli %scan3A_90, %mul3A_233 : i32
      %add3A_235 = arith.constant 1 : i32
      %add3A_236 = arith.addi %mul3A_234, %add3A_235 : i32
      %add3A_237 = arith.constant 1 : i32
      %add3A_238 = arith.addi %add3A_236, %add3A_237 : i32
      %mul3A_239 = arith.constant 83 : i32
      %mul3A_240 = arith.muli %arg1, %mul3A_239 : i32
      %add3A_241 = arith.addi %mul3A_240, %add3A_238 : i32
      %mul3A_242 = arith.constant 4 : i32
      %mul3A_243 = arith.muli %add3A_241, %mul3A_242 : i32
      "tpu.region"() ({
        %run_scoped3A = tpu.sem_alloc : memref<!tpu.dma_semaphore, #tpu.memory_space<semaphore_mem>>
        %dma_start3A_375 = arith.constant 0 : i32
        %dma_start3A_376 = tpu.memref_slice %arg4[%mul3A_243, %dma_start3A_375] : memref<5312x128xi32, #tpu.memory_space<hbm>> -> memref<4x128xi32, #tpu.memory_space<hbm>>
        %dma_start3A_377 = arith.constant 0 : i32
        %dma_start3A_378 = tpu.memref_slice %arg4[%mul3A_243, %dma_start3A_377] : memref<5312x128xi32, #tpu.memory_space<hbm>> -> memref<4x128xi32, #tpu.memory_space<hbm>>
        tpu.enqueue_dma source(%dma_start3A_378 : memref<4x128xi32, #tpu.memory_space<hbm>>) target(%arg10 : memref<4x128xi32, #tpu.memory_space<vmem>>) target_semaphore(%run_scoped3A : memref<!tpu.dma_semaphore, #tpu.memory_space<semaphore_mem>>)
        %dma_wait3A_379 = arith.constant 0 : i32
        %dma_wait3A_380 = tpu.memref_slice %arg4[%mul3A_243, %dma_wait3A_379] : memref<5312x128xi32, #tpu.memory_space<hbm>> -> memref<4x128xi32, #tpu.memory_space<hbm>>
        %dma_wait3A_381 = arith.constant 0 : i32
        %dma_wait3A_382 = tpu.memref_slice %arg4[%mul3A_243, %dma_wait3A_381] : memref<5312x128xi32, #tpu.memory_space<hbm>> -> memref<4x128xi32, #tpu.memory_space<hbm>>
        tpu.wait_dma2 semaphore(%run_scoped3A : memref<!tpu.dma_semaphore, #tpu.memory_space<semaphore_mem>>) src(%dma_wait3A_382 : memref<4x128xi32, #tpu.memory_space<hbm>>) dst(%arg10 : memref<4x128xi32, #tpu.memory_space<vmem>>)
        tpu.yield
      }) : () -> ()
      %dma_start3A_244 = arith.constant 0 : i32
      %dma_start3A_245 = arith.constant 0 : i32
      %dma_start3A_246 = arith.constant 0 : i32
      %dma_start3A_247 = tpu.memref_slice %arg12[%dma_start3A_245, %dma_start3A_246] : memref<256x40xf32, #tpu.memory_space<vmem>> -> memref<128x40xf32, #tpu.memory_space<vmem>>
      %dma_start3A_248 = arith.constant 0 : i32
      %dma_start3A_249 = tpu.memref_slice %arg10[%dma_start3A_244, %dma_start3A_248] : memref<4x128xi32, #tpu.memory_space<vmem>> -> memref<1x128xi32, #tpu.memory_space<vmem>>
      %dma_start3A_250 = tpu.memref_squeeze %dma_start3A_249 : memref<1x128xi32, #tpu.memory_space<vmem>> -> memref<128xi32, #tpu.memory_space<vmem>>
      %dma_start3A_251 = arith.constant 0 : i32
      %dma_start3A_252 = arith.constant 0 : i32
      %dma_start3A_253 = tpu.memref_slice %arg8[%dma_start3A_251, %dma_start3A_252] : memref<10240x40xf32, #tpu.memory_space<vmem_shared>> -> memref<10240x40xf32, #tpu.memory_space<vmem_shared>>
      tpu.enqueue_indirect_dma source(%dma_start3A_253 : memref<10240x40xf32, #tpu.memory_space<vmem_shared>>) target(%dma_start3A_247 : memref<128x40xf32, #tpu.memory_space<vmem>>) offsets(%dma_start3A_250 : memref<128xi32, #tpu.memory_space<vmem>>) semaphore(%arg18 : memref<!tpu.dma_semaphore, #tpu.memory_space<semaphore_mem>>)
      %dma_start3A_254 = arith.constant 2 : i32
      %dma_start3A_255 = arith.constant 0 : i32
      %dma_start3A_256 = arith.constant 0 : i32
      %dma_start3A_257 = tpu.memref_slice %arg14[%dma_start3A_255, %dma_start3A_256] : memref<256x8xf32, #tpu.memory_space<vmem>> -> memref<128x8xf32, #tpu.memory_space<vmem>>
      %dma_start3A_258 = arith.constant 0 : i32
      %dma_start3A_259 = tpu.memref_slice %arg10[%dma_start3A_254, %dma_start3A_258] : memref<4x128xi32, #tpu.memory_space<vmem>> -> memref<1x128xi32, #tpu.memory_space<vmem>>
      %dma_start3A_260 = tpu.memref_squeeze %dma_start3A_259 : memref<1x128xi32, #tpu.memory_space<vmem>> -> memref<128xi32, #tpu.memory_space<vmem>>
      %dma_start3A_261 = arith.constant 0 : i32
      %dma_start3A_262 = arith.constant 0 : i32
      %dma_start3A_263 = tpu.memref_slice %arg9[%dma_start3A_261, %dma_start3A_262] : memref<10240x8xf32, #tpu.memory_space<vmem_shared>> -> memref<10240x8xf32, #tpu.memory_space<vmem_shared>>
      tpu.enqueue_indirect_dma source(%dma_start3A_263 : memref<10240x8xf32, #tpu.memory_space<vmem_shared>>) target(%dma_start3A_257 : memref<128x8xf32, #tpu.memory_space<vmem>>) offsets(%dma_start3A_260 : memref<128xi32, #tpu.memory_space<vmem>>) semaphore(%arg19 : memref<!tpu.dma_semaphore, #tpu.memory_space<semaphore_mem>>)
      %dma_start3A_264 = arith.constant 1 : i32
      %dma_start3A_265 = arith.constant 128 : i32
      %dma_start3A_266 = arith.constant 0 : i32
      %dma_start3A_267 = tpu.memref_slice %arg12[%dma_start3A_265, %dma_start3A_266] : memref<256x40xf32, #tpu.memory_space<vmem>> -> memref<128x40xf32, #tpu.memory_space<vmem>>
      %dma_start3A_268 = arith.constant 0 : i32
      %dma_start3A_269 = tpu.memref_slice %arg10[%dma_start3A_264, %dma_start3A_268] : memref<4x128xi32, #tpu.memory_space<vmem>> -> memref<1x128xi32, #tpu.memory_space<vmem>>
      %dma_start3A_270 = tpu.memref_squeeze %dma_start3A_269 : memref<1x128xi32, #tpu.memory_space<vmem>> -> memref<128xi32, #tpu.memory_space<vmem>>
      %dma_start3A_271 = arith.constant 0 : i32
      %dma_start3A_272 = arith.constant 0 : i32
      %dma_start3A_273 = tpu.memref_slice %arg8[%dma_start3A_271, %dma_start3A_272] : memref<10240x40xf32, #tpu.memory_space<vmem_shared>> -> memref<10240x40xf32, #tpu.memory_space<vmem_shared>>
      tpu.enqueue_indirect_dma source(%dma_start3A_273 : memref<10240x40xf32, #tpu.memory_space<vmem_shared>>) target(%dma_start3A_267 : memref<128x40xf32, #tpu.memory_space<vmem>>) offsets(%dma_start3A_270 : memref<128xi32, #tpu.memory_space<vmem>>) semaphore(%arg18 : memref<!tpu.dma_semaphore, #tpu.memory_space<semaphore_mem>>)
      %dma_start3A_274 = arith.constant 3 : i32
      %dma_start3A_275 = arith.constant 128 : i32
      %dma_start3A_276 = arith.constant 0 : i32
      %dma_start3A_277 = tpu.memref_slice %arg14[%dma_start3A_275, %dma_start3A_276] : memref<256x8xf32, #tpu.memory_space<vmem>> -> memref<128x8xf32, #tpu.memory_space<vmem>>
      %dma_start3A_278 = arith.constant 0 : i32
      %dma_start3A_279 = tpu.memref_slice %arg10[%dma_start3A_274, %dma_start3A_278] : memref<4x128xi32, #tpu.memory_space<vmem>> -> memref<1x128xi32, #tpu.memory_space<vmem>>
      %dma_start3A_280 = tpu.memref_squeeze %dma_start3A_279 : memref<1x128xi32, #tpu.memory_space<vmem>> -> memref<128xi32, #tpu.memory_space<vmem>>
      %dma_start3A_281 = arith.constant 0 : i32
      %dma_start3A_282 = arith.constant 0 : i32
      %dma_start3A_283 = tpu.memref_slice %arg9[%dma_start3A_281, %dma_start3A_282] : memref<10240x8xf32, #tpu.memory_space<vmem_shared>> -> memref<10240x8xf32, #tpu.memory_space<vmem_shared>>
      tpu.enqueue_indirect_dma source(%dma_start3A_283 : memref<10240x8xf32, #tpu.memory_space<vmem_shared>>) target(%dma_start3A_277 : memref<128x8xf32, #tpu.memory_space<vmem>>) offsets(%dma_start3A_280 : memref<128xi32, #tpu.memory_space<vmem>>) semaphore(%arg19 : memref<!tpu.dma_semaphore, #tpu.memory_space<semaphore_mem>>)
      %mul3A_284 = arith.constant 20992 : i32
      %mul3A_285 = arith.muli %arg1, %mul3A_284 : i32
      %mul3A_286 = arith.constant 256 : i32
      %mul3A_287 = arith.muli %add3A_236, %mul3A_286 : i32
      %add3A_288 = arith.addi %mul3A_285, %mul3A_287 : i32
      %scan3A_289 = arith.constant 0 : i32
      %scan3A_290 = arith.constant 0 : i32
      %scan3A_291 = arith.constant 16 : i32
      %scan3A_292 = arith.addi %scan3A_290, %scan3A_291 : i32
      %scan3A_293 = arith.constant 1 : i32
      scf.for %scan3A_375 = %scan3A_290 to %scan3A_292 step %scan3A_293  : i32 {
        %mul3A_376 = arith.constant 16 : i32
        %mul3A_377 = arith.muli %scan3A_375, %mul3A_376 : i32
        %add3A_378 = vector.broadcast %mul3A_377 : i32 to vector<16xi32>
        %add3A_379 = arith.addi %add3A_378, %iota3A : vector<16xi32>
        %mul3A_380 = arith.constant 16 : i32
        %mul3A_381 = arith.muli %scan3A_375, %mul3A_380 : i32
        %add3A_382 = arith.addi %add3A_288, %mul3A_381 : i32
        %add3A_383 = vector.broadcast %add3A_382 : i32 to vector<16xi32>
        %add3A_384 = arith.addi %add3A_383, %iota3A : vector<16xi32>
        %lt3A = arith.constant 330000 : i32
        %lt3A_385 = vector.broadcast %lt3A : i32 to vector<16xi32>
        %lt3A_386 = arith.cmpi slt, %add3A_384, %lt3A_385 : vector<16xi32>
        %jit3A = arith.constant 1.000000e+00 : f32
        %jit3A_387 = arith.constant 0.000000e+00 : f32
        %broadcast_in_dim3A = vector.broadcast %jit3A : f32 to vector<16xf32>
        %broadcast_in_dim3A_388 = vector.broadcast %jit3A_387 : f32 to vector<16xf32>
        %select_n3A = arith.select %lt3A_386, %broadcast_in_dim3A, %broadcast_in_dim3A_388 : vector<16xi1>, vector<16xf32>
        %broadcast_in_dim3A_389 = arith.constant 32 : i32
        %broadcast_in_dim3A_390 = vector.broadcast %broadcast_in_dim3A_389 : i32 to vector<16xi32>
        %gather3A = tpu.vector_load_idx %arg13[%add3A_379, %broadcast_in_dim3A_390] : memref<256x40xf32, #tpu.memory_space<vmem>>[vector<16xi32>, vector<16xi32>], vector<16xf32>,
        %broadcast_in_dim3A_391 = arith.constant 0 : i32
        %broadcast_in_dim3A_392 = vector.broadcast %broadcast_in_dim3A_391 : i32 to vector<16xi32>
        %gather3A_393 = tpu.vector_load_idx %arg15[%add3A_379, %broadcast_in_dim3A_392] : memref<256x8xf32, #tpu.memory_space<vmem>>[vector<16xi32>, vector<16xi32>], vector<16xf32>,
        %add3A_394 = arith.addf %gather3A, %gather3A_393 : vector<16xf32>
        %ge3A = arith.constant 0.000000e+00 : f32
        %ge3A_395 = vector.broadcast %ge3A : f32 to vector<16xf32>
        %ge3A_396 = arith.cmpf oge, %add3A_394, %ge3A_395 : vector<16xf32>
        %mul3A_397 = arith.constant 2.000000e-01 : f32
        %mul3A_398 = vector.broadcast %mul3A_397 : f32 to vector<16xf32>
        %mul3A_399 = arith.mulf %mul3A_398, %add3A_394 : vector<16xf32>
        %select_n3A_400 = arith.select %ge3A_396, %add3A_394, %mul3A_399 : vector<16xi1>, vector<16xf32>
        %exp3A = math.exp %select_n3A_400 : vector<16xf32>
        %mul3A_401 = arith.mulf %exp3A, %select_n3A : vector<16xf32>
        tpu.vector_store_idx %arg17[%add3A_379, %broadcast_in_dim3A_390], %mul3A_401 : memref<256x40xf32, #tpu.memory_space<vmem>>[vector<16xi32>, vector<16xi32>], vector<16xf32>,
        %broadcast_in_dim3A_402 = arith.constant 0 : i32
        %broadcast_in_dim3A_403 = vector.broadcast %broadcast_in_dim3A_402 : i32 to vector<16xi32>
        %gather3A_404 = tpu.vector_load_idx %arg13[%add3A_379, %broadcast_in_dim3A_403] : memref<256x40xf32, #tpu.memory_space<vmem>>[vector<16xi32>, vector<16xi32>], vector<16xf32>,
        %mul3A_405 = arith.mulf %mul3A_401, %gather3A_404 : vector<16xf32>
        tpu.vector_store_idx %arg17[%add3A_379, %broadcast_in_dim3A_403], %mul3A_405 : memref<256x40xf32, #tpu.memory_space<vmem>>[vector<16xi32>, vector<16xi32>], vector<16xf32>,
        %broadcast_in_dim3A_406 = arith.constant 1 : i32
        %broadcast_in_dim3A_407 = vector.broadcast %broadcast_in_dim3A_406 : i32 to vector<16xi32>
        %gather3A_408 = tpu.vector_load_idx %arg13[%add3A_379, %broadcast_in_dim3A_407] : memref<256x40xf32, #tpu.memory_space<vmem>>[vector<16xi32>, vector<16xi32>], vector<16xf32>,
        %mul3A_409 = arith.mulf %mul3A_401, %gather3A_408 : vector<16xf32>
        tpu.vector_store_idx %arg17[%add3A_379, %broadcast_in_dim3A_407], %mul3A_409 : memref<256x40xf32, #tpu.memory_space<vmem>>[vector<16xi32>, vector<16xi32>], vector<16xf32>,
        %broadcast_in_dim3A_410 = arith.constant 2 : i32
        %broadcast_in_dim3A_411 = vector.broadcast %broadcast_in_dim3A_410 : i32 to vector<16xi32>
        %gather3A_412 = tpu.vector_load_idx %arg13[%add3A_379, %broadcast_in_dim3A_411] : memref<256x40xf32, #tpu.memory_space<vmem>>[vector<16xi32>, vector<16xi32>], vector<16xf32>,
        %mul3A_413 = arith.mulf %mul3A_401, %gather3A_412 : vector<16xf32>
        tpu.vector_store_idx %arg17[%add3A_379, %broadcast_in_dim3A_411], %mul3A_413 : memref<256x40xf32, #tpu.memory_space<vmem>>[vector<16xi32>, vector<16xi32>], vector<16xf32>,
        %broadcast_in_dim3A_414 = arith.constant 3 : i32
        %broadcast_in_dim3A_415 = vector.broadcast %broadcast_in_dim3A_414 : i32 to vector<16xi32>
        %gather3A_416 = tpu.vector_load_idx %arg13[%add3A_379, %broadcast_in_dim3A_415] : memref<256x40xf32, #tpu.memory_space<vmem>>[vector<16xi32>, vector<16xi32>], vector<16xf32>,
        %mul3A_417 = arith.mulf %mul3A_401, %gather3A_416 : vector<16xf32>
        tpu.vector_store_idx %arg17[%add3A_379, %broadcast_in_dim3A_415], %mul3A_417 : memref<256x40xf32, #tpu.memory_space<vmem>>[vector<16xi32>, vector<16xi32>], vector<16xf32>,
        %broadcast_in_dim3A_418 = arith.constant 4 : i32
        %broadcast_in_dim3A_419 = vector.broadcast %broadcast_in_dim3A_418 : i32 to vector<16xi32>
        %gather3A_420 = tpu.vector_load_idx %arg13[%add3A_379, %broadcast_in_dim3A_419] : memref<256x40xf32, #tpu.memory_space<vmem>>[vector<16xi32>, vector<16xi32>], vector<16xf32>,
        %mul3A_421 = arith.mulf %mul3A_401, %gather3A_420 : vector<16xf32>
        tpu.vector_store_idx %arg17[%add3A_379, %broadcast_in_dim3A_419], %mul3A_421 : memref<256x40xf32, #tpu.memory_space<vmem>>[vector<16xi32>, vector<16xi32>], vector<16xf32>,
        %broadcast_in_dim3A_422 = arith.constant 5 : i32
        %broadcast_in_dim3A_423 = vector.broadcast %broadcast_in_dim3A_422 : i32 to vector<16xi32>
        %gather3A_424 = tpu.vector_load_idx %arg13[%add3A_379, %broadcast_in_dim3A_423] : memref<256x40xf32, #tpu.memory_space<vmem>>[vector<16xi32>, vector<16xi32>], vector<16xf32>,
        %mul3A_425 = arith.mulf %mul3A_401, %gather3A_424 : vector<16xf32>
        tpu.vector_store_idx %arg17[%add3A_379, %broadcast_in_dim3A_423], %mul3A_425 : memref<256x40xf32, #tpu.memory_space<vmem>>[vector<16xi32>, vector<16xi32>], vector<16xf32>,
        %broadcast_in_dim3A_426 = arith.constant 6 : i32
        %broadcast_in_dim3A_427 = vector.broadcast %broadcast_in_dim3A_426 : i32 to vector<16xi32>
        %gather3A_428 = tpu.vector_load_idx %arg13[%add3A_379, %broadcast_in_dim3A_427] : memref<256x40xf32, #tpu.memory_space<vmem>>[vector<16xi32>, vector<16xi32>], vector<16xf32>,
        %mul3A_429 = arith.mulf %mul3A_401, %gather3A_428 : vector<16xf32>
        tpu.vector_store_idx %arg17[%add3A_379, %broadcast_in_dim3A_427], %mul3A_429 : memref<256x40xf32, #tpu.memory_space<vmem>>[vector<16xi32>, vector<16xi32>], vector<16xf32>,
        %broadcast_in_dim3A_430 = arith.constant 7 : i32
        %broadcast_in_dim3A_431 = vector.broadcast %broadcast_in_dim3A_430 : i32 to vector<16xi32>
        %gather3A_432 = tpu.vector_load_idx %arg13[%add3A_379, %broadcast_in_dim3A_431] : memref<256x40xf32, #tpu.memory_space<vmem>>[vector<16xi32>, vector<16xi32>], vector<16xf32>,
        %mul3A_433 = arith.mulf %mul3A_401, %gather3A_432 : vector<16xf32>
        tpu.vector_store_idx %arg17[%add3A_379, %broadcast_in_dim3A_431], %mul3A_433 : memref<256x40xf32, #tpu.memory_space<vmem>>[vector<16xi32>, vector<16xi32>], vector<16xf32>,
        %broadcast_in_dim3A_434 = arith.constant 33 : i32
        %broadcast_in_dim3A_435 = vector.broadcast %broadcast_in_dim3A_434 : i32 to vector<16xi32>
        %gather3A_436 = tpu.vector_load_idx %arg13[%add3A_379, %broadcast_in_dim3A_435] : memref<256x40xf32, #tpu.memory_space<vmem>>[vector<16xi32>, vector<16xi32>], vector<16xf32>,
        %broadcast_in_dim3A_437 = arith.constant 1 : i32
        %broadcast_in_dim3A_438 = vector.broadcast %broadcast_in_dim3A_437 : i32 to vector<16xi32>
        %gather3A_439 = tpu.vector_load_idx %arg15[%add3A_379, %broadcast_in_dim3A_438] : memref<256x8xf32, #tpu.memory_space<vmem>>[vector<16xi32>, vector<16xi32>], vector<16xf32>,
        %add3A_440 = arith.addf %gather3A_436, %gather3A_439 : vector<16xf32>
        %ge3A_441 = arith.constant 0.000000e+00 : f32
        %ge3A_442 = vector.broadcast %ge3A_441 : f32 to vector<16xf32>
        %ge3A_443 = arith.cmpf oge, %add3A_440, %ge3A_442 : vector<16xf32>
        %mul3A_444 = arith.constant 2.000000e-01 : f32
        %mul3A_445 = vector.broadcast %mul3A_444 : f32 to vector<16xf32>
        %mul3A_446 = arith.mulf %mul3A_445, %add3A_440 : vector<16xf32>
        %select_n3A_447 = arith.select %ge3A_443, %add3A_440, %mul3A_446 : vector<16xi1>, vector<16xf32>
        %exp3A_448 = math.exp %select_n3A_447 : vector<16xf32>
        %mul3A_449 = arith.mulf %exp3A_448, %select_n3A : vector<16xf32>
        tpu.vector_store_idx %arg17[%add3A_379, %broadcast_in_dim3A_435], %mul3A_449 : memref<256x40xf32, #tpu.memory_space<vmem>>[vector<16xi32>, vector<16xi32>], vector<16xf32>,
        %broadcast_in_dim3A_450 = arith.constant 8 : i32
        %broadcast_in_dim3A_451 = vector.broadcast %broadcast_in_dim3A_450 : i32 to vector<16xi32>
        %gather3A_452 = tpu.vector_load_idx %arg13[%add3A_379, %broadcast_in_dim3A_451] : memref<256x40xf32, #tpu.memory_space<vmem>>[vector<16xi32>, vector<16xi32>], vector<16xf32>,
        %mul3A_453 = arith.mulf %mul3A_449, %gather3A_452 : vector<16xf32>
        tpu.vector_store_idx %arg17[%add3A_379, %broadcast_in_dim3A_451], %mul3A_453 : memref<256x40xf32, #tpu.memory_space<vmem>>[vector<16xi32>, vector<16xi32>], vector<16xf32>,
        %broadcast_in_dim3A_454 = arith.constant 9 : i32
        %broadcast_in_dim3A_455 = vector.broadcast %broadcast_in_dim3A_454 : i32 to vector<16xi32>
        %gather3A_456 = tpu.vector_load_idx %arg13[%add3A_379, %broadcast_in_dim3A_455] : memref<256x40xf32, #tpu.memory_space<vmem>>[vector<16xi32>, vector<16xi32>], vector<16xf32>,
        %mul3A_457 = arith.mulf %mul3A_449, %gather3A_456 : vector<16xf32>
        tpu.vector_store_idx %arg17[%add3A_379, %broadcast_in_dim3A_455], %mul3A_457 : memref<256x40xf32, #tpu.memory_space<vmem>>[vector<16xi32>, vector<16xi32>], vector<16xf32>,
        %broadcast_in_dim3A_458 = arith.constant 10 : i32
        %broadcast_in_dim3A_459 = vector.broadcast %broadcast_in_dim3A_458 : i32 to vector<16xi32>
        %gather3A_460 = tpu.vector_load_idx %arg13[%add3A_379, %broadcast_in_dim3A_459] : memref<256x40xf32, #tpu.memory_space<vmem>>[vector<16xi32>, vector<16xi32>], vector<16xf32>,
        %mul3A_461 = arith.mulf %mul3A_449, %gather3A_460 : vector<16xf32>
        tpu.vector_store_idx %arg17[%add3A_379, %broadcast_in_dim3A_459], %mul3A_461 : memref<256x40xf32, #tpu.memory_space<vmem>>[vector<16xi32>, vector<16xi32>], vector<16xf32>,
        %broadcast_in_dim3A_462 = arith.constant 11 : i32
        %broadcast_in_dim3A_463 = vector.broadcast %broadcast_in_dim3A_462 : i32 to vector<16xi32>
        %gather3A_464 = tpu.vector_load_idx %arg13[%add3A_379, %broadcast_in_dim3A_463] : memref<256x40xf32, #tpu.memory_space<vmem>>[vector<16xi32>, vector<16xi32>], vector<16xf32>,
        %mul3A_465 = arith.mulf %mul3A_449, %gather3A_464 : vector<16xf32>
        tpu.vector_store_idx %arg17[%add3A_379, %broadcast_in_dim3A_463], %mul3A_465 : memref<256x40xf32, #tpu.memory_space<vmem>>[vector<16xi32>, vector<16xi32>], vector<16xf32>,
        %broadcast_in_dim3A_466 = arith.constant 12 : i32
        %broadcast_in_dim3A_467 = vector.broadcast %broadcast_in_dim3A_466 : i32 to vector<16xi32>
        %gather3A_468 = tpu.vector_load_idx %arg13[%add3A_379, %broadcast_in_dim3A_467] : memref<256x40xf32, #tpu.memory_space<vmem>>[vector<16xi32>, vector<16xi32>], vector<16xf32>,
        %mul3A_469 = arith.mulf %mul3A_449, %gather3A_468 : vector<16xf32>
        tpu.vector_store_idx %arg17[%add3A_379, %broadcast_in_dim3A_467], %mul3A_469 : memref<256x40xf32, #tpu.memory_space<vmem>>[vector<16xi32>, vector<16xi32>], vector<16xf32>,
        %broadcast_in_dim3A_470 = arith.constant 13 : i32
        %broadcast_in_dim3A_471 = vector.broadcast %broadcast_in_dim3A_470 : i32 to vector<16xi32>
        %gather3A_472 = tpu.vector_load_idx %arg13[%add3A_379, %broadcast_in_dim3A_471] : memref<256x40xf32, #tpu.memory_space<vmem>>[vector<16xi32>, vector<16xi32>], vector<16xf32>,
        %mul3A_473 = arith.mulf %mul3A_449, %gather3A_472 : vector<16xf32>
        tpu.vector_store_idx %arg17[%add3A_379, %broadcast_in_dim3A_471], %mul3A_473 : memref<256x40xf32, #tpu.memory_space<vmem>>[vector<16xi32>, vector<16xi32>], vector<16xf32>,
        %broadcast_in_dim3A_474 = arith.constant 14 : i32
        %broadcast_in_dim3A_475 = vector.broadcast %broadcast_in_dim3A_474 : i32 to vector<16xi32>
        %gather3A_476 = tpu.vector_load_idx %arg13[%add3A_379, %broadcast_in_dim3A_475] : memref<256x40xf32, #tpu.memory_space<vmem>>[vector<16xi32>, vector<16xi32>], vector<16xf32>,
        %mul3A_477 = arith.mulf %mul3A_449, %gather3A_476 : vector<16xf32>
        tpu.vector_store_idx %arg17[%add3A_379, %broadcast_in_dim3A_475], %mul3A_477 : memref<256x40xf32, #tpu.memory_space<vmem>>[vector<16xi32>, vector<16xi32>], vector<16xf32>,
        %broadcast_in_dim3A_478 = arith.constant 15 : i32
        %broadcast_in_dim3A_479 = vector.broadcast %broadcast_in_dim3A_478 : i32 to vector<16xi32>
        %gather3A_480 = tpu.vector_load_idx %arg13[%add3A_379, %broadcast_in_dim3A_479] : memref<256x40xf32, #tpu.memory_space<vmem>>[vector<16xi32>, vector<16xi32>], vector<16xf32>,
        %mul3A_481 = arith.mulf %mul3A_449, %gather3A_480 : vector<16xf32>
        tpu.vector_store_idx %arg17[%add3A_379, %broadcast_in_dim3A_479], %mul3A_481 : memref<256x40xf32, #tpu.memory_space<vmem>>[vector<16xi32>, vector<16xi32>], vector<16xf32>,
        %broadcast_in_dim3A_482 = arith.constant 34 : i32
        %broadcast_in_dim3A_483 = vector.broadcast %broadcast_in_dim3A_482 : i32 to vector<16xi32>
        %gather3A_484 = tpu.vector_load_idx %arg13[%add3A_379, %broadcast_in_dim3A_483] : memref<256x40xf32, #tpu.memory_space<vmem>>[vector<16xi32>, vector<16xi32>], vector<16xf32>,
        %broadcast_in_dim3A_485 = arith.constant 2 : i32
        %broadcast_in_dim3A_486 = vector.broadcast %broadcast_in_dim3A_485 : i32 to vector<16xi32>
        %gather3A_487 = tpu.vector_load_idx %arg15[%add3A_379, %broadcast_in_dim3A_486] : memref<256x8xf32, #tpu.memory_space<vmem>>[vector<16xi32>, vector<16xi32>], vector<16xf32>,
        %add3A_488 = arith.addf %gather3A_484, %gather3A_487 : vector<16xf32>
        %ge3A_489 = arith.constant 0.000000e+00 : f32
        %ge3A_490 = vector.broadcast %ge3A_489 : f32 to vector<16xf32>
        %ge3A_491 = arith.cmpf oge, %add3A_488, %ge3A_490 : vector<16xf32>
        %mul3A_492 = arith.constant 2.000000e-01 : f32
        %mul3A_493 = vector.broadcast %mul3A_492 : f32 to vector<16xf32>
        %mul3A_494 = arith.mulf %mul3A_493, %add3A_488 : vector<16xf32>
        %select_n3A_495 = arith.select %ge3A_491, %add3A_488, %mul3A_494 : vector<16xi1>, vector<16xf32>
        %exp3A_496 = math.exp %select_n3A_495 : vector<16xf32>
        %mul3A_497 = arith.mulf %exp3A_496, %select_n3A : vector<16xf32>
        tpu.vector_store_idx %arg17[%add3A_379, %broadcast_in_dim3A_483], %mul3A_497 : memref<256x40xf32, #tpu.memory_space<vmem>>[vector<16xi32>, vector<16xi32>], vector<16xf32>,
        %broadcast_in_dim3A_498 = arith.constant 16 : i32
        %broadcast_in_dim3A_499 = vector.broadcast %broadcast_in_dim3A_498 : i32 to vector<16xi32>
        %gather3A_500 = tpu.vector_load_idx %arg13[%add3A_379, %broadcast_in_dim3A_499] : memref<256x40xf32, #tpu.memory_space<vmem>>[vector<16xi32>, vector<16xi32>], vector<16xf32>,
        %mul3A_501 = arith.mulf %mul3A_497, %gather3A_500 : vector<16xf32>
        tpu.vector_store_idx %arg17[%add3A_379, %broadcast_in_dim3A_499], %mul3A_501 : memref<256x40xf32, #tpu.memory_space<vmem>>[vector<16xi32>, vector<16xi32>], vector<16xf32>,
        %broadcast_in_dim3A_502 = arith.constant 17 : i32
        %broadcast_in_dim3A_503 = vector.broadcast %broadcast_in_dim3A_502 : i32 to vector<16xi32>
        %gather3A_504 = tpu.vector_load_idx %arg13[%add3A_379, %broadcast_in_dim3A_503] : memref<256x40xf32, #tpu.memory_space<vmem>>[vector<16xi32>, vector<16xi32>], vector<16xf32>,
        %mul3A_505 = arith.mulf %mul3A_497, %gather3A_504 : vector<16xf32>
        tpu.vector_store_idx %arg17[%add3A_379, %broadcast_in_dim3A_503], %mul3A_505 : memref<256x40xf32, #tpu.memory_space<vmem>>[vector<16xi32>, vector<16xi32>], vector<16xf32>,
        %broadcast_in_dim3A_506 = arith.constant 18 : i32
        %broadcast_in_dim3A_507 = vector.broadcast %broadcast_in_dim3A_506 : i32 to vector<16xi32>
        %gather3A_508 = tpu.vector_load_idx %arg13[%add3A_379, %broadcast_in_dim3A_507] : memref<256x40xf32, #tpu.memory_space<vmem>>[vector<16xi32>, vector<16xi32>], vector<16xf32>,
        %mul3A_509 = arith.mulf %mul3A_497, %gather3A_508 : vector<16xf32>
        tpu.vector_store_idx %arg17[%add3A_379, %broadcast_in_dim3A_507], %mul3A_509 : memref<256x40xf32, #tpu.memory_space<vmem>>[vector<16xi32>, vector<16xi32>], vector<16xf32>,
        %broadcast_in_dim3A_510 = arith.constant 19 : i32
        %broadcast_in_dim3A_511 = vector.broadcast %broadcast_in_dim3A_510 : i32 to vector<16xi32>
        %gather3A_512 = tpu.vector_load_idx %arg13[%add3A_379, %broadcast_in_dim3A_511] : memref<256x40xf32, #tpu.memory_space<vmem>>[vector<16xi32>, vector<16xi32>], vector<16xf32>,
        %mul3A_513 = arith.mulf %mul3A_497, %gather3A_512 : vector<16xf32>
        tpu.vector_store_idx %arg17[%add3A_379, %broadcast_in_dim3A_511], %mul3A_513 : memref<256x40xf32, #tpu.memory_space<vmem>>[vector<16xi32>, vector<16xi32>], vector<16xf32>,
        %broadcast_in_dim3A_514 = arith.constant 20 : i32
        %broadcast_in_dim3A_515 = vector.broadcast %broadcast_in_dim3A_514 : i32 to vector<16xi32>
        %gather3A_516 = tpu.vector_load_idx %arg13[%add3A_379, %broadcast_in_dim3A_515] : memref<256x40xf32, #tpu.memory_space<vmem>>[vector<16xi32>, vector<16xi32>], vector<16xf32>,
        %mul3A_517 = arith.mulf %mul3A_497, %gather3A_516 : vector<16xf32>
        tpu.vector_store_idx %arg17[%add3A_379, %broadcast_in_dim3A_515], %mul3A_517 : memref<256x40xf32, #tpu.memory_space<vmem>>[vector<16xi32>, vector<16xi32>], vector<16xf32>,
        %broadcast_in_dim3A_518 = arith.constant 21 : i32
        %broadcast_in_dim3A_519 = vector.broadcast %broadcast_in_dim3A_518 : i32 to vector<16xi32>
        %gather3A_520 = tpu.vector_load_idx %arg13[%add3A_379, %broadcast_in_dim3A_519] : memref<256x40xf32, #tpu.memory_space<vmem>>[vector<16xi32>, vector<16xi32>], vector<16xf32>,
        %mul3A_521 = arith.mulf %mul3A_497, %gather3A_520 : vector<16xf32>
        tpu.vector_store_idx %arg17[%add3A_379, %broadcast_in_dim3A_519], %mul3A_521 : memref<256x40xf32, #tpu.memory_space<vmem>>[vector<16xi32>, vector<16xi32>], vector<16xf32>,
        %broadcast_in_dim3A_522 = arith.constant 22 : i32
        %broadcast_in_dim3A_523 = vector.broadcast %broadcast_in_dim3A_522 : i32 to vector<16xi32>
        %gather3A_524 = tpu.vector_load_idx %arg13[%add3A_379, %broadcast_in_dim3A_523] : memref<256x40xf32, #tpu.memory_space<vmem>>[vector<16xi32>, vector<16xi32>], vector<16xf32>,
        %mul3A_525 = arith.mulf %mul3A_497, %gather3A_524 : vector<16xf32>
        tpu.vector_store_idx %arg17[%add3A_379, %broadcast_in_dim3A_523], %mul3A_525 : memref<256x40xf32, #tpu.memory_space<vmem>>[vector<16xi32>, vector<16xi32>], vector<16xf32>,
        %broadcast_in_dim3A_526 = arith.constant 23 : i32
        %broadcast_in_dim3A_527 = vector.broadcast %broadcast_in_dim3A_526 : i32 to vector<16xi32>
        %gather3A_528 = tpu.vector_load_idx %arg13[%add3A_379, %broadcast_in_dim3A_527] : memref<256x40xf32, #tpu.memory_space<vmem>>[vector<16xi32>, vector<16xi32>], vector<16xf32>,
        %mul3A_529 = arith.mulf %mul3A_497, %gather3A_528 : vector<16xf32>
        tpu.vector_store_idx %arg17[%add3A_379, %broadcast_in_dim3A_527], %mul3A_529 : memref<256x40xf32, #tpu.memory_space<vmem>>[vector<16xi32>, vector<16xi32>], vector<16xf32>,
        %broadcast_in_dim3A_530 = arith.constant 35 : i32
        %broadcast_in_dim3A_531 = vector.broadcast %broadcast_in_dim3A_530 : i32 to vector<16xi32>
        %gather3A_532 = tpu.vector_load_idx %arg13[%add3A_379, %broadcast_in_dim3A_531] : memref<256x40xf32, #tpu.memory_space<vmem>>[vector<16xi32>, vector<16xi32>], vector<16xf32>,
        %broadcast_in_dim3A_533 = arith.constant 3 : i32
        %broadcast_in_dim3A_534 = vector.broadcast %broadcast_in_dim3A_533 : i32 to vector<16xi32>
        %gather3A_535 = tpu.vector_load_idx %arg15[%add3A_379, %broadcast_in_dim3A_534] : memref<256x8xf32, #tpu.memory_space<vmem>>[vector<16xi32>, vector<16xi32>], vector<16xf32>,
        %add3A_536 = arith.addf %gather3A_532, %gather3A_535 : vector<16xf32>
        %ge3A_537 = arith.constant 0.000000e+00 : f32
        %ge3A_538 = vector.broadcast %ge3A_537 : f32 to vector<16xf32>
        %ge3A_539 = arith.cmpf oge, %add3A_536, %ge3A_538 : vector<16xf32>
        %mul3A_540 = arith.constant 2.000000e-01 : f32
        %mul3A_541 = vector.broadcast %mul3A_540 : f32 to vector<16xf32>
        %mul3A_542 = arith.mulf %mul3A_541, %add3A_536 : vector<16xf32>
        %select_n3A_543 = arith.select %ge3A_539, %add3A_536, %mul3A_542 : vector<16xi1>, vector<16xf32>
        %exp3A_544 = math.exp %select_n3A_543 : vector<16xf32>
        %mul3A_545 = arith.mulf %exp3A_544, %select_n3A : vector<16xf32>
        tpu.vector_store_idx %arg17[%add3A_379, %broadcast_in_dim3A_531], %mul3A_545 : memref<256x40xf32, #tpu.memory_space<vmem>>[vector<16xi32>, vector<16xi32>], vector<16xf32>,
        %broadcast_in_dim3A_546 = arith.constant 24 : i32
        %broadcast_in_dim3A_547 = vector.broadcast %broadcast_in_dim3A_546 : i32 to vector<16xi32>
        %gather3A_548 = tpu.vector_load_idx %arg13[%add3A_379, %broadcast_in_dim3A_547] : memref<256x40xf32, #tpu.memory_space<vmem>>[vector<16xi32>, vector<16xi32>], vector<16xf32>,
        %mul3A_549 = arith.mulf %mul3A_545, %gather3A_548 : vector<16xf32>
        tpu.vector_store_idx %arg17[%add3A_379, %broadcast_in_dim3A_547], %mul3A_549 : memref<256x40xf32, #tpu.memory_space<vmem>>[vector<16xi32>, vector<16xi32>], vector<16xf32>,
        %broadcast_in_dim3A_550 = arith.constant 25 : i32
        %broadcast_in_dim3A_551 = vector.broadcast %broadcast_in_dim3A_550 : i32 to vector<16xi32>
        %gather3A_552 = tpu.vector_load_idx %arg13[%add3A_379, %broadcast_in_dim3A_551] : memref<256x40xf32, #tpu.memory_space<vmem>>[vector<16xi32>, vector<16xi32>], vector<16xf32>,
        %mul3A_553 = arith.mulf %mul3A_545, %gather3A_552 : vector<16xf32>
        tpu.vector_store_idx %arg17[%add3A_379, %broadcast_in_dim3A_551], %mul3A_553 : memref<256x40xf32, #tpu.memory_space<vmem>>[vector<16xi32>, vector<16xi32>], vector<16xf32>,
        %broadcast_in_dim3A_554 = arith.constant 26 : i32
        %broadcast_in_dim3A_555 = vector.broadcast %broadcast_in_dim3A_554 : i32 to vector<16xi32>
        %gather3A_556 = tpu.vector_load_idx %arg13[%add3A_379, %broadcast_in_dim3A_555] : memref<256x40xf32, #tpu.memory_space<vmem>>[vector<16xi32>, vector<16xi32>], vector<16xf32>,
        %mul3A_557 = arith.mulf %mul3A_545, %gather3A_556 : vector<16xf32>
        tpu.vector_store_idx %arg17[%add3A_379, %broadcast_in_dim3A_555], %mul3A_557 : memref<256x40xf32, #tpu.memory_space<vmem>>[vector<16xi32>, vector<16xi32>], vector<16xf32>,
        %broadcast_in_dim3A_558 = arith.constant 27 : i32
        %broadcast_in_dim3A_559 = vector.broadcast %broadcast_in_dim3A_558 : i32 to vector<16xi32>
        %gather3A_560 = tpu.vector_load_idx %arg13[%add3A_379, %broadcast_in_dim3A_559] : memref<256x40xf32, #tpu.memory_space<vmem>>[vector<16xi32>, vector<16xi32>], vector<16xf32>,
        %mul3A_561 = arith.mulf %mul3A_545, %gather3A_560 : vector<16xf32>
        tpu.vector_store_idx %arg17[%add3A_379, %broadcast_in_dim3A_559], %mul3A_561 : memref<256x40xf32, #tpu.memory_space<vmem>>[vector<16xi32>, vector<16xi32>], vector<16xf32>,
        %broadcast_in_dim3A_562 = arith.constant 28 : i32
        %broadcast_in_dim3A_563 = vector.broadcast %broadcast_in_dim3A_562 : i32 to vector<16xi32>
        %gather3A_564 = tpu.vector_load_idx %arg13[%add3A_379, %broadcast_in_dim3A_563] : memref<256x40xf32, #tpu.memory_space<vmem>>[vector<16xi32>, vector<16xi32>], vector<16xf32>,
        %mul3A_565 = arith.mulf %mul3A_545, %gather3A_564 : vector<16xf32>
        tpu.vector_store_idx %arg17[%add3A_379, %broadcast_in_dim3A_563], %mul3A_565 : memref<256x40xf32, #tpu.memory_space<vmem>>[vector<16xi32>, vector<16xi32>], vector<16xf32>,
        %broadcast_in_dim3A_566 = arith.constant 29 : i32
        %broadcast_in_dim3A_567 = vector.broadcast %broadcast_in_dim3A_566 : i32 to vector<16xi32>
        %gather3A_568 = tpu.vector_load_idx %arg13[%add3A_379, %broadcast_in_dim3A_567] : memref<256x40xf32, #tpu.memory_space<vmem>>[vector<16xi32>, vector<16xi32>], vector<16xf32>,
        %mul3A_569 = arith.mulf %mul3A_545, %gather3A_568 : vector<16xf32>
        tpu.vector_store_idx %arg17[%add3A_379, %broadcast_in_dim3A_567], %mul3A_569 : memref<256x40xf32, #tpu.memory_space<vmem>>[vector<16xi32>, vector<16xi32>], vector<16xf32>,
        %broadcast_in_dim3A_570 = arith.constant 30 : i32
        %broadcast_in_dim3A_571 = vector.broadcast %broadcast_in_dim3A_570 : i32 to vector<16xi32>
        %gather3A_572 = tpu.vector_load_idx %arg13[%add3A_379, %broadcast_in_dim3A_571] : memref<256x40xf32, #tpu.memory_space<vmem>>[vector<16xi32>, vector<16xi32>], vector<16xf32>,
        %mul3A_573 = arith.mulf %mul3A_545, %gather3A_572 : vector<16xf32>
        tpu.vector_store_idx %arg17[%add3A_379, %broadcast_in_dim3A_571], %mul3A_573 : memref<256x40xf32, #tpu.memory_space<vmem>>[vector<16xi32>, vector<16xi32>], vector<16xf32>,
        %broadcast_in_dim3A_574 = arith.constant 31 : i32
        %broadcast_in_dim3A_575 = vector.broadcast %broadcast_in_dim3A_574 : i32 to vector<16xi32>
        %gather3A_576 = tpu.vector_load_idx %arg13[%add3A_379, %broadcast_in_dim3A_575] : memref<256x40xf32, #tpu.memory_space<vmem>>[vector<16xi32>, vector<16xi32>], vector<16xf32>,
        %mul3A_577 = arith.mulf %mul3A_545, %gather3A_576 : vector<16xf32>
        tpu.vector_store_idx %arg17[%add3A_379, %broadcast_in_dim3A_575], %mul3A_577 : memref<256x40xf32, #tpu.memory_space<vmem>>[vector<16xi32>, vector<16xi32>], vector<16xf32>,
      }
      %scan3A_294 = arith.constant 16 : i32
      %dma_start3A_295 = arith.constant 2 : i32
      %dma_start3A_296 = arith.constant 0 : i32
      %dma_start3A_297 = arith.constant 0 : i32
      %dma_start3A_298 = tpu.memref_slice %arg17[%dma_start3A_296, %dma_start3A_297] : memref<256x40xf32, #tpu.memory_space<vmem>> -> memref<128x40xf32, #tpu.memory_space<vmem>>
      %dma_start3A_299 = arith.constant 0 : i32
      %dma_start3A_300 = tpu.memref_slice %arg11[%dma_start3A_295, %dma_start3A_299] : memref<4x128xi32, #tpu.memory_space<vmem>> -> memref<1x128xi32, #tpu.memory_space<vmem>>
      %dma_start3A_301 = tpu.memref_squeeze %dma_start3A_300 : memref<1x128xi32, #tpu.memory_space<vmem>> -> memref<128xi32, #tpu.memory_space<vmem>>
      %dma_start3A_302 = arith.constant 0 : i32
      %dma_start3A_303 = arith.constant 0 : i32
      %dma_start3A_304 = tpu.memref_slice %arg7[%dma_start3A_302, %dma_start3A_303] : memref<10240x40xf32, #tpu.memory_space<vmem_shared>> -> memref<10240x40xf32, #tpu.memory_space<vmem_shared>>
      tpu.enqueue_indirect_dma source(%dma_start3A_298 : memref<128x40xf32, #tpu.memory_space<vmem>>) target(%dma_start3A_304 : memref<10240x40xf32, #tpu.memory_space<vmem_shared>>) offsets(%dma_start3A_301 : memref<128xi32, #tpu.memory_space<vmem>>) semaphore(%arg20 : memref<!tpu.dma_semaphore, #tpu.memory_space<semaphore_mem>>) {add = true}
      %dma_start3A_305 = arith.constant 3 : i32
      %dma_start3A_306 = arith.constant 128 : i32
      %dma_start3A_307 = arith.constant 0 : i32
      %dma_start3A_308 = tpu.memref_slice %arg17[%dma_start3A_306, %dma_start3A_307] : memref<256x40xf32, #tpu.memory_space<vmem>> -> memref<128x40xf32, #tpu.memory_space<vmem>>
      %dma_start3A_309 = arith.constant 0 : i32
      %dma_start3A_310 = tpu.memref_slice %arg11[%dma_start3A_305, %dma_start3A_309] : memref<4x128xi32, #tpu.memory_space<vmem>> -> memref<1x128xi32, #tpu.memory_space<vmem>>
      %dma_start3A_311 = tpu.memref_squeeze %dma_start3A_310 : memref<1x128xi32, #tpu.memory_space<vmem>> -> memref<128xi32, #tpu.memory_space<vmem>>
      %dma_start3A_312 = arith.constant 0 : i32
      %dma_start3A_313 = arith.constant 0 : i32
      %dma_start3A_314 = tpu.memref_slice %arg7[%dma_start3A_312, %dma_start3A_313] : memref<10240x40xf32, #tpu.memory_space<vmem_shared>> -> memref<10240x40xf32, #tpu.memory_space<vmem_shared>>
      tpu.enqueue_indirect_dma source(%dma_start3A_308 : memref<128x40xf32, #tpu.memory_space<vmem>>) target(%dma_start3A_314 : memref<10240x40xf32, #tpu.memory_space<vmem_shared>>) offsets(%dma_start3A_311 : memref<128xi32, #tpu.memory_space<vmem>>) semaphore(%arg20 : memref<!tpu.dma_semaphore, #tpu.memory_space<semaphore_mem>>) {add = true}
      %dma_wait3A_315 = arith.constant 0 : i32
      %dma_wait3A_316 = arith.constant 0 : i32
      %dma_wait3A_317 = arith.constant 0 : i32
      %dma_wait3A_318 = tpu.memref_slice %arg12[%dma_wait3A_316, %dma_wait3A_317] : memref<256x40xf32, #tpu.memory_space<vmem>> -> memref<128x40xf32, #tpu.memory_space<vmem>>
      %dma_wait3A_319 = arith.constant 0 : i32
      %dma_wait3A_320 = tpu.memref_slice %arg10[%dma_wait3A_315, %dma_wait3A_319] : memref<4x128xi32, #tpu.memory_space<vmem>> -> memref<1x128xi32, #tpu.memory_space<vmem>>
      %dma_wait3A_321 = tpu.memref_squeeze %dma_wait3A_320 : memref<1x128xi32, #tpu.memory_space<vmem>> -> memref<128xi32, #tpu.memory_space<vmem>>
      %dma_wait3A_322 = arith.constant 0 : i32
      %dma_wait3A_323 = arith.constant 0 : i32
      %dma_wait3A_324 = tpu.memref_slice %arg8[%dma_wait3A_322, %dma_wait3A_323] : memref<10240x40xf32, #tpu.memory_space<vmem_shared>> -> memref<10240x40xf32, #tpu.memory_space<vmem_shared>>
      tpu.wait_indirect_dma semaphore(%arg18 : memref<!tpu.dma_semaphore, #tpu.memory_space<semaphore_mem>>) src(%dma_wait3A_324 : memref<10240x40xf32, #tpu.memory_space<vmem_shared>>) dst(%dma_wait3A_318 : memref<128x40xf32, #tpu.memory_space<vmem>>)
      %dma_wait3A_325 = arith.constant 2 : i32
      %dma_wait3A_326 = arith.constant 0 : i32
      %dma_wait3A_327 = arith.constant 0 : i32
      %dma_wait3A_328 = tpu.memref_slice %arg14[%dma_wait3A_326, %dma_wait3A_327] : memref<256x8xf32, #tpu.memory_space<vmem>> -> memref<128x8xf32, #tpu.memory_space<vmem>>
      %dma_wait3A_329 = arith.constant 0 : i32
      %dma_wait3A_330 = tpu.memref_slice %arg10[%dma_wait3A_325, %dma_wait3A_329] : memref<4x128xi32, #tpu.memory_space<vmem>> -> memref<1x128xi32, #tpu.memory_space<vmem>>
      %dma_wait3A_331 = tpu.memref_squeeze %dma_wait3A_330 : memref<1x128xi32, #tpu.memory_space<vmem>> -> memref<128xi32, #tpu.memory_space<vmem>>
      %dma_wait3A_332 = arith.constant 0 : i32
      %dma_wait3A_333 = arith.constant 0 : i32
      %dma_wait3A_334 = tpu.memref_slice %arg9[%dma_wait3A_332, %dma_wait3A_333] : memref<10240x8xf32, #tpu.memory_space<vmem_shared>> -> memref<10240x8xf32, #tpu.memory_space<vmem_shared>>
      tpu.wait_indirect_dma semaphore(%arg19 : memref<!tpu.dma_semaphore, #tpu.memory_space<semaphore_mem>>) src(%dma_wait3A_334 : memref<10240x8xf32, #tpu.memory_space<vmem_shared>>) dst(%dma_wait3A_328 : memref<128x8xf32, #tpu.memory_space<vmem>>)
      %dma_wait3A_335 = arith.constant 1 : i32
      %dma_wait3A_336 = arith.constant 128 : i32
      %dma_wait3A_337 = arith.constant 0 : i32
      %dma_wait3A_338 = tpu.memref_slice %arg12[%dma_wait3A_336, %dma_wait3A_337] : memref<256x40xf32, #tpu.memory_space<vmem>> -> memref<128x40xf32, #tpu.memory_space<vmem>>
      %dma_wait3A_339 = arith.constant 0 : i32
      %dma_wait3A_340 = tpu.memref_slice %arg10[%dma_wait3A_335, %dma_wait3A_339] : memref<4x128xi32, #tpu.memory_space<vmem>> -> memref<1x128xi32, #tpu.memory_space<vmem>>
      %dma_wait3A_341 = tpu.memref_squeeze %dma_wait3A_340 : memref<1x128xi32, #tpu.memory_space<vmem>> -> memref<128xi32, #tpu.memory_space<vmem>>
      %dma_wait3A_342 = arith.constant 0 : i32
      %dma_wait3A_343 = arith.constant 0 : i32
      %dma_wait3A_344 = tpu.memref_slice %arg8[%dma_wait3A_342, %dma_wait3A_343] : memref<10240x40xf32, #tpu.memory_space<vmem_shared>> -> memref<10240x40xf32, #tpu.memory_space<vmem_shared>>
      tpu.wait_indirect_dma semaphore(%arg18 : memref<!tpu.dma_semaphore, #tpu.memory_space<semaphore_mem>>) src(%dma_wait3A_344 : memref<10240x40xf32, #tpu.memory_space<vmem_shared>>) dst(%dma_wait3A_338 : memref<128x40xf32, #tpu.memory_space<vmem>>)
      %dma_wait3A_345 = arith.constant 3 : i32
      %dma_wait3A_346 = arith.constant 128 : i32
      %dma_wait3A_347 = arith.constant 0 : i32
      %dma_wait3A_348 = tpu.memref_slice %arg14[%dma_wait3A_346, %dma_wait3A_347] : memref<256x8xf32, #tpu.memory_space<vmem>> -> memref<128x8xf32, #tpu.memory_space<vmem>>
      %dma_wait3A_349 = arith.constant 0 : i32
      %dma_wait3A_350 = tpu.memref_slice %arg10[%dma_wait3A_345, %dma_wait3A_349] : memref<4x128xi32, #tpu.memory_space<vmem>> -> memref<1x128xi32, #tpu.memory_space<vmem>>
      %dma_wait3A_351 = tpu.memref_squeeze %dma_wait3A_350 : memref<1x128xi32, #tpu.memory_space<vmem>> -> memref<128xi32, #tpu.memory_space<vmem>>
      %dma_wait3A_352 = arith.constant 0 : i32
      %dma_wait3A_353 = arith.constant 0 : i32
      %dma_wait3A_354 = tpu.memref_slice %arg9[%dma_wait3A_352, %dma_wait3A_353] : memref<10240x8xf32, #tpu.memory_space<vmem_shared>> -> memref<10240x8xf32, #tpu.memory_space<vmem_shared>>
      tpu.wait_indirect_dma semaphore(%arg19 : memref<!tpu.dma_semaphore, #tpu.memory_space<semaphore_mem>>) src(%dma_wait3A_354 : memref<10240x8xf32, #tpu.memory_space<vmem_shared>>) dst(%dma_wait3A_348 : memref<128x8xf32, #tpu.memory_space<vmem>>)
      %dma_wait3A_355 = arith.constant 2 : i32
      %dma_wait3A_356 = arith.constant 0 : i32
      %dma_wait3A_357 = arith.constant 0 : i32
      %dma_wait3A_358 = tpu.memref_slice %arg17[%dma_wait3A_356, %dma_wait3A_357] : memref<256x40xf32, #tpu.memory_space<vmem>> -> memref<128x40xf32, #tpu.memory_space<vmem>>
      %dma_wait3A_359 = arith.constant 0 : i32
      %dma_wait3A_360 = tpu.memref_slice %arg11[%dma_wait3A_355, %dma_wait3A_359] : memref<4x128xi32, #tpu.memory_space<vmem>> -> memref<1x128xi32, #tpu.memory_space<vmem>>
      %dma_wait3A_361 = tpu.memref_squeeze %dma_wait3A_360 : memref<1x128xi32, #tpu.memory_space<vmem>> -> memref<128xi32, #tpu.memory_space<vmem>>
      %dma_wait3A_362 = arith.constant 0 : i32
      %dma_wait3A_363 = arith.constant 0 : i32
      %dma_wait3A_364 = tpu.memref_slice %arg7[%dma_wait3A_362, %dma_wait3A_363] : memref<10240x40xf32, #tpu.memory_space<vmem_shared>> -> memref<10240x40xf32, #tpu.memory_space<vmem_shared>>
      tpu.wait_indirect_dma semaphore(%arg20 : memref<!tpu.dma_semaphore, #tpu.memory_space<semaphore_mem>>) src(%dma_wait3A_358 : memref<128x40xf32, #tpu.memory_space<vmem>>) dst(%dma_wait3A_364 : memref<10240x40xf32, #tpu.memory_space<vmem_shared>>)
      %dma_wait3A_365 = arith.constant 3 : i32
      %dma_wait3A_366 = arith.constant 128 : i32
      %dma_wait3A_367 = arith.constant 0 : i32
      %dma_wait3A_368 = tpu.memref_slice %arg17[%dma_wait3A_366, %dma_wait3A_367] : memref<256x40xf32, #tpu.memory_space<vmem>> -> memref<128x40xf32, #tpu.memory_space<vmem>>
      %dma_wait3A_369 = arith.constant 0 : i32
      %dma_wait3A_370 = tpu.memref_slice %arg11[%dma_wait3A_365, %dma_wait3A_369] : memref<4x128xi32, #tpu.memory_space<vmem>> -> memref<1x128xi32, #tpu.memory_space<vmem>>
      %dma_wait3A_371 = tpu.memref_squeeze %dma_wait3A_370 : memref<1x128xi32, #tpu.memory_space<vmem>> -> memref<128xi32, #tpu.memory_space<vmem>>
      %dma_wait3A_372 = arith.constant 0 : i32
      %dma_wait3A_373 = arith.constant 0 : i32
      %dma_wait3A_374 = tpu.memref_slice %arg7[%dma_wait3A_372, %dma_wait3A_373] : memref<10240x40xf32, #tpu.memory_space<vmem_shared>> -> memref<10240x40xf32, #tpu.memory_space<vmem_shared>>
      tpu.wait_indirect_dma semaphore(%arg20 : memref<!tpu.dma_semaphore, #tpu.memory_space<semaphore_mem>>) src(%dma_wait3A_368 : memref<128x40xf32, #tpu.memory_space<vmem>>) dst(%dma_wait3A_374 : memref<10240x40xf32, #tpu.memory_space<vmem_shared>>)
    }
    %scan3A_88 = arith.constant 41 : i32
    %barrier3A_89 = arith.constant 0 : index
    tpu.barrier barrier_id(%barrier3A_89)
    "tpu.region"() ({
      %run_scoped3A = tpu.sem_alloc : memref<!tpu.dma_semaphore, #tpu.memory_space<semaphore_mem>>
      %dma_start3A_90 = arith.constant 0 : i32
      %dma_start3A_91 = tpu.memref_slice %arg6[%arg0, %mul3A_0, %dma_start3A_90] : memref<2x10240x40xf32, #tpu.memory_space<hbm>> -> memref<1x640x40xf32, #tpu.memory_space<hbm>>
      %dma_start3A_92 = tpu.memref_squeeze %dma_start3A_91 : memref<1x640x40xf32, #tpu.memory_space<hbm>> -> memref<640x40xf32, #tpu.memory_space<hbm>>
      %dma_start3A_93 = arith.constant 0 : i32
      %dma_start3A_94 = tpu.memref_slice %arg7[%mul3A_0, %dma_start3A_93] : memref<10240x40xf32, #tpu.memory_space<vmem_shared>> -> memref<640x40xf32, #tpu.memory_space<vmem_shared>>
      tpu.enqueue_dma source(%dma_start3A_94 : memref<640x40xf32, #tpu.memory_space<vmem_shared>>) target(%dma_start3A_92 : memref<640x40xf32, #tpu.memory_space<hbm>>) target_semaphore(%run_scoped3A : memref<!tpu.dma_semaphore, #tpu.memory_space<semaphore_mem>>)
      %dma_wait3A_95 = arith.constant 0 : i32
      %dma_wait3A_96 = tpu.memref_slice %arg6[%arg0, %mul3A_0, %dma_wait3A_95] : memref<2x10240x40xf32, #tpu.memory_space<hbm>> -> memref<1x640x40xf32, #tpu.memory_space<hbm>>
      %dma_wait3A_97 = tpu.memref_squeeze %dma_wait3A_96 : memref<1x640x40xf32, #tpu.memory_space<hbm>> -> memref<640x40xf32, #tpu.memory_space<hbm>>
      %dma_wait3A_98 = arith.constant 0 : i32
      %dma_wait3A_99 = tpu.memref_slice %arg7[%mul3A_0, %dma_wait3A_98] : memref<10240x40xf32, #tpu.memory_space<vmem_shared>> -> memref<640x40xf32, #tpu.memory_space<vmem_shared>>
      tpu.wait_dma2 semaphore(%run_scoped3A : memref<!tpu.dma_semaphore, #tpu.memory_space<semaphore_mem>>) src(%dma_wait3A_99 : memref<640x40xf32, #tpu.memory_space<vmem_shared>>) dst(%dma_wait3A_97 : memref<640x40xf32, #tpu.memory_space<hbm>>)
      tpu.yield
    }) : () -> ()
    return
  }
}

#map = affine_map<(d0, d1) -> (0, 0)>
#map1 = affine_map<(d0, d1) -> (0)>
#map2 = affine_map<(d0, d1) -> (0, 0, 0)>
module attributes {stable_mosaic.version = 14 : i64} {
  func.func @k(%arg0: i32, %arg1: i32, %arg2: memref<10000x8xf32, #tpu.memory_space<hbm>>, %arg3: memref<10000xf32, #tpu.memory_space<hbm>>, %arg4: memref<5504x128xi32, #tpu.memory_space<hbm>>, %arg5: memref<10240x8xf32, #tpu.memory_space<hbm>>, %arg6: memref<2x10240x8xf32, #tpu.memory_space<hbm>>, %arg7: memref<10240x8xf32, #tpu.memory_space<vmem_shared>>, %arg8: memref<10000x8xf32, #tpu.memory_space<vmem>>, %arg9: memref<10000xf32, #tpu.memory_space<vmem>>, %arg10: memref<4x128xi32, #tpu.memory_space<vmem>>, %arg11: memref<4x128xi32, #tpu.memory_space<vmem>>, %arg12: memref<256x8xf32, #tpu.memory_space<vmem>>, %arg13: memref<256x8xf32, #tpu.memory_space<vmem>>, %arg14: memref<!tpu.dma_semaphore, #tpu.memory_space<semaphore_mem>>) attributes {dimension_semantics = [#tpu.dimension_semantics<core_parallel>, #tpu.dimension_semantics<subcore_parallel>], iteration_bounds = array<i64: 2, 16>, scalar_prefetch = 0 : i64, scratch_operands = 8 : i64, tpu.core_type = #tpu.core_type<sc_vector_subcore>, window_params = [{transform_indices = #map}, {transform_indices = #map1}, {transform_indices = #map}, {transform_indices = #map}, {transform_indices = #map2}]} {
    %mul3A = arith.constant 2 : i32
    %mul3A_0 = arith.muli %arg1, %mul3A : i32
    %add3A = arith.addi %mul3A_0, %arg0 : i32
    %mul3A_1 = arith.constant 640 : i32
    %mul3A_2 = arith.muli %arg1, %mul3A_1 : i32
    "tpu.region"() ({
      %run_scoped3A = tpu.sem_alloc : memref<!tpu.dma_semaphore, #tpu.memory_space<semaphore_mem>>
      %dma_start3A = arith.constant 0 : i32
      %dma_start3A_15 = tpu.memref_slice %arg7[%mul3A_2, %dma_start3A] : memref<10240x8xf32, #tpu.memory_space<vmem_shared>> -> memref<640x8xf32, #tpu.memory_space<vmem_shared>>
      %dma_start3A_16 = arith.constant 0 : i32
      %dma_start3A_17 = tpu.memref_slice %arg5[%mul3A_2, %dma_start3A_16] : memref<10240x8xf32, #tpu.memory_space<hbm>> -> memref<640x8xf32, #tpu.memory_space<hbm>>
      tpu.enqueue_dma source(%dma_start3A_17 : memref<640x8xf32, #tpu.memory_space<hbm>>) target(%dma_start3A_15 : memref<640x8xf32, #tpu.memory_space<vmem_shared>>) target_semaphore(%run_scoped3A : memref<!tpu.dma_semaphore, #tpu.memory_space<semaphore_mem>>)
      %dma_wait3A = arith.constant 0 : i32
      %dma_wait3A_18 = tpu.memref_slice %arg7[%mul3A_2, %dma_wait3A] : memref<10240x8xf32, #tpu.memory_space<vmem_shared>> -> memref<640x8xf32, #tpu.memory_space<vmem_shared>>
      %dma_wait3A_19 = arith.constant 0 : i32
      %dma_wait3A_20 = tpu.memref_slice %arg5[%mul3A_2, %dma_wait3A_19] : memref<10240x8xf32, #tpu.memory_space<hbm>> -> memref<640x8xf32, #tpu.memory_space<hbm>>
      tpu.wait_dma2 semaphore(%run_scoped3A : memref<!tpu.dma_semaphore, #tpu.memory_space<semaphore_mem>>) src(%dma_wait3A_20 : memref<640x8xf32, #tpu.memory_space<hbm>>) dst(%dma_wait3A_18 : memref<640x8xf32, #tpu.memory_space<vmem_shared>>)
      tpu.yield
    }) : () -> ()
    "tpu.region"() ({
      %run_scoped3A = tpu.sem_alloc : memref<!tpu.dma_semaphore, #tpu.memory_space<semaphore_mem>>
      tpu.enqueue_dma source(%arg2 : memref<10000x8xf32, #tpu.memory_space<hbm>>) target(%arg8 : memref<10000x8xf32, #tpu.memory_space<vmem>>) target_semaphore(%run_scoped3A : memref<!tpu.dma_semaphore, #tpu.memory_space<semaphore_mem>>)
      tpu.wait_dma2 semaphore(%run_scoped3A : memref<!tpu.dma_semaphore, #tpu.memory_space<semaphore_mem>>) src(%arg2 : memref<10000x8xf32, #tpu.memory_space<hbm>>) dst(%arg8 : memref<10000x8xf32, #tpu.memory_space<vmem>>)
      tpu.yield
    }) : () -> ()
    "tpu.region"() ({
      %run_scoped3A = tpu.sem_alloc : memref<!tpu.dma_semaphore, #tpu.memory_space<semaphore_mem>>
      tpu.enqueue_dma source(%arg3 : memref<10000xf32, #tpu.memory_space<hbm>>) target(%arg9 : memref<10000xf32, #tpu.memory_space<vmem>>) target_semaphore(%run_scoped3A : memref<!tpu.dma_semaphore, #tpu.memory_space<semaphore_mem>>)
      tpu.wait_dma2 semaphore(%run_scoped3A : memref<!tpu.dma_semaphore, #tpu.memory_space<semaphore_mem>>) src(%arg3 : memref<10000xf32, #tpu.memory_space<hbm>>) dst(%arg9 : memref<10000xf32, #tpu.memory_space<vmem>>)
      tpu.yield
    }) : () -> ()
    %barrier3A = arith.constant 0 : index
    tpu.barrier barrier_id(%barrier3A)
    %iota3A = tpu.iota {dimensions = array<i32: 0>} : vector<16xi32>
    %mul3A_3 = arith.constant 43 : i32
    %mul3A_4 = arith.muli %add3A, %mul3A_3 : i32
    %add3A_5 = arith.constant 0 : i32
    %add3A_6 = arith.addi %mul3A_4, %add3A_5 : i32
    %mul3A_7 = arith.constant 4 : i32
    %mul3A_8 = arith.muli %add3A_6, %mul3A_7 : i32
    "tpu.region"() ({
      %run_scoped3A = tpu.sem_alloc : memref<!tpu.dma_semaphore, #tpu.memory_space<semaphore_mem>>
      %dma_start3A = arith.constant 0 : i32
      %dma_start3A_15 = tpu.memref_slice %arg4[%mul3A_8, %dma_start3A] : memref<5504x128xi32, #tpu.memory_space<hbm>> -> memref<4x128xi32, #tpu.memory_space<hbm>>
      %dma_start3A_16 = arith.constant 0 : i32
      %dma_start3A_17 = tpu.memref_slice %arg4[%mul3A_8, %dma_start3A_16] : memref<5504x128xi32, #tpu.memory_space<hbm>> -> memref<4x128xi32, #tpu.memory_space<hbm>>
      tpu.enqueue_dma source(%dma_start3A_17 : memref<4x128xi32, #tpu.memory_space<hbm>>) target(%arg10 : memref<4x128xi32, #tpu.memory_space<vmem>>) target_semaphore(%run_scoped3A : memref<!tpu.dma_semaphore, #tpu.memory_space<semaphore_mem>>)
      %dma_wait3A = arith.constant 0 : i32
      %dma_wait3A_18 = tpu.memref_slice %arg4[%mul3A_8, %dma_wait3A] : memref<5504x128xi32, #tpu.memory_space<hbm>> -> memref<4x128xi32, #tpu.memory_space<hbm>>
      %dma_wait3A_19 = arith.constant 0 : i32
      %dma_wait3A_20 = tpu.memref_slice %arg4[%mul3A_8, %dma_wait3A_19] : memref<5504x128xi32, #tpu.memory_space<hbm>> -> memref<4x128xi32, #tpu.memory_space<hbm>>
      tpu.wait_dma2 semaphore(%run_scoped3A : memref<!tpu.dma_semaphore, #tpu.memory_space<semaphore_mem>>) src(%dma_wait3A_20 : memref<4x128xi32, #tpu.memory_space<hbm>>) dst(%arg10 : memref<4x128xi32, #tpu.memory_space<vmem>>)
      tpu.yield
    }) : () -> ()
    %scan3A = arith.constant 0 : i32
    %scan3A_9 = arith.constant 0 : i32
    %scan3A_10 = arith.constant 21 : i32
    %scan3A_11 = arith.addi %scan3A_9, %scan3A_10 : i32
    %scan3A_12 = arith.constant 1 : i32
    scf.for %scan3A_15 = %scan3A_9 to %scan3A_11 step %scan3A_12  : i32 {
      %mul3A_16 = arith.constant 2 : i32
      %mul3A_17 = arith.muli %scan3A_15, %mul3A_16 : i32
      %add3A_18 = arith.constant 0 : i32
      %add3A_19 = arith.addi %mul3A_17, %add3A_18 : i32
      %add3A_20 = arith.constant 1 : i32
      %add3A_21 = arith.addi %add3A_19, %add3A_20 : i32
      %mul3A_22 = arith.constant 43 : i32
      %mul3A_23 = arith.muli %add3A, %mul3A_22 : i32
      %add3A_24 = arith.addi %mul3A_23, %add3A_21 : i32
      %mul3A_25 = arith.constant 4 : i32
      %mul3A_26 = arith.muli %add3A_24, %mul3A_25 : i32
      "tpu.region"() ({
        %run_scoped3A = tpu.sem_alloc : memref<!tpu.dma_semaphore, #tpu.memory_space<semaphore_mem>>
        %dma_start3A_138 = arith.constant 0 : i32
        %dma_start3A_139 = tpu.memref_slice %arg4[%mul3A_26, %dma_start3A_138] : memref<5504x128xi32, #tpu.memory_space<hbm>> -> memref<4x128xi32, #tpu.memory_space<hbm>>
        %dma_start3A_140 = arith.constant 0 : i32
        %dma_start3A_141 = tpu.memref_slice %arg4[%mul3A_26, %dma_start3A_140] : memref<5504x128xi32, #tpu.memory_space<hbm>> -> memref<4x128xi32, #tpu.memory_space<hbm>>
        tpu.enqueue_dma source(%dma_start3A_141 : memref<4x128xi32, #tpu.memory_space<hbm>>) target(%arg11 : memref<4x128xi32, #tpu.memory_space<vmem>>) target_semaphore(%run_scoped3A : memref<!tpu.dma_semaphore, #tpu.memory_space<semaphore_mem>>)
        %dma_wait3A_142 = arith.constant 0 : i32
        %dma_wait3A_143 = tpu.memref_slice %arg4[%mul3A_26, %dma_wait3A_142] : memref<5504x128xi32, #tpu.memory_space<hbm>> -> memref<4x128xi32, #tpu.memory_space<hbm>>
        %dma_wait3A_144 = arith.constant 0 : i32
        %dma_wait3A_145 = tpu.memref_slice %arg4[%mul3A_26, %dma_wait3A_144] : memref<5504x128xi32, #tpu.memory_space<hbm>> -> memref<4x128xi32, #tpu.memory_space<hbm>>
        tpu.wait_dma2 semaphore(%run_scoped3A : memref<!tpu.dma_semaphore, #tpu.memory_space<semaphore_mem>>) src(%dma_wait3A_145 : memref<4x128xi32, #tpu.memory_space<hbm>>) dst(%arg11 : memref<4x128xi32, #tpu.memory_space<vmem>>)
        tpu.yield
      }) : () -> ()
      %mul3A_27 = arith.constant 10752 : i32
      %mul3A_28 = arith.muli %add3A, %mul3A_27 : i32
      %mul3A_29 = arith.constant 256 : i32
      %mul3A_30 = arith.muli %add3A_19, %mul3A_29 : i32
      %add3A_31 = arith.addi %mul3A_28, %mul3A_30 : i32
      %scan3A_32 = arith.constant 0 : i32
      %scan3A_33 = arith.constant 0 : i32
      %scan3A_34 = arith.constant 16 : i32
      %scan3A_35 = arith.addi %scan3A_33, %scan3A_34 : i32
      %scan3A_36 = arith.constant 1 : i32
      scf.for %scan3A_138 = %scan3A_33 to %scan3A_35 step %scan3A_36  : i32 {
        %mul3A_139 = arith.constant 16 : i32
        %mul3A_140 = arith.muli %scan3A_138, %mul3A_139 : i32
        %add3A_141 = vector.broadcast %mul3A_140 : i32 to vector<16xi32>
        %add3A_142 = arith.addi %add3A_141, %iota3A : vector<16xi32>
        %mul3A_143 = arith.constant 16 : i32
        %mul3A_144 = arith.muli %scan3A_138, %mul3A_143 : i32
        %add3A_145 = arith.addi %add3A_31, %mul3A_144 : i32
        %add3A_146 = vector.broadcast %add3A_145 : i32 to vector<16xi32>
        %add3A_147 = arith.addi %add3A_146, %iota3A : vector<16xi32>
        %lt3A = arith.constant 330000 : i32
        %lt3A_148 = vector.broadcast %lt3A : i32 to vector<16xi32>
        %lt3A_149 = arith.cmpi slt, %add3A_147, %lt3A_148 : vector<16xi32>
        %jit3A = arith.constant 1.000000e+00 : f32
        %jit3A_150 = arith.constant 0.000000e+00 : f32
        %broadcast_in_dim3A = vector.broadcast %jit3A : f32 to vector<16xf32>
        %broadcast_in_dim3A_151 = vector.broadcast %jit3A_150 : f32 to vector<16xf32>
        %select_n3A = arith.select %lt3A_149, %broadcast_in_dim3A, %broadcast_in_dim3A_151 : vector<16xi1>, vector<16xf32>
        %jit3A_152 = arith.constant 8 : i32
        %div3A = arith.divsi %scan3A_138, %jit3A_152 : i32
        %sign3A = arith.constant 0 : i32
        %sign3A_153 = arith.cmpi sgt, %scan3A_138, %sign3A : i32
        %sign3A_154 = arith.extui %sign3A_153 : i1 to i32
        %sign3A_155 = arith.constant 0 : i32
        %sign3A_156 = arith.cmpi slt, %scan3A_138, %sign3A_155 : i32
        %sign3A_157 = arith.extui %sign3A_156 : i1 to i32
        %sign3A_158 = arith.subi %sign3A_154, %sign3A_157 : i32
        %sign3A_159 = arith.constant 0 : i32
        %sign3A_160 = arith.cmpi sgt, %jit3A_152, %sign3A_159 : i32
        %sign3A_161 = arith.extui %sign3A_160 : i1 to i32
        %sign3A_162 = arith.constant 0 : i32
        %sign3A_163 = arith.cmpi slt, %jit3A_152, %sign3A_162 : i32
        %sign3A_164 = arith.extui %sign3A_163 : i1 to i32
        %sign3A_165 = arith.subi %sign3A_161, %sign3A_164 : i32
        %ne3A = arith.cmpi ne, %sign3A_158, %sign3A_165 : i32
        %rem3A = arith.remsi %scan3A_138, %jit3A_152 : i32
        %ne3A_166 = arith.constant 0 : i32
        %ne3A_167 = arith.cmpi ne, %rem3A, %ne3A_166 : i32
        %and3A = arith.andi %ne3A, %ne3A_167 : i1
        %sub3A = arith.constant 1 : i32
        %sub3A_168 = arith.subi %div3A, %sub3A : i32
        %select_n3A_169 = arith.select %and3A, %sub3A_168, %div3A : i32
        %jit3A_170 = arith.constant 8 : i32
        %eq3A = arith.constant 0 : i32
        %eq3A_171 = arith.cmpi eq, %jit3A_170, %eq3A : i32
        %jit3A_172 = arith.constant 1 : i32
        %select_n3A_173 = arith.select %eq3A_171, %jit3A_172, %jit3A_170 : i32
        %rem3A_174 = arith.remsi %scan3A_138, %select_n3A_173 : i32
        %ne3A_175 = arith.constant 0 : i32
        %ne3A_176 = arith.cmpi ne, %rem3A_174, %ne3A_175 : i32
        %lt3A_177 = arith.constant 0 : i32
        %lt3A_178 = arith.cmpi slt, %rem3A_174, %lt3A_177 : i32
        %lt3A_179 = arith.constant 0 : i32
        %lt3A_180 = arith.cmpi slt, %select_n3A_173, %lt3A_179 : i32
        %ne3A_181 = arith.xori %lt3A_178, %lt3A_180 : i1
        %and3A_182 = arith.andi %ne3A_181, %ne3A_176 : i1
        %add3A_183 = arith.addi %rem3A_174, %select_n3A_173 : i32
        %select_n3A_184 = arith.select %and3A_182, %add3A_183, %rem3A_174 : i32
        %mul3A_185 = arith.constant 16 : i32
        %mul3A_186 = arith.muli %select_n3A_184, %mul3A_185 : i32
        %get3A = arith.index_cast %select_n3A_169 : i32 to index
        %get3A_187 = arith.index_cast %mul3A_186 : i32 to index
        %get3A_188 = tpu.vector_load %arg10[%get3A, %get3A_187] {strides = array<i32>} : memref<4x128xi32, #tpu.memory_space<vmem>>, vector<16xi32>,
        %add3A_189 = arith.constant 2 : i32
        %add3A_190 = arith.addi %add3A_189, %select_n3A_169 : i32
        %mul3A_191 = arith.constant 16 : i32
        %mul3A_192 = arith.muli %select_n3A_184, %mul3A_191 : i32
        %get3A_193 = arith.index_cast %add3A_190 : i32 to index
        %get3A_194 = arith.index_cast %mul3A_192 : i32 to index
        %get3A_195 = tpu.vector_load %arg10[%get3A_193, %get3A_194] {strides = array<i32>} : memref<4x128xi32, #tpu.memory_space<vmem>>, vector<16xi32>,
        %broadcast_in_dim3A_196 = arith.constant 7 : i32
        %broadcast_in_dim3A_197 = vector.broadcast %broadcast_in_dim3A_196 : i32 to vector<16xi32>
        %gather3A = tpu.vector_load_idx %arg8[%get3A_188, %broadcast_in_dim3A_197] : memref<10000x8xf32, #tpu.memory_space<vmem>>[vector<16xi32>, vector<16xi32>], vector<16xf32>,
        %gather3A_198 = tpu.vector_load_idx %arg9[%get3A_195] : memref<10000xf32, #tpu.memory_space<vmem>>[vector<16xi32>], vector<16xf32>,
        %add3A_199 = arith.addf %gather3A, %gather3A_198 : vector<16xf32>
        %ge3A = arith.constant 0.000000e+00 : f32
        %ge3A_200 = vector.broadcast %ge3A : f32 to vector<16xf32>
        %ge3A_201 = arith.cmpf oge, %add3A_199, %ge3A_200 : vector<16xf32>
        %mul3A_202 = arith.constant 2.000000e-01 : f32
        %mul3A_203 = vector.broadcast %mul3A_202 : f32 to vector<16xf32>
        %mul3A_204 = arith.mulf %mul3A_203, %add3A_199 : vector<16xf32>
        %select_n3A_205 = arith.select %ge3A_201, %add3A_199, %mul3A_204 : vector<16xi1>, vector<16xf32>
        %exp3A = math.exp %select_n3A_205 : vector<16xf32>
        %mul3A_206 = arith.mulf %exp3A, %select_n3A : vector<16xf32>
        tpu.vector_store_idx %arg12[%add3A_142, %broadcast_in_dim3A_197], %mul3A_206 : memref<256x8xf32, #tpu.memory_space<vmem>>[vector<16xi32>, vector<16xi32>], vector<16xf32>,
        %broadcast_in_dim3A_207 = arith.constant 0 : i32
        %broadcast_in_dim3A_208 = vector.broadcast %broadcast_in_dim3A_207 : i32 to vector<16xi32>
        %gather3A_209 = tpu.vector_load_idx %arg8[%get3A_188, %broadcast_in_dim3A_208] : memref<10000x8xf32, #tpu.memory_space<vmem>>[vector<16xi32>, vector<16xi32>], vector<16xf32>,
        %mul3A_210 = arith.mulf %mul3A_206, %gather3A_209 : vector<16xf32>
        tpu.vector_store_idx %arg12[%add3A_142, %broadcast_in_dim3A_208], %mul3A_210 : memref<256x8xf32, #tpu.memory_space<vmem>>[vector<16xi32>, vector<16xi32>], vector<16xf32>,
        %broadcast_in_dim3A_211 = arith.constant 1 : i32
        %broadcast_in_dim3A_212 = vector.broadcast %broadcast_in_dim3A_211 : i32 to vector<16xi32>
        %gather3A_213 = tpu.vector_load_idx %arg8[%get3A_188, %broadcast_in_dim3A_212] : memref<10000x8xf32, #tpu.memory_space<vmem>>[vector<16xi32>, vector<16xi32>], vector<16xf32>,
        %mul3A_214 = arith.mulf %mul3A_206, %gather3A_213 : vector<16xf32>
        tpu.vector_store_idx %arg12[%add3A_142, %broadcast_in_dim3A_212], %mul3A_214 : memref<256x8xf32, #tpu.memory_space<vmem>>[vector<16xi32>, vector<16xi32>], vector<16xf32>,
        %broadcast_in_dim3A_215 = arith.constant 2 : i32
        %broadcast_in_dim3A_216 = vector.broadcast %broadcast_in_dim3A_215 : i32 to vector<16xi32>
        %gather3A_217 = tpu.vector_load_idx %arg8[%get3A_188, %broadcast_in_dim3A_216] : memref<10000x8xf32, #tpu.memory_space<vmem>>[vector<16xi32>, vector<16xi32>], vector<16xf32>,
        %mul3A_218 = arith.mulf %mul3A_206, %gather3A_217 : vector<16xf32>
        tpu.vector_store_idx %arg12[%add3A_142, %broadcast_in_dim3A_216], %mul3A_218 : memref<256x8xf32, #tpu.memory_space<vmem>>[vector<16xi32>, vector<16xi32>], vector<16xf32>,
        %broadcast_in_dim3A_219 = arith.constant 3 : i32
        %broadcast_in_dim3A_220 = vector.broadcast %broadcast_in_dim3A_219 : i32 to vector<16xi32>
        %gather3A_221 = tpu.vector_load_idx %arg8[%get3A_188, %broadcast_in_dim3A_220] : memref<10000x8xf32, #tpu.memory_space<vmem>>[vector<16xi32>, vector<16xi32>], vector<16xf32>,
        %mul3A_222 = arith.mulf %mul3A_206, %gather3A_221 : vector<16xf32>
        tpu.vector_store_idx %arg12[%add3A_142, %broadcast_in_dim3A_220], %mul3A_222 : memref<256x8xf32, #tpu.memory_space<vmem>>[vector<16xi32>, vector<16xi32>], vector<16xf32>,
        %broadcast_in_dim3A_223 = arith.constant 4 : i32
        %broadcast_in_dim3A_224 = vector.broadcast %broadcast_in_dim3A_223 : i32 to vector<16xi32>
        %gather3A_225 = tpu.vector_load_idx %arg8[%get3A_188, %broadcast_in_dim3A_224] : memref<10000x8xf32, #tpu.memory_space<vmem>>[vector<16xi32>, vector<16xi32>], vector<16xf32>,
        %mul3A_226 = arith.mulf %mul3A_206, %gather3A_225 : vector<16xf32>
        tpu.vector_store_idx %arg12[%add3A_142, %broadcast_in_dim3A_224], %mul3A_226 : memref<256x8xf32, #tpu.memory_space<vmem>>[vector<16xi32>, vector<16xi32>], vector<16xf32>,
        %broadcast_in_dim3A_227 = arith.constant 5 : i32
        %broadcast_in_dim3A_228 = vector.broadcast %broadcast_in_dim3A_227 : i32 to vector<16xi32>
        %gather3A_229 = tpu.vector_load_idx %arg8[%get3A_188, %broadcast_in_dim3A_228] : memref<10000x8xf32, #tpu.memory_space<vmem>>[vector<16xi32>, vector<16xi32>], vector<16xf32>,
        %mul3A_230 = arith.mulf %mul3A_206, %gather3A_229 : vector<16xf32>
        tpu.vector_store_idx %arg12[%add3A_142, %broadcast_in_dim3A_228], %mul3A_230 : memref<256x8xf32, #tpu.memory_space<vmem>>[vector<16xi32>, vector<16xi32>], vector<16xf32>,
        %broadcast_in_dim3A_231 = arith.constant 6 : i32
        %broadcast_in_dim3A_232 = vector.broadcast %broadcast_in_dim3A_231 : i32 to vector<16xi32>
        %gather3A_233 = tpu.vector_load_idx %arg8[%get3A_188, %broadcast_in_dim3A_232] : memref<10000x8xf32, #tpu.memory_space<vmem>>[vector<16xi32>, vector<16xi32>], vector<16xf32>,
        %mul3A_234 = arith.mulf %mul3A_206, %gather3A_233 : vector<16xf32>
        tpu.vector_store_idx %arg12[%add3A_142, %broadcast_in_dim3A_232], %mul3A_234 : memref<256x8xf32, #tpu.memory_space<vmem>>[vector<16xi32>, vector<16xi32>], vector<16xf32>,
      }
      %scan3A_37 = arith.constant 16 : i32
      %dma_start3A = arith.constant 2 : i32
      %dma_start3A_38 = arith.constant 0 : i32
      %dma_start3A_39 = arith.constant 0 : i32
      %dma_start3A_40 = tpu.memref_slice %arg12[%dma_start3A_38, %dma_start3A_39] : memref<256x8xf32, #tpu.memory_space<vmem>> -> memref<128x8xf32, #tpu.memory_space<vmem>>
      %dma_start3A_41 = arith.constant 0 : i32
      %dma_start3A_42 = tpu.memref_slice %arg10[%dma_start3A, %dma_start3A_41] : memref<4x128xi32, #tpu.memory_space<vmem>> -> memref<1x128xi32, #tpu.memory_space<vmem>>
      %dma_start3A_43 = tpu.memref_squeeze %dma_start3A_42 : memref<1x128xi32, #tpu.memory_space<vmem>> -> memref<128xi32, #tpu.memory_space<vmem>>
      %dma_start3A_44 = arith.constant 0 : i32
      %dma_start3A_45 = arith.constant 0 : i32
      %dma_start3A_46 = tpu.memref_slice %arg7[%dma_start3A_44, %dma_start3A_45] : memref<10240x8xf32, #tpu.memory_space<vmem_shared>> -> memref<10240x8xf32, #tpu.memory_space<vmem_shared>>
      tpu.enqueue_indirect_dma source(%dma_start3A_40 : memref<128x8xf32, #tpu.memory_space<vmem>>) target(%dma_start3A_46 : memref<10240x8xf32, #tpu.memory_space<vmem_shared>>) offsets(%dma_start3A_43 : memref<128xi32, #tpu.memory_space<vmem>>) semaphore(%arg14 : memref<!tpu.dma_semaphore, #tpu.memory_space<semaphore_mem>>) {add = true}
      %dma_start3A_47 = arith.constant 3 : i32
      %dma_start3A_48 = arith.constant 128 : i32
      %dma_start3A_49 = arith.constant 0 : i32
      %dma_start3A_50 = tpu.memref_slice %arg12[%dma_start3A_48, %dma_start3A_49] : memref<256x8xf32, #tpu.memory_space<vmem>> -> memref<128x8xf32, #tpu.memory_space<vmem>>
      %dma_start3A_51 = arith.constant 0 : i32
      %dma_start3A_52 = tpu.memref_slice %arg10[%dma_start3A_47, %dma_start3A_51] : memref<4x128xi32, #tpu.memory_space<vmem>> -> memref<1x128xi32, #tpu.memory_space<vmem>>
      %dma_start3A_53 = tpu.memref_squeeze %dma_start3A_52 : memref<1x128xi32, #tpu.memory_space<vmem>> -> memref<128xi32, #tpu.memory_space<vmem>>
      %dma_start3A_54 = arith.constant 0 : i32
      %dma_start3A_55 = arith.constant 0 : i32
      %dma_start3A_56 = tpu.memref_slice %arg7[%dma_start3A_54, %dma_start3A_55] : memref<10240x8xf32, #tpu.memory_space<vmem_shared>> -> memref<10240x8xf32, #tpu.memory_space<vmem_shared>>
      tpu.enqueue_indirect_dma source(%dma_start3A_50 : memref<128x8xf32, #tpu.memory_space<vmem>>) target(%dma_start3A_56 : memref<10240x8xf32, #tpu.memory_space<vmem_shared>>) offsets(%dma_start3A_53 : memref<128xi32, #tpu.memory_space<vmem>>) semaphore(%arg14 : memref<!tpu.dma_semaphore, #tpu.memory_space<semaphore_mem>>) {add = true}
      %dma_wait3A = arith.constant 2 : i32
      %dma_wait3A_57 = arith.constant 0 : i32
      %dma_wait3A_58 = arith.constant 0 : i32
      %dma_wait3A_59 = tpu.memref_slice %arg12[%dma_wait3A_57, %dma_wait3A_58] : memref<256x8xf32, #tpu.memory_space<vmem>> -> memref<128x8xf32, #tpu.memory_space<vmem>>
      %dma_wait3A_60 = arith.constant 0 : i32
      %dma_wait3A_61 = tpu.memref_slice %arg10[%dma_wait3A, %dma_wait3A_60] : memref<4x128xi32, #tpu.memory_space<vmem>> -> memref<1x128xi32, #tpu.memory_space<vmem>>
      %dma_wait3A_62 = tpu.memref_squeeze %dma_wait3A_61 : memref<1x128xi32, #tpu.memory_space<vmem>> -> memref<128xi32, #tpu.memory_space<vmem>>
      %dma_wait3A_63 = arith.constant 0 : i32
      %dma_wait3A_64 = arith.constant 0 : i32
      %dma_wait3A_65 = tpu.memref_slice %arg7[%dma_wait3A_63, %dma_wait3A_64] : memref<10240x8xf32, #tpu.memory_space<vmem_shared>> -> memref<10240x8xf32, #tpu.memory_space<vmem_shared>>
      tpu.wait_indirect_dma semaphore(%arg14 : memref<!tpu.dma_semaphore, #tpu.memory_space<semaphore_mem>>) src(%dma_wait3A_59 : memref<128x8xf32, #tpu.memory_space<vmem>>) dst(%dma_wait3A_65 : memref<10240x8xf32, #tpu.memory_space<vmem_shared>>)
      %dma_wait3A_66 = arith.constant 3 : i32
      %dma_wait3A_67 = arith.constant 128 : i32
      %dma_wait3A_68 = arith.constant 0 : i32
      %dma_wait3A_69 = tpu.memref_slice %arg12[%dma_wait3A_67, %dma_wait3A_68] : memref<256x8xf32, #tpu.memory_space<vmem>> -> memref<128x8xf32, #tpu.memory_space<vmem>>
      %dma_wait3A_70 = arith.constant 0 : i32
      %dma_wait3A_71 = tpu.memref_slice %arg10[%dma_wait3A_66, %dma_wait3A_70] : memref<4x128xi32, #tpu.memory_space<vmem>> -> memref<1x128xi32, #tpu.memory_space<vmem>>
      %dma_wait3A_72 = tpu.memref_squeeze %dma_wait3A_71 : memref<1x128xi32, #tpu.memory_space<vmem>> -> memref<128xi32, #tpu.memory_space<vmem>>
      %dma_wait3A_73 = arith.constant 0 : i32
      %dma_wait3A_74 = arith.constant 0 : i32
      %dma_wait3A_75 = tpu.memref_slice %arg7[%dma_wait3A_73, %dma_wait3A_74] : memref<10240x8xf32, #tpu.memory_space<vmem_shared>> -> memref<10240x8xf32, #tpu.memory_space<vmem_shared>>
      tpu.wait_indirect_dma semaphore(%arg14 : memref<!tpu.dma_semaphore, #tpu.memory_space<semaphore_mem>>) src(%dma_wait3A_69 : memref<128x8xf32, #tpu.memory_space<vmem>>) dst(%dma_wait3A_75 : memref<10240x8xf32, #tpu.memory_space<vmem_shared>>)
      %mul3A_76 = arith.constant 2 : i32
      %mul3A_77 = arith.muli %scan3A_15, %mul3A_76 : i32
      %add3A_78 = arith.constant 1 : i32
      %add3A_79 = arith.addi %mul3A_77, %add3A_78 : i32
      %add3A_80 = arith.constant 1 : i32
      %add3A_81 = arith.addi %add3A_79, %add3A_80 : i32
      %mul3A_82 = arith.constant 43 : i32
      %mul3A_83 = arith.muli %add3A, %mul3A_82 : i32
      %add3A_84 = arith.addi %mul3A_83, %add3A_81 : i32
      %mul3A_85 = arith.constant 4 : i32
      %mul3A_86 = arith.muli %add3A_84, %mul3A_85 : i32
      "tpu.region"() ({
        %run_scoped3A = tpu.sem_alloc : memref<!tpu.dma_semaphore, #tpu.memory_space<semaphore_mem>>
        %dma_start3A_138 = arith.constant 0 : i32
        %dma_start3A_139 = tpu.memref_slice %arg4[%mul3A_86, %dma_start3A_138] : memref<5504x128xi32, #tpu.memory_space<hbm>> -> memref<4x128xi32, #tpu.memory_space<hbm>>
        %dma_start3A_140 = arith.constant 0 : i32
        %dma_start3A_141 = tpu.memref_slice %arg4[%mul3A_86, %dma_start3A_140] : memref<5504x128xi32, #tpu.memory_space<hbm>> -> memref<4x128xi32, #tpu.memory_space<hbm>>
        tpu.enqueue_dma source(%dma_start3A_141 : memref<4x128xi32, #tpu.memory_space<hbm>>) target(%arg10 : memref<4x128xi32, #tpu.memory_space<vmem>>) target_semaphore(%run_scoped3A : memref<!tpu.dma_semaphore, #tpu.memory_space<semaphore_mem>>)
        %dma_wait3A_142 = arith.constant 0 : i32
        %dma_wait3A_143 = tpu.memref_slice %arg4[%mul3A_86, %dma_wait3A_142] : memref<5504x128xi32, #tpu.memory_space<hbm>> -> memref<4x128xi32, #tpu.memory_space<hbm>>
        %dma_wait3A_144 = arith.constant 0 : i32
        %dma_wait3A_145 = tpu.memref_slice %arg4[%mul3A_86, %dma_wait3A_144] : memref<5504x128xi32, #tpu.memory_space<hbm>> -> memref<4x128xi32, #tpu.memory_space<hbm>>
        tpu.wait_dma2 semaphore(%run_scoped3A : memref<!tpu.dma_semaphore, #tpu.memory_space<semaphore_mem>>) src(%dma_wait3A_145 : memref<4x128xi32, #tpu.memory_space<hbm>>) dst(%arg10 : memref<4x128xi32, #tpu.memory_space<vmem>>)
        tpu.yield
      }) : () -> ()
      %mul3A_87 = arith.constant 10752 : i32
      %mul3A_88 = arith.muli %add3A, %mul3A_87 : i32
      %mul3A_89 = arith.constant 256 : i32
      %mul3A_90 = arith.muli %add3A_79, %mul3A_89 : i32
      %add3A_91 = arith.addi %mul3A_88, %mul3A_90 : i32
      %scan3A_92 = arith.constant 0 : i32
      %scan3A_93 = arith.constant 0 : i32
      %scan3A_94 = arith.constant 16 : i32
      %scan3A_95 = arith.addi %scan3A_93, %scan3A_94 : i32
      %scan3A_96 = arith.constant 1 : i32
      scf.for %scan3A_138 = %scan3A_93 to %scan3A_95 step %scan3A_96  : i32 {
        %mul3A_139 = arith.constant 16 : i32
        %mul3A_140 = arith.muli %scan3A_138, %mul3A_139 : i32
        %add3A_141 = vector.broadcast %mul3A_140 : i32 to vector<16xi32>
        %add3A_142 = arith.addi %add3A_141, %iota3A : vector<16xi32>
        %mul3A_143 = arith.constant 16 : i32
        %mul3A_144 = arith.muli %scan3A_138, %mul3A_143 : i32
        %add3A_145 = arith.addi %add3A_91, %mul3A_144 : i32
        %add3A_146 = vector.broadcast %add3A_145 : i32 to vector<16xi32>
        %add3A_147 = arith.addi %add3A_146, %iota3A : vector<16xi32>
        %lt3A = arith.constant 330000 : i32
        %lt3A_148 = vector.broadcast %lt3A : i32 to vector<16xi32>
        %lt3A_149 = arith.cmpi slt, %add3A_147, %lt3A_148 : vector<16xi32>
        %jit3A = arith.constant 1.000000e+00 : f32
        %jit3A_150 = arith.constant 0.000000e+00 : f32
        %broadcast_in_dim3A = vector.broadcast %jit3A : f32 to vector<16xf32>
        %broadcast_in_dim3A_151 = vector.broadcast %jit3A_150 : f32 to vector<16xf32>
        %select_n3A = arith.select %lt3A_149, %broadcast_in_dim3A, %broadcast_in_dim3A_151 : vector<16xi1>, vector<16xf32>
        %jit3A_152 = arith.constant 8 : i32
        %div3A = arith.divsi %scan3A_138, %jit3A_152 : i32
        %sign3A = arith.constant 0 : i32
        %sign3A_153 = arith.cmpi sgt, %scan3A_138, %sign3A : i32
        %sign3A_154 = arith.extui %sign3A_153 : i1 to i32
        %sign3A_155 = arith.constant 0 : i32
        %sign3A_156 = arith.cmpi slt, %scan3A_138, %sign3A_155 : i32
        %sign3A_157 = arith.extui %sign3A_156 : i1 to i32
        %sign3A_158 = arith.subi %sign3A_154, %sign3A_157 : i32
        %sign3A_159 = arith.constant 0 : i32
        %sign3A_160 = arith.cmpi sgt, %jit3A_152, %sign3A_159 : i32
        %sign3A_161 = arith.extui %sign3A_160 : i1 to i32
        %sign3A_162 = arith.constant 0 : i32
        %sign3A_163 = arith.cmpi slt, %jit3A_152, %sign3A_162 : i32
        %sign3A_164 = arith.extui %sign3A_163 : i1 to i32
        %sign3A_165 = arith.subi %sign3A_161, %sign3A_164 : i32
        %ne3A = arith.cmpi ne, %sign3A_158, %sign3A_165 : i32
        %rem3A = arith.remsi %scan3A_138, %jit3A_152 : i32
        %ne3A_166 = arith.constant 0 : i32
        %ne3A_167 = arith.cmpi ne, %rem3A, %ne3A_166 : i32
        %and3A = arith.andi %ne3A, %ne3A_167 : i1
        %sub3A = arith.constant 1 : i32
        %sub3A_168 = arith.subi %div3A, %sub3A : i32
        %select_n3A_169 = arith.select %and3A, %sub3A_168, %div3A : i32
        %jit3A_170 = arith.constant 8 : i32
        %eq3A = arith.constant 0 : i32
        %eq3A_171 = arith.cmpi eq, %jit3A_170, %eq3A : i32
        %jit3A_172 = arith.constant 1 : i32
        %select_n3A_173 = arith.select %eq3A_171, %jit3A_172, %jit3A_170 : i32
        %rem3A_174 = arith.remsi %scan3A_138, %select_n3A_173 : i32
        %ne3A_175 = arith.constant 0 : i32
        %ne3A_176 = arith.cmpi ne, %rem3A_174, %ne3A_175 : i32
        %lt3A_177 = arith.constant 0 : i32
        %lt3A_178 = arith.cmpi slt, %rem3A_174, %lt3A_177 : i32
        %lt3A_179 = arith.constant 0 : i32
        %lt3A_180 = arith.cmpi slt, %select_n3A_173, %lt3A_179 : i32
        %ne3A_181 = arith.xori %lt3A_178, %lt3A_180 : i1
        %and3A_182 = arith.andi %ne3A_181, %ne3A_176 : i1
        %add3A_183 = arith.addi %rem3A_174, %select_n3A_173 : i32
        %select_n3A_184 = arith.select %and3A_182, %add3A_183, %rem3A_174 : i32
        %mul3A_185 = arith.constant 16 : i32
        %mul3A_186 = arith.muli %select_n3A_184, %mul3A_185 : i32
        %get3A = arith.index_cast %select_n3A_169 : i32 to index
        %get3A_187 = arith.index_cast %mul3A_186 : i32 to index
        %get3A_188 = tpu.vector_load %arg11[%get3A, %get3A_187] {strides = array<i32>} : memref<4x128xi32, #tpu.memory_space<vmem>>, vector<16xi32>,
        %add3A_189 = arith.constant 2 : i32
        %add3A_190 = arith.addi %add3A_189, %select_n3A_169 : i32
        %mul3A_191 = arith.constant 16 : i32
        %mul3A_192 = arith.muli %select_n3A_184, %mul3A_191 : i32
        %get3A_193 = arith.index_cast %add3A_190 : i32 to index
        %get3A_194 = arith.index_cast %mul3A_192 : i32 to index
        %get3A_195 = tpu.vector_load %arg11[%get3A_193, %get3A_194] {strides = array<i32>} : memref<4x128xi32, #tpu.memory_space<vmem>>, vector<16xi32>,
        %broadcast_in_dim3A_196 = arith.constant 7 : i32
        %broadcast_in_dim3A_197 = vector.broadcast %broadcast_in_dim3A_196 : i32 to vector<16xi32>
        %gather3A = tpu.vector_load_idx %arg8[%get3A_188, %broadcast_in_dim3A_197] : memref<10000x8xf32, #tpu.memory_space<vmem>>[vector<16xi32>, vector<16xi32>], vector<16xf32>,
        %gather3A_198 = tpu.vector_load_idx %arg9[%get3A_195] : memref<10000xf32, #tpu.memory_space<vmem>>[vector<16xi32>], vector<16xf32>,
        %add3A_199 = arith.addf %gather3A, %gather3A_198 : vector<16xf32>
        %ge3A = arith.constant 0.000000e+00 : f32
        %ge3A_200 = vector.broadcast %ge3A : f32 to vector<16xf32>
        %ge3A_201 = arith.cmpf oge, %add3A_199, %ge3A_200 : vector<16xf32>
        %mul3A_202 = arith.constant 2.000000e-01 : f32
        %mul3A_203 = vector.broadcast %mul3A_202 : f32 to vector<16xf32>
        %mul3A_204 = arith.mulf %mul3A_203, %add3A_199 : vector<16xf32>
        %select_n3A_205 = arith.select %ge3A_201, %add3A_199, %mul3A_204 : vector<16xi1>, vector<16xf32>
        %exp3A = math.exp %select_n3A_205 : vector<16xf32>
        %mul3A_206 = arith.mulf %exp3A, %select_n3A : vector<16xf32>
        tpu.vector_store_idx %arg13[%add3A_142, %broadcast_in_dim3A_197], %mul3A_206 : memref<256x8xf32, #tpu.memory_space<vmem>>[vector<16xi32>, vector<16xi32>], vector<16xf32>,
        %broadcast_in_dim3A_207 = arith.constant 0 : i32
        %broadcast_in_dim3A_208 = vector.broadcast %broadcast_in_dim3A_207 : i32 to vector<16xi32>
        %gather3A_209 = tpu.vector_load_idx %arg8[%get3A_188, %broadcast_in_dim3A_208] : memref<10000x8xf32, #tpu.memory_space<vmem>>[vector<16xi32>, vector<16xi32>], vector<16xf32>,
        %mul3A_210 = arith.mulf %mul3A_206, %gather3A_209 : vector<16xf32>
        tpu.vector_store_idx %arg13[%add3A_142, %broadcast_in_dim3A_208], %mul3A_210 : memref<256x8xf32, #tpu.memory_space<vmem>>[vector<16xi32>, vector<16xi32>], vector<16xf32>,
        %broadcast_in_dim3A_211 = arith.constant 1 : i32
        %broadcast_in_dim3A_212 = vector.broadcast %broadcast_in_dim3A_211 : i32 to vector<16xi32>
        %gather3A_213 = tpu.vector_load_idx %arg8[%get3A_188, %broadcast_in_dim3A_212] : memref<10000x8xf32, #tpu.memory_space<vmem>>[vector<16xi32>, vector<16xi32>], vector<16xf32>,
        %mul3A_214 = arith.mulf %mul3A_206, %gather3A_213 : vector<16xf32>
        tpu.vector_store_idx %arg13[%add3A_142, %broadcast_in_dim3A_212], %mul3A_214 : memref<256x8xf32, #tpu.memory_space<vmem>>[vector<16xi32>, vector<16xi32>], vector<16xf32>,
        %broadcast_in_dim3A_215 = arith.constant 2 : i32
        %broadcast_in_dim3A_216 = vector.broadcast %broadcast_in_dim3A_215 : i32 to vector<16xi32>
        %gather3A_217 = tpu.vector_load_idx %arg8[%get3A_188, %broadcast_in_dim3A_216] : memref<10000x8xf32, #tpu.memory_space<vmem>>[vector<16xi32>, vector<16xi32>], vector<16xf32>,
        %mul3A_218 = arith.mulf %mul3A_206, %gather3A_217 : vector<16xf32>
        tpu.vector_store_idx %arg13[%add3A_142, %broadcast_in_dim3A_216], %mul3A_218 : memref<256x8xf32, #tpu.memory_space<vmem>>[vector<16xi32>, vector<16xi32>], vector<16xf32>,
        %broadcast_in_dim3A_219 = arith.constant 3 : i32
        %broadcast_in_dim3A_220 = vector.broadcast %broadcast_in_dim3A_219 : i32 to vector<16xi32>
        %gather3A_221 = tpu.vector_load_idx %arg8[%get3A_188, %broadcast_in_dim3A_220] : memref<10000x8xf32, #tpu.memory_space<vmem>>[vector<16xi32>, vector<16xi32>], vector<16xf32>,
        %mul3A_222 = arith.mulf %mul3A_206, %gather3A_221 : vector<16xf32>
        tpu.vector_store_idx %arg13[%add3A_142, %broadcast_in_dim3A_220], %mul3A_222 : memref<256x8xf32, #tpu.memory_space<vmem>>[vector<16xi32>, vector<16xi32>], vector<16xf32>,
        %broadcast_in_dim3A_223 = arith.constant 4 : i32
        %broadcast_in_dim3A_224 = vector.broadcast %broadcast_in_dim3A_223 : i32 to vector<16xi32>
        %gather3A_225 = tpu.vector_load_idx %arg8[%get3A_188, %broadcast_in_dim3A_224] : memref<10000x8xf32, #tpu.memory_space<vmem>>[vector<16xi32>, vector<16xi32>], vector<16xf32>,
        %mul3A_226 = arith.mulf %mul3A_206, %gather3A_225 : vector<16xf32>
        tpu.vector_store_idx %arg13[%add3A_142, %broadcast_in_dim3A_224], %mul3A_226 : memref<256x8xf32, #tpu.memory_space<vmem>>[vector<16xi32>, vector<16xi32>], vector<16xf32>,
        %broadcast_in_dim3A_227 = arith.constant 5 : i32
        %broadcast_in_dim3A_228 = vector.broadcast %broadcast_in_dim3A_227 : i32 to vector<16xi32>
        %gather3A_229 = tpu.vector_load_idx %arg8[%get3A_188, %broadcast_in_dim3A_228] : memref<10000x8xf32, #tpu.memory_space<vmem>>[vector<16xi32>, vector<16xi32>], vector<16xf32>,
        %mul3A_230 = arith.mulf %mul3A_206, %gather3A_229 : vector<16xf32>
        tpu.vector_store_idx %arg13[%add3A_142, %broadcast_in_dim3A_228], %mul3A_230 : memref<256x8xf32, #tpu.memory_space<vmem>>[vector<16xi32>, vector<16xi32>], vector<16xf32>,
        %broadcast_in_dim3A_231 = arith.constant 6 : i32
        %broadcast_in_dim3A_232 = vector.broadcast %broadcast_in_dim3A_231 : i32 to vector<16xi32>
        %gather3A_233 = tpu.vector_load_idx %arg8[%get3A_188, %broadcast_in_dim3A_232] : memref<10000x8xf32, #tpu.memory_space<vmem>>[vector<16xi32>, vector<16xi32>], vector<16xf32>,
        %mul3A_234 = arith.mulf %mul3A_206, %gather3A_233 : vector<16xf32>
        tpu.vector_store_idx %arg13[%add3A_142, %broadcast_in_dim3A_232], %mul3A_234 : memref<256x8xf32, #tpu.memory_space<vmem>>[vector<16xi32>, vector<16xi32>], vector<16xf32>,
      }
      %scan3A_97 = arith.constant 16 : i32
      %dma_start3A_98 = arith.constant 2 : i32
      %dma_start3A_99 = arith.constant 0 : i32
      %dma_start3A_100 = arith.constant 0 : i32
      %dma_start3A_101 = tpu.memref_slice %arg13[%dma_start3A_99, %dma_start3A_100] : memref<256x8xf32, #tpu.memory_space<vmem>> -> memref<128x8xf32, #tpu.memory_space<vmem>>
      %dma_start3A_102 = arith.constant 0 : i32
      %dma_start3A_103 = tpu.memref_slice %arg11[%dma_start3A_98, %dma_start3A_102] : memref<4x128xi32, #tpu.memory_space<vmem>> -> memref<1x128xi32, #tpu.memory_space<vmem>>
      %dma_start3A_104 = tpu.memref_squeeze %dma_start3A_103 : memref<1x128xi32, #tpu.memory_space<vmem>> -> memref<128xi32, #tpu.memory_space<vmem>>
      %dma_start3A_105 = arith.constant 0 : i32
      %dma_start3A_106 = arith.constant 0 : i32
      %dma_start3A_107 = tpu.memref_slice %arg7[%dma_start3A_105, %dma_start3A_106] : memref<10240x8xf32, #tpu.memory_space<vmem_shared>> -> memref<10240x8xf32, #tpu.memory_space<vmem_shared>>
      tpu.enqueue_indirect_dma source(%dma_start3A_101 : memref<128x8xf32, #tpu.memory_space<vmem>>) target(%dma_start3A_107 : memref<10240x8xf32, #tpu.memory_space<vmem_shared>>) offsets(%dma_start3A_104 : memref<128xi32, #tpu.memory_space<vmem>>) semaphore(%arg14 : memref<!tpu.dma_semaphore, #tpu.memory_space<semaphore_mem>>) {add = true}
      %dma_start3A_108 = arith.constant 3 : i32
      %dma_start3A_109 = arith.constant 128 : i32
      %dma_start3A_110 = arith.constant 0 : i32
      %dma_start3A_111 = tpu.memref_slice %arg13[%dma_start3A_109, %dma_start3A_110] : memref<256x8xf32, #tpu.memory_space<vmem>> -> memref<128x8xf32, #tpu.memory_space<vmem>>
      %dma_start3A_112 = arith.constant 0 : i32
      %dma_start3A_113 = tpu.memref_slice %arg11[%dma_start3A_108, %dma_start3A_112] : memref<4x128xi32, #tpu.memory_space<vmem>> -> memref<1x128xi32, #tpu.memory_space<vmem>>
      %dma_start3A_114 = tpu.memref_squeeze %dma_start3A_113 : memref<1x128xi32, #tpu.memory_space<vmem>> -> memref<128xi32, #tpu.memory_space<vmem>>
      %dma_start3A_115 = arith.constant 0 : i32
      %dma_start3A_116 = arith.constant 0 : i32
      %dma_start3A_117 = tpu.memref_slice %arg7[%dma_start3A_115, %dma_start3A_116] : memref<10240x8xf32, #tpu.memory_space<vmem_shared>> -> memref<10240x8xf32, #tpu.memory_space<vmem_shared>>
      tpu.enqueue_indirect_dma source(%dma_start3A_111 : memref<128x8xf32, #tpu.memory_space<vmem>>) target(%dma_start3A_117 : memref<10240x8xf32, #tpu.memory_space<vmem_shared>>) offsets(%dma_start3A_114 : memref<128xi32, #tpu.memory_space<vmem>>) semaphore(%arg14 : memref<!tpu.dma_semaphore, #tpu.memory_space<semaphore_mem>>) {add = true}
      %dma_wait3A_118 = arith.constant 2 : i32
      %dma_wait3A_119 = arith.constant 0 : i32
      %dma_wait3A_120 = arith.constant 0 : i32
      %dma_wait3A_121 = tpu.memref_slice %arg13[%dma_wait3A_119, %dma_wait3A_120] : memref<256x8xf32, #tpu.memory_space<vmem>> -> memref<128x8xf32, #tpu.memory_space<vmem>>
      %dma_wait3A_122 = arith.constant 0 : i32
      %dma_wait3A_123 = tpu.memref_slice %arg11[%dma_wait3A_118, %dma_wait3A_122] : memref<4x128xi32, #tpu.memory_space<vmem>> -> memref<1x128xi32, #tpu.memory_space<vmem>>
      %dma_wait3A_124 = tpu.memref_squeeze %dma_wait3A_123 : memref<1x128xi32, #tpu.memory_space<vmem>> -> memref<128xi32, #tpu.memory_space<vmem>>
      %dma_wait3A_125 = arith.constant 0 : i32
      %dma_wait3A_126 = arith.constant 0 : i32
      %dma_wait3A_127 = tpu.memref_slice %arg7[%dma_wait3A_125, %dma_wait3A_126] : memref<10240x8xf32, #tpu.memory_space<vmem_shared>> -> memref<10240x8xf32, #tpu.memory_space<vmem_shared>>
      tpu.wait_indirect_dma semaphore(%arg14 : memref<!tpu.dma_semaphore, #tpu.memory_space<semaphore_mem>>) src(%dma_wait3A_121 : memref<128x8xf32, #tpu.memory_space<vmem>>) dst(%dma_wait3A_127 : memref<10240x8xf32, #tpu.memory_space<vmem_shared>>)
      %dma_wait3A_128 = arith.constant 3 : i32
      %dma_wait3A_129 = arith.constant 128 : i32
      %dma_wait3A_130 = arith.constant 0 : i32
      %dma_wait3A_131 = tpu.memref_slice %arg13[%dma_wait3A_129, %dma_wait3A_130] : memref<256x8xf32, #tpu.memory_space<vmem>> -> memref<128x8xf32, #tpu.memory_space<vmem>>
      %dma_wait3A_132 = arith.constant 0 : i32
      %dma_wait3A_133 = tpu.memref_slice %arg11[%dma_wait3A_128, %dma_wait3A_132] : memref<4x128xi32, #tpu.memory_space<vmem>> -> memref<1x128xi32, #tpu.memory_space<vmem>>
      %dma_wait3A_134 = tpu.memref_squeeze %dma_wait3A_133 : memref<1x128xi32, #tpu.memory_space<vmem>> -> memref<128xi32, #tpu.memory_space<vmem>>
      %dma_wait3A_135 = arith.constant 0 : i32
      %dma_wait3A_136 = arith.constant 0 : i32
      %dma_wait3A_137 = tpu.memref_slice %arg7[%dma_wait3A_135, %dma_wait3A_136] : memref<10240x8xf32, #tpu.memory_space<vmem_shared>> -> memref<10240x8xf32, #tpu.memory_space<vmem_shared>>
      tpu.wait_indirect_dma semaphore(%arg14 : memref<!tpu.dma_semaphore, #tpu.memory_space<semaphore_mem>>) src(%dma_wait3A_131 : memref<128x8xf32, #tpu.memory_space<vmem>>) dst(%dma_wait3A_137 : memref<10240x8xf32, #tpu.memory_space<vmem_shared>>)
    }
    %scan3A_13 = arith.constant 21 : i32
    %barrier3A_14 = arith.constant 0 : index
    tpu.barrier barrier_id(%barrier3A_14)
    "tpu.region"() ({
      %run_scoped3A = tpu.sem_alloc : memref<!tpu.dma_semaphore, #tpu.memory_space<semaphore_mem>>
      %dma_start3A = arith.constant 0 : i32
      %dma_start3A_15 = tpu.memref_slice %arg6[%arg0, %mul3A_2, %dma_start3A] : memref<2x10240x8xf32, #tpu.memory_space<hbm>> -> memref<1x640x8xf32, #tpu.memory_space<hbm>>
      %dma_start3A_16 = tpu.memref_squeeze %dma_start3A_15 : memref<1x640x8xf32, #tpu.memory_space<hbm>> -> memref<640x8xf32, #tpu.memory_space<hbm>>
      %dma_start3A_17 = arith.constant 0 : i32
      %dma_start3A_18 = tpu.memref_slice %arg7[%mul3A_2, %dma_start3A_17] : memref<10240x8xf32, #tpu.memory_space<vmem_shared>> -> memref<640x8xf32, #tpu.memory_space<vmem_shared>>
      tpu.enqueue_dma source(%dma_start3A_18 : memref<640x8xf32, #tpu.memory_space<vmem_shared>>) target(%dma_start3A_16 : memref<640x8xf32, #tpu.memory_space<hbm>>) target_semaphore(%run_scoped3A : memref<!tpu.dma_semaphore, #tpu.memory_space<semaphore_mem>>)
      %dma_wait3A = arith.constant 0 : i32
      %dma_wait3A_19 = tpu.memref_slice %arg6[%arg0, %mul3A_2, %dma_wait3A] : memref<2x10240x8xf32, #tpu.memory_space<hbm>> -> memref<1x640x8xf32, #tpu.memory_space<hbm>>
      %dma_wait3A_20 = tpu.memref_squeeze %dma_wait3A_19 : memref<1x640x8xf32, #tpu.memory_space<hbm>> -> memref<640x8xf32, #tpu.memory_space<hbm>>
      %dma_wait3A_21 = arith.constant 0 : i32
      %dma_wait3A_22 = tpu.memref_slice %arg7[%mul3A_2, %dma_wait3A_21] : memref<10240x8xf32, #tpu.memory_space<vmem_shared>> -> memref<640x8xf32, #tpu.memory_space<vmem_shared>>
      tpu.wait_dma2 semaphore(%run_scoped3A : memref<!tpu.dma_semaphore, #tpu.memory_space<semaphore_mem>>) src(%dma_wait3A_22 : memref<640x8xf32, #tpu.memory_space<vmem_shared>>) dst(%dma_wait3A_20 : memref<640x8xf32, #tpu.memory_space<hbm>>)
      tpu.yield
    }) : () -> ()
    return
  }
}

module attributes {stable_mosaic.version = 14 : i64} {
  func.func @body(%arg0: i32, %arg1: i32, %arg2: memref<640x128xf32, #tpu.memory_space<vmem>>, %arg3: memref<1x128x48xf32, #tpu.memory_space<vmem>>, %arg4: memref<1x640x40xf32, #tpu.memory_space<vmem>>, %arg5: memref<1x640x8xf32, #tpu.memory_space<vmem>>) attributes {dimension_semantics = [#tpu.dimension_semantics<arbitrary>, #tpu.dimension_semantics<arbitrary>], iteration_bounds = array<i64: 2, 16>, scalar_prefetch = 0 : i64, scratch_operands = 0 : i64, tpu.core_type = #tpu.core_type<tc>, window_params = [{transform_indices = @transform_0, window_bounds = array<i64: 640, 128>}, {transform_indices = @transform_1, window_bounds = array<i64: 1, 128, 48>}, {transform_indices = @transform_2, window_bounds = array<i64: 1, 640, 40>}, {transform_indices = @transform_3, window_bounds = array<i64: 1, 640, 8>}]} {
    %get3A = arith.constant 0 : index
    %get3A_0 = arith.constant 0 : index
    %get3A_1 = vector.load %arg2[%get3A, %get3A_0] : memref<640x128xf32, #tpu.memory_space<vmem>>, vector<640x128xf32>
    %get3A_2 = arith.constant 0 : index
    %get3A_3 = arith.constant 0 : index
    %get3A_4 = arith.constant 0 : index
    %get3A_5 = vector.load %arg3[%get3A_2, %get3A_3, %get3A_4] : memref<1x128x48xf32, #tpu.memory_space<vmem>>, vector<1x128x48xf32>
    %get3A_6 = vector.shape_cast %get3A_5 : vector<1x128x48xf32> to vector<128x48xf32>
    %dot_general3A = arith.constant dense<0.000000e+00> : vector<640x48xf32>
    %dot_general3A_7 = tpu.matmul %get3A_1, %get3A_6, %dot_general3A {dimension_numbers = #tpu.dot_dimension_numbers<[1], [0], [0], [1], [0, 0, 1, 1], [], []>, transpose_lhs_hint = false} : vector<640x128xf32>, vector<128x48xf32>, vector<640x48xf32> -> vector<640x48xf32>
    %slice3A = vector.extract_strided_slice %dot_general3A_7 {offsets = [0, 0], sizes = [640, 40], strides = [1, 1]} : vector<640x48xf32> to vector<640x40xf32>
    %swap3A = arith.constant 0 : index
    %swap3A_8 = arith.constant 0 : index
    %swap3A_9 = arith.constant 0 : index
    %swap3A_10 = vector.load %arg4[%swap3A, %swap3A_8, %swap3A_9] : memref<1x640x40xf32, #tpu.memory_space<vmem>>, vector<1x640x40xf32>
    %swap3A_11 = vector.shape_cast %swap3A_10 : vector<1x640x40xf32> to vector<640x40xf32>
    %swap3A_12 = vector.shape_cast %slice3A : vector<640x40xf32> to vector<1x640x40xf32>
    tpu.vector_store %arg4[%swap3A, %swap3A_8, %swap3A_9], %swap3A_12 {strides = array<i32>} : memref<1x640x40xf32, #tpu.memory_space<vmem>>, vector<1x640x40xf32>,
    %slice3A_13 = vector.extract_strided_slice %dot_general3A_7 {offsets = [0, 40], sizes = [640, 8], strides = [1, 1]} : vector<640x48xf32> to vector<640x8xf32>
    %swap3A_14 = arith.constant 0 : index
    %swap3A_15 = arith.constant 0 : index
    %swap3A_16 = arith.constant 0 : index
    %swap3A_17 = vector.load %arg5[%swap3A_14, %swap3A_15, %swap3A_16] : memref<1x640x8xf32, #tpu.memory_space<vmem>>, vector<1x640x8xf32>
    %swap3A_18 = vector.shape_cast %swap3A_17 : vector<1x640x8xf32> to vector<640x8xf32>
    %swap3A_19 = vector.shape_cast %slice3A_13 : vector<640x8xf32> to vector<1x640x8xf32>
    tpu.vector_store %arg5[%swap3A_14, %swap3A_15, %swap3A_16], %swap3A_19 {strides = array<i32>} : memref<1x640x8xf32, #tpu.memory_space<vmem>>, vector<1x640x8xf32>,
    return
  }
  func.func @transform_0(%arg0: i32, %arg1: i32) -> (i32, i32) {
    %c0_i32 = arith.constant 0 : i32
    %c0_i32_0 = arith.constant 0 : i32
    return %arg1, %c0_i32 : i32, i32
  }
  func.func @transform_1(%arg0: i32, %arg1: i32) -> (i32, i32, i32) {
    %c0_i32 = arith.constant 0 : i32
    %c0_i32_0 = arith.constant 0 : i32
    %c0_i32_1 = arith.constant 0 : i32
    return %arg0, %c0_i32, %c0_i32_0 : i32, i32, i32
  }
  func.func @transform_2(%arg0: i32, %arg1: i32) -> (i32, i32, i32) {
    %c0_i32 = arith.constant 0 : i32
    %c0_i32_0 = arith.constant 0 : i32
    return %arg0, %arg1, %c0_i32 : i32, i32, i32
  }
  func.func @transform_3(%arg0: i32, %arg1: i32) -> (i32, i32, i32) {
    %c0_i32 = arith.constant 0 : i32
    %c0_i32_0 = arith.constant 0 : i32
    return %arg0, %arg1, %c0_i32 : i32, i32, i32
  }
}

module attributes {stable_mosaic.version = 14 : i64} {
  func.func @body(%arg0: i32, %arg1: memref<2x1000x40xf32, #tpu.memory_space<vmem>>, %arg2: memref<1x64xf32, #tpu.memory_space<vmem>>, %arg3: memref<8x64xf32, #tpu.memory_space<vmem>>, %arg4: memref<64x8xf32, #tpu.memory_space<vmem>>, %arg5: memref<64x1xf32, #tpu.memory_space<vmem>>, %arg6: memref<1000x8xf32, #tpu.memory_space<vmem>>, %arg7: memref<1000x1xf32, #tpu.memory_space<vmem>>) attributes {dimension_semantics = [#tpu.dimension_semantics<arbitrary>], iteration_bounds = array<i64: 10>, scalar_prefetch = 0 : i64, scratch_operands = 0 : i64, tpu.core_type = #tpu.core_type<tc>, window_params = [{transform_indices = @transform_0, window_bounds = array<i64: 2, 1000, 40>}, {pipeline_mode = #tpu.pipeline_mode<synchronous>, transform_indices = @transform_1, window_bounds = array<i64: 1, 64>}, {pipeline_mode = #tpu.pipeline_mode<synchronous>, transform_indices = @transform_2, window_bounds = array<i64: 8, 64>}, {pipeline_mode = #tpu.pipeline_mode<synchronous>, transform_indices = @transform_3, window_bounds = array<i64: 64, 8>}, {pipeline_mode = #tpu.pipeline_mode<synchronous>, transform_indices = @transform_4, window_bounds = array<i64: 64, 1>}, {transform_indices = @transform_5, window_bounds = array<i64: 1000, 8>}, {transform_indices = @transform_6, window_bounds = array<i64: 1000, 1>}]} {
    %get3A = arith.constant 0 : index
    %get3A_0 = arith.constant 0 : index
    %get3A_1 = arith.constant 0 : index
    %get3A_2 = vector.load %arg1[%get3A, %get3A_0, %get3A_1] : memref<2x1000x40xf32, #tpu.memory_space<vmem>>, vector<1x1000x32xf32>
    %get3A_3 = vector.shape_cast %get3A_2 : vector<1x1000x32xf32> to vector<1000x32xf32>
    %get3A_4 = arith.constant 1 : index
    %get3A_5 = arith.constant 0 : index
    %get3A_6 = arith.constant 0 : index
    %get3A_7 = vector.load %arg1[%get3A_4, %get3A_5, %get3A_6] : memref<2x1000x40xf32, #tpu.memory_space<vmem>>, vector<1x1000x32xf32>
    %get3A_8 = vector.shape_cast %get3A_7 : vector<1x1000x32xf32> to vector<1000x32xf32>
    %concatenate3A = tpu.concatenate %get3A_3, %get3A_8 in 1 : vector<1000x32xf32>, vector<1000x32xf32> -> vector<1000x64xf32>
    %get3A_9 = arith.constant 0 : index
    %get3A_10 = arith.constant 0 : index
    %get3A_11 = arith.constant 32 : index
    %get3A_12 = vector.load %arg1[%get3A_9, %get3A_10, %get3A_11] : memref<2x1000x40xf32, #tpu.memory_space<vmem>>, vector<1x1000x4xf32>
    %get3A_13 = vector.shape_cast %get3A_12 : vector<1x1000x4xf32> to vector<1000x4xf32>
    %get3A_14 = arith.constant 1 : index
    %get3A_15 = arith.constant 0 : index
    %get3A_16 = arith.constant 32 : index
    %get3A_17 = vector.load %arg1[%get3A_14, %get3A_15, %get3A_16] : memref<2x1000x40xf32, #tpu.memory_space<vmem>>, vector<1x1000x4xf32>
    %get3A_18 = vector.shape_cast %get3A_17 : vector<1x1000x4xf32> to vector<1000x4xf32>
    %concatenate3A_19 = tpu.concatenate %get3A_13, %get3A_18 in 1 : vector<1000x4xf32>, vector<1000x4xf32> -> vector<1000x8xf32>
    %get3A_20 = arith.constant 0 : index
    %get3A_21 = arith.constant 0 : index
    %get3A_22 = vector.load %arg3[%get3A_20, %get3A_21] : memref<8x64xf32, #tpu.memory_space<vmem>>, vector<8x64xf32>
    %dot_general3A = arith.constant dense<0.000000e+00> : vector<1000x64xf32>
    %dot_general3A_23 = tpu.matmul %concatenate3A_19, %get3A_22, %dot_general3A {dimension_numbers = #tpu.dot_dimension_numbers<[1], [0], [0], [1], [0, 0, 1, 1], [], []>, transpose_lhs_hint = false} : vector<1000x8xf32>, vector<8x64xf32>, vector<1000x64xf32> -> vector<1000x64xf32>
    %div3A = arith.divf %concatenate3A, %dot_general3A_23 : vector<1000x64xf32>
    %get3A_24 = arith.constant 0 : index
    %get3A_25 = arith.constant 0 : index
    %get3A_26 = vector.load %arg2[%get3A_24, %get3A_25] : memref<1x64xf32, #tpu.memory_space<vmem>>, vector<1x64xf32>
    %add3A = vector.broadcast %get3A_26 : vector<1x64xf32> to vector<1000x64xf32>
    %add3A_27 = arith.addf %div3A, %add3A : vector<1000x64xf32>
    %get3A_28 = arith.constant 0 : index
    %get3A_29 = arith.constant 0 : index
    %get3A_30 = vector.load %arg4[%get3A_28, %get3A_29] : memref<64x8xf32, #tpu.memory_space<vmem>>, vector<64x8xf32>
    %dot_general3A_31 = arith.constant dense<0.000000e+00> : vector<1000x8xf32>
    %dot_general3A_32 = tpu.matmul %add3A_27, %get3A_30, %dot_general3A_31 {dimension_numbers = #tpu.dot_dimension_numbers<[1], [0], [0], [1], [0, 0, 1, 1], [], []>, transpose_lhs_hint = false} : vector<1000x64xf32>, vector<64x8xf32>, vector<1000x8xf32> -> vector<1000x8xf32>
    %swap3A = arith.constant 0 : index
    %swap3A_33 = arith.constant 0 : index
    %swap3A_34 = vector.load %arg6[%swap3A, %swap3A_33] : memref<1000x8xf32, #tpu.memory_space<vmem>>, vector<1000x8xf32>
    tpu.vector_store %arg6[%swap3A, %swap3A_33], %dot_general3A_32 {strides = array<i32>} : memref<1000x8xf32, #tpu.memory_space<vmem>>, vector<1000x8xf32>,
    %get3A_35 = arith.constant 0 : index
    %get3A_36 = arith.constant 0 : index
    %get3A_37 = vector.load %arg5[%get3A_35, %get3A_36] : memref<64x1xf32, #tpu.memory_space<vmem>>, vector<64x1xf32>
    %dot_general3A_38 = arith.constant dense<0.000000e+00> : vector<1000x1xf32>
    %dot_general3A_39 = tpu.matmul %add3A_27, %get3A_37, %dot_general3A_38 {dimension_numbers = #tpu.dot_dimension_numbers<[1], [0], [0], [1], [0, 0, 1, 1], [], []>, transpose_lhs_hint = false} : vector<1000x64xf32>, vector<64x1xf32>, vector<1000x1xf32> -> vector<1000x1xf32>
    %swap3A_40 = arith.constant 0 : index
    %swap3A_41 = arith.constant 0 : index
    %swap3A_42 = vector.load %arg7[%swap3A_40, %swap3A_41] : memref<1000x1xf32, #tpu.memory_space<vmem>>, vector<1000x1xf32>
    tpu.vector_store %arg7[%swap3A_40, %swap3A_41], %dot_general3A_39 {strides = array<i32>} : memref<1000x1xf32, #tpu.memory_space<vmem>>, vector<1000x1xf32>,
    return
  }
  func.func @transform_0(%arg0: i32) -> (i32, i32, i32) {
    %c0_i32 = arith.constant 0 : i32
    %c0_i32_0 = arith.constant 0 : i32
    %c0_i32_1 = arith.constant 0 : i32
    return %c0_i32, %arg0, %c0_i32_0 : i32, i32, i32
  }
  func.func @transform_1(%arg0: i32) -> (i32, i32) {
    %c0_i32 = arith.constant 0 : i32
    %c0_i32_0 = arith.constant 0 : i32
    %c0_i32_1 = arith.constant 0 : i32
    return %c0_i32, %c0_i32_0 : i32, i32
  }
  func.func @transform_2(%arg0: i32) -> (i32, i32) {
    %c0_i32 = arith.constant 0 : i32
    %c0_i32_0 = arith.constant 0 : i32
    %c0_i32_1 = arith.constant 0 : i32
    return %c0_i32, %c0_i32_0 : i32, i32
  }
  func.func @transform_3(%arg0: i32) -> (i32, i32) {
    %c0_i32 = arith.constant 0 : i32
    %c0_i32_0 = arith.constant 0 : i32
    %c0_i32_1 = arith.constant 0 : i32
    return %c0_i32, %c0_i32_0 : i32, i32
  }
  func.func @transform_4(%arg0: i32) -> (i32, i32) {
    %c0_i32 = arith.constant 0 : i32
    %c0_i32_0 = arith.constant 0 : i32
    %c0_i32_1 = arith.constant 0 : i32
    return %c0_i32, %c0_i32_0 : i32, i32
  }
  func.func @transform_5(%arg0: i32) -> (i32, i32) {
    %c0_i32 = arith.constant 0 : i32
    %c0_i32_0 = arith.constant 0 : i32
    return %arg0, %c0_i32 : i32, i32
  }
  func.func @transform_6(%arg0: i32) -> (i32, i32) {
    %c0_i32 = arith.constant 0 : i32
    %c0_i32_0 = arith.constant 0 : i32
    return %arg0, %c0_i32 : i32, i32
  }
}

module attributes {stable_mosaic.version = 14 : i64} {
  func.func @body(%arg0: i32, %arg1: memref<2x1000x8xf32, #tpu.memory_space<vmem>>, %arg2: memref<1x7xf32, #tpu.memory_space<vmem>>, %arg3: memref<1000x7xf32, #tpu.memory_space<vmem>>) attributes {dimension_semantics = [#tpu.dimension_semantics<arbitrary>], iteration_bounds = array<i64: 10>, scalar_prefetch = 0 : i64, scratch_operands = 0 : i64, tpu.core_type = #tpu.core_type<tc>, window_params = [{transform_indices = @transform_0, window_bounds = array<i64: 2, 1000, 8>}, {pipeline_mode = #tpu.pipeline_mode<synchronous>, transform_indices = @transform_1, window_bounds = array<i64: 1, 7>}, {transform_indices = @transform_2, window_bounds = array<i64: 1000, 7>}]} {
    %get3A = arith.constant 0 : index
    %get3A_0 = arith.constant 0 : index
    %get3A_1 = arith.constant 0 : index
    %get3A_2 = vector.load %arg1[%get3A, %get3A_0, %get3A_1] : memref<2x1000x8xf32, #tpu.memory_space<vmem>>, vector<1x1000x7xf32>
    %get3A_3 = vector.shape_cast %get3A_2 : vector<1x1000x7xf32> to vector<1000x7xf32>
    %get3A_4 = arith.constant 1 : index
    %get3A_5 = arith.constant 0 : index
    %get3A_6 = arith.constant 0 : index
    %get3A_7 = vector.load %arg1[%get3A_4, %get3A_5, %get3A_6] : memref<2x1000x8xf32, #tpu.memory_space<vmem>>, vector<1x1000x7xf32>
    %get3A_8 = vector.shape_cast %get3A_7 : vector<1x1000x7xf32> to vector<1000x7xf32>
    %add3A = arith.addf %get3A_3, %get3A_8 : vector<1000x7xf32>
    %get3A_9 = arith.constant 0 : index
    %get3A_10 = arith.constant 0 : index
    %get3A_11 = arith.constant 7 : index
    %get3A_12 = vector.load %arg1[%get3A_9, %get3A_10, %get3A_11] : memref<2x1000x8xf32, #tpu.memory_space<vmem>>, vector<1x1000x1xf32>
    %get3A_13 = vector.shape_cast %get3A_12 : vector<1x1000x1xf32> to vector<1000x1xf32>
    %get3A_14 = arith.constant 1 : index
    %get3A_15 = arith.constant 0 : index
    %get3A_16 = arith.constant 7 : index
    %get3A_17 = vector.load %arg1[%get3A_14, %get3A_15, %get3A_16] : memref<2x1000x8xf32, #tpu.memory_space<vmem>>, vector<1x1000x1xf32>
    %get3A_18 = vector.shape_cast %get3A_17 : vector<1x1000x1xf32> to vector<1000x1xf32>
    %add3A_19 = arith.addf %get3A_13, %get3A_18 : vector<1000x1xf32>
    %div3A = vector.broadcast %add3A_19 : vector<1000x1xf32> to vector<1000x7xf32>
    %div3A_20 = arith.divf %add3A, %div3A : vector<1000x7xf32>
    %get3A_21 = arith.constant 0 : index
    %get3A_22 = arith.constant 0 : index
    %get3A_23 = vector.load %arg2[%get3A_21, %get3A_22] : memref<1x7xf32, #tpu.memory_space<vmem>>, vector<1x7xf32>
    %add3A_24 = vector.broadcast %get3A_23 : vector<1x7xf32> to vector<1000x7xf32>
    %add3A_25 = arith.addf %div3A_20, %add3A_24 : vector<1000x7xf32>
    %reduce_max3A = arith.constant dense<0xFF800000> : vector<1000xf32>
    %reduce_max3A_26 = vector.multi_reduction <maximumf>, %add3A_25, %reduce_max3A [1] : vector<1000x7xf32> to vector<1000xf32>
    %broadcast_in_dim3A = vector.shape_cast %reduce_max3A_26 : vector<1000xf32> to vector<1000x1xf32>
    %sub3A = vector.broadcast %broadcast_in_dim3A : vector<1000x1xf32> to vector<1000x7xf32>
    %sub3A_27 = arith.subf %add3A_25, %sub3A : vector<1000x7xf32>
    %exp3A = math.exp %sub3A_27 : vector<1000x7xf32>
    %sub3A_28 = vector.broadcast %broadcast_in_dim3A : vector<1000x1xf32> to vector<1000x7xf32>
    %sub3A_29 = arith.subf %add3A_25, %sub3A_28 : vector<1000x7xf32>
    %reduce_sum3A = arith.constant dense<0.000000e+00> : vector<1000xf32>
    %reduce_sum3A_30 = vector.multi_reduction <add>, %exp3A, %reduce_sum3A [1] : vector<1000x7xf32> to vector<1000xf32>
    %broadcast_in_dim3A_31 = vector.shape_cast %reduce_sum3A_30 : vector<1000xf32> to vector<1000x1xf32>
    %log3A = math.log %broadcast_in_dim3A_31 : vector<1000x1xf32>
    %sub3A_32 = vector.broadcast %log3A : vector<1000x1xf32> to vector<1000x7xf32>
    %sub3A_33 = arith.subf %sub3A_29, %sub3A_32 : vector<1000x7xf32>
    %swap3A = arith.constant 0 : index
    %swap3A_34 = arith.constant 0 : index
    %swap3A_35 = vector.load %arg3[%swap3A, %swap3A_34] : memref<1000x7xf32, #tpu.memory_space<vmem>>, vector<1000x7xf32>
    tpu.vector_store %arg3[%swap3A, %swap3A_34], %sub3A_33 {strides = array<i32>} : memref<1000x7xf32, #tpu.memory_space<vmem>>, vector<1000x7xf32>,
    return
  }
  func.func @transform_0(%arg0: i32) -> (i32, i32, i32) {
    %c0_i32 = arith.constant 0 : i32
    %c0_i32_0 = arith.constant 0 : i32
    %c0_i32_1 = arith.constant 0 : i32
    return %c0_i32, %arg0, %c0_i32_0 : i32, i32, i32
  }
  func.func @transform_1(%arg0: i32) -> (i32, i32) {
    %c0_i32 = arith.constant 0 : i32
    %c0_i32_0 = arith.constant 0 : i32
    %c0_i32_1 = arith.constant 0 : i32
    return %c0_i32, %c0_i32_0 : i32, i32
  }
  func.func @transform_2(%arg0: i32) -> (i32, i32) {
    %c0_i32 = arith.constant 0 : i32
    %c0_i32_0 = arith.constant 0 : i32
    return %arg0, %c0_i32 : i32, i32
  }
}

</mosaic_0001>

<sc_bundles>
// kernel: kernel.10.cloned.1.call-start
scs
__scs_entry_jumppad:
0x0: {  	(pc) =	sbr.rel $0x88, $3  }
0x1: {  	(tag) =	ssettag $0x0;
	lr =	simm.s32 $0x1  }
0x2: {  	[smem:$0x3F97] =	sst lr;
	_ =	strace $0xD0000000  }
0x3: {  	_ = 	snop  }
0x4: {  	_ = 	snop  }
0x5: {  	_ = 	snop  }
0x6: {  	_ = 	snop  }
0x7: {  	_ = 	snop  }
__scs_overlays_trampoline_lowered:
0x8: {  	[smem:$0x3FA6] =	sst s0  }
0x9: {  	[smem:$0x3FA7] =	sst s1  }
0xa: {  	[smem:$0x3FA8] =	sst s2  }
0xb: {  	[smem:$0x3FA9] =	sst s3  }
0xc: {  	[smem:$0x3FAA] =	sst s4  }
0xd: {  	[smem:$0x3FAB] =	sst s5  }
0xe: {  	[smem:$0x3FAC] =	sst s6  }
0xf: {  	[smem:$0x3FAD] =	sst s7  }
0x10: {  	[smem:$0x3FAE] =	sst s8  }
0x11: {  	[smem:$0x3FAF] =	sst s9;
	s0 =	simm.s32 @!p0 $0x0  }
0x12: {  	s1 =	sld [smem:$0x3F95];
	s0 =	simm.s32 @p0 $0x1  }
0x13: {  	[smem:$0x3FB0] =	sst s0;
	s0 =	simm.s32 @!p1 $0x0  }
0x14: {  	s2 =	sld [smem:$0x3F94];
	s0 =	simm.s32 @p1 $0x1  }
0x15: {  	[smem:$0x3FB1] =	sst s0;
	s0 =	simm.s32 @!p2 $0x0  }
0x16: {  	s3 =	sld [smem:$0x3FDB];
	s0 =	simm.s32 @p2 $0x1  }
0x17: {  	s4 =	simm.s32 $0x1BF5;
	[smem:$0x3FB3] =	sst s0  }
0x18: {  	s0 =	sld [smem:$0x3F96];
	_ =	swait.ge [sflag:s4], $0x0  }
0x19: {  	s7 =	sld [smem:$0x3F97]  }
0x1a: {  	s8 =	sadd.s32 $0xFFFFE003, lr  }
0x1b: {  	s9 =	sadd.s32 $0xFFFFFEF7, lr;
	s5 =	simm.s32 $0xFFFFFFFF;
	p2 =	slt.u32 s8, $0xFFFFF086  }
0x1c: {  	p1 =	slt.u32 s9, $0xF7A;
	s5 =	simm.s32 @!p2 $0x0  }
0x1d: {  	s5 =	simm.s32 @p1 $0x1;
	p0 =	seq.s32 s7, s2  }
0x1e: {  	s7 =	smul.u32 @!p0 $0xF7A, s2;
	p2 =	seq.s32 @!p0 s5, $0x0  }
0x1f: {  	s9 =	smul.u32 $0xF7A, s1;
	s8 =	simm.s32 @!p0 $0x1BF5;
	p2 =	por !p2, p0  }
0x20: {  	[sflag:s8] =	ssyncset.s32 @!p0 $0xFFFFF086;
	s6 =	sadd.s32 @!p0 s3, s7;
	s7 =	simm.s32 @!p0 $0x108  }
0x21: {  	s3 =	sadd.s32 s3, s9;
	s6 =	sadd.s32 @!p0 $0x88, s6;
	s7 =	simm.s32 @p2 $0x1082  }
0x22: {  	[simem:s7], [sflag:s8] =	dma.local @!p0 [hbm:s6], $0xF7A  }
0x23: {  	s9 =	sor.u32 $0xD0000000, s2;
	s6 =	simm.s32 $0x108;
	_ =	swait.ge @!p0 [sflag:s8], $0x0  }
0x24: {  	s3 =	sadd.s32 $0x88, s3;
	s6 =	simm.s32 @!p1 $0x1082;
	[sflag:s4] =	ssyncset.s32 $0xFFFFF086  }
0x25: {  	[simem:s6], [sflag:s4] =	dma.local [hbm:s3], $0xF7A  }
0x26: {  	[smem:$0x3F97] =	sst s1;
	(tag) =	ssettag s2;
	_ =	strace s9  }
0x27: {  	s1 =	sld [smem:$0x3FA7]  }
0x28: {  	s2 =	sld [smem:$0x3FA8]  }
0x29: {  	s4 =	sld [smem:$0x3FAA]  }
0x2a: {  	p0 =	seq.s32 s5, $0x0;
	s5 =	sld [smem:$0x3FAB]  }
0x2b: {  	s6 =	sld [smem:$0x3FAC]  }
0x2c: {  	s7 =	sld [smem:$0x3FAD]  }
0x2d: {  	s3 =	simm.s32 $0x108;
	s8 =	sld [smem:$0x3FAE]  }
0x2e: {  	s3 =	simm.s32 @!p0 $0x1082;
	s9 =	sld [smem:$0x3FAF]  }
0x2f: {  	lr =	sadd.s32 s0, s3;
	s0 =	sld [smem:$0x3FA6]  }
0x30: {  	s3 =	sld [smem:$0x3FA9]  }
0x31: {  	[smem:$0x3FB2] =	sst s10  }
0x32: {  	s10 =	sld [smem:$0x3FB0];
	_ =	sdelay $0x3  }
0x33: {  	p0 =	seq.s32 s10, $0x1;
	s10 =	sld [smem:$0x3FB2];
	_ =	sdelay $0x3  }
0x34: {  	[smem:$0x3FB2] =	sst s10  }
0x35: {  	s10 =	sld [smem:$0x3FB1];
	_ =	sdelay $0x3  }
0x36: {  	p1 =	seq.s32 s10, $0x1;
	s10 =	sld [smem:$0x3FB2];
	_ =	sdelay $0x3  }
0x37: {  	[smem:$0x3FB2] =	sst s10  }
0x38: {  	s10 =	sld [smem:$0x3FB3]  }
0x39: {  	_ = 	snop;
	(pc) =	sbr.ind lr, $3  }
0x3a: {  	_ = 	snop  }
0x3b: {  	_ = 	snop  }
0x3c: {  	p2 =	seq.s32 s10, $0x1;
	s10 =	sld [smem:$0x3FB2]  }
0x3d: {  	_ =	shalt  }
0x3e: {  	_ =	shalt  }
0x3f: {  	_ =	shalt  }
0x40: {  	_ =	shalt  }
0x41: {  	_ =	shalt  }
0x42: {  	_ =	shalt  }
0x43: {  	_ =	shalt  }
0x44: {  	_ =	shalt  }
0x45: {  	_ =	shalt  }
0x46: {  	_ =	shalt  }
0x47: {  	_ =	shalt  }
0x48: {  	_ =	shalt  }
0x49: {  	_ =	shalt  }
0x4a: {  	_ =	shalt  }
0x4b: {  	_ =	shalt  }
0x4c: {  	_ =	shalt  }
0x4d: {  	_ =	shalt  }
0x4e: {  	_ =	shalt  }
0x4f: {  	_ =	shalt  }
0x50: {  	_ =	shalt  }
0x51: {  	_ =	shalt  }
0x52: {  	_ =	shalt  }
0x53: {  	_ =	shalt  }
0x54: {  	_ =	shalt  }
0x55: {  	_ =	shalt  }
0x56: {  	_ =	shalt  }
0x57: {  	_ =	shalt  }
0x58: {  	_ =	shalt  }
0x59: {  	_ =	shalt  }
0x5a: {  	_ =	shalt  }
0x5b: {  	_ =	shalt  }
0x5c: {  	_ =	shalt  }
0x5d: {  	_ =	shalt  }
0x5e: {  	_ =	shalt  }
0x5f: {  	_ =	shalt  }
0x60: {  	_ =	shalt  }
0x61: {  	_ =	shalt  }
0x62: {  	_ =	shalt  }
0x63: {  	_ =	shalt  }
0x64: {  	_ =	shalt  }
0x65: {  	_ =	shalt  }
0x66: {  	_ =	shalt  }
0x67: {  	_ =	shalt  }
0x68: {  	_ =	shalt  }
0x69: {  	_ =	shalt  }
0x6a: {  	_ =	shalt  }
0x6b: {  	_ =	shalt  }
0x6c: {  	_ =	shalt  }
0x6d: {  	_ =	shalt  }
0x6e: {  	_ =	shalt  }
0x6f: {  	_ =	shalt  }
0x70: {  	_ =	shalt  }
0x71: {  	_ =	shalt  }
0x72: {  	_ =	shalt  }
0x73: {  	_ =	shalt  }
0x74: {  	_ =	shalt  }
0x75: {  	_ =	shalt  }
0x76: {  	_ =	shalt  }
0x77: {  	_ =	shalt  }
0x78: {  	_ =	shalt  }
0x79: {  	_ =	shalt  }
0x7a: {  	_ =	shalt  }
0x7b: {  	_ =	shalt  }
0x7c: {  	_ =	shalt  }
0x7d: {  	_ =	shalt  }
0x7e: {  	_ =	shalt  }
0x7f: {  	_ =	shalt  }
0x80: {  	_ =	shalt  }
0x81: {  	_ =	shalt  }
0x82: {  	_ =	shalt  }
0x83: {  	_ =	shalt  }
0x84: {  	_ =	shalt  }
0x85: {  	_ =	shalt  }
0x86: {  	_ =	shalt  }
0x87: {  	_ =	shalt  }
.Lfunc_end0:
.L_simem_size_0:
called_computation.1_lowered:
.L_overlay_start_0:
0x88: {  	s2 =	sld [smem:$0x3FD9]  }
0x89: {  	s3 =	sld [smem:$0x3FFE];
	_ =	sdelay $0x1  }
0x8a: {  	s1 =	srdreg.scid  }
0x8b: {  	s0 =	sand.u32 $0x1, s1  }
0x8c: {  	s17 =	sshll.u32 s0, $0xA;
	s2 =	sadd.s32 s3, s2  }
0x8d: {  	s2 =	sadd.s32 s2, s17  }
0x8e: {  	[smem:$0x3FBE] =	sst s2  }
0x8f: {  	_ = 	snop  }
0x90: {  	s2 =	sld [smem:$0x3FD0];
	(tm) =	ssettm $0x1  }
0x91: {  	s18 =	sld [smem:$0x3FFB];
	_ =	sdelay $0x3  }
0x92: {  	_ =	strace s18  }
0x93: {  	s3 =	sld [smem:$0x3FFC];
	_ =	sdelay $0x3  }
0x94: {  	_ =	strace s3  }
0x95: {  	s3 =	sld [smem:$0x3FFD];
	_ =	sdelay $0x3  }
0x96: {  	_ =	strace s3  }
0x97: {  	_ =	strace $0x8FFFFFFF  }
0x98: {  	s19 =	sld [smem:$0x3FDB];
	_ =	sdelay $0x1  }
0x99: {  	s4 =	simm.s32 $_scs_section_size  }
0x9a: {  	s5 =	simm.s32 $_size__tile_overlayer_lowered;
	s6 =	simm.s32 $_tile_overlayer_lowered  }
0x9b: {  	s22 =	simm.s32 $0x1BFF;
	s21 =	sshll.u32 s6, $0x1;
	s3 =	sadd.s32 s4, s19  }
0x9c: {  	s7 =	simm.s32 $0x0;
	s20 =	sshll.u32 s5, $0x1;
	s5 =	sadd.s32 s21, s3  }
0x9d: {  	[timem:s7], [sflag:s22] =	dma.local [hbm:s5], s20  }
0x9e: {  	_ =	swait.ge [sflag:s22], s20  }
0x9f: {  	s4 =	ssub.s32 $0x0, s20;
	[sflag:s22] =	ssyncset.done $0x0  }
0xa0: {  	[sflag:s22] =	ssyncadd.s32 s4;
	_ =	sdelay $0x1  }
0xa1: {  	s23 =	simm.s32 $0x1B8B  }
0xa2: {  	_ =	swait.ge [sflag:s23], $0x1  }
0xa3: {  	[sflag:s23] =	ssyncset.done $0x0  }
0xa4: {  	s25 =	simm.s32 $0x1B8E;
	s24 =	sld [smem:$0x3FFE];
	[sflag:s23] =	ssyncadd.s32 $0xFFFFFFFF  }
0xa5: {  	s26 =	simm.s32 $execute0_lowered;
	[smem:$0x3FD2] =	sst s25  }
0xa6: {  	s5 =	sshll.u32 s26, $0x1;
	_ =	strace $0x80000049;
	[dreg:$0x1] =	wrdreg $0xFFFFFFFF  }
0xa7: {  	s28 =	simm.s32 $_size_execute0_lowered;
	s3 =	sadd.s32 s3, s5;
	[dreg:$0x0] =	wrdreg $0x0  }
0xa8: {  	s5 =	sshll.u32 s28, $0x1;
	[dreg:$0x2] =	wrdreg s3  }
0xa9: {  	[dreg:$0x3] =	wrdreg s5  }
0xaa: {  	[dreg:$0x4] =	wrdreg $0xC0  }
0xab: {  	_ =	task [dreg:s7], $0x5FFFF  }
0xac: {  	[dreg:$0x1] =	wrdreg $0xFFFFFFFF  }
0xad: {  	[dreg:$0x0] =	wrdreg $0x60  }
0xae: {  	[dreg:$0x2] =	wrdreg s2  }
0xaf: {  	[dreg:$0x3] =	wrdreg s24  }
0xb0: {  	[dreg:$0x4] =	wrdreg $0x0  }
0xb1: {  	[dreg:$0x5] =	wrdreg $0x9  }
0xb2: {  	_ =	task.clear_ibuf [dreg:s7], $0x6FFFF;
	_ =	strace $0x90000049  }
0xb3: {  	s29 =	simm.s32 $0x9;
	_ =	strace $0x8000004B  }
0xb4: {  	_ =	swait.ge [sflag:s29], $0x1  }
0xb5: {  	[sflag:s29] =	ssyncadd.s32 $0xFFFFFFFF  }
0xb6: {  	_ =	strace $0x9000004B  }
0xb7: {  	_ =	sfence  }
0xb8: {  	s30 =	sld [smem:$0x0];
	_ =	sdelay $0x2  }
0xb9: {  	s31 =	sshll.u32 s1, $0xD;
	s1 =	sshrl.u32 s1, $0x2  }
0xba: {  	s3 =	sand.u32 $0x4000, s31;
	s1 =	sadd.s32 s1, s30  }
0xbb: {  	s0 =	sor.u32 s3, s0;
	s1 =	sshll.u32 s1, $0x11  }
0xbc: {  	s0 =	sor.u32 s1, s0  }
0xbd: {  	s0 =	sadd.s32 $0x8F2B, s0  }
0xbe: {  	[sflag:s0] =	ssyncadd.remote.s32 $0x1  }
0xbf: {  	_ =	sfence.sel $0xFFFF  }
0xc0: {  	[dreg:$0x0] =	wrdreg $0xFFFFFFFF;
	(pc) =	sbr.abs _section_cstart, $3  }
0xc1: {  	[dreg:$0x1] =	wrdreg $0xFFFFFFFF  }
0xc2: {  	_ =	task.clear_ibuf [dreg:s7], $0x2FFFF;
	_ =	strace $0x9FFFFFFF  }
0xc3: {  	(tm) =	ssettm $0x7FFFFFFF  }
tec
execute0_lowered:
.L_overlay_start_1:
0x0: {  	(tag) =	ssettag $0x1  }
0x1: {  	s0 =	rddreg [dreg:$0x1]  }
0x2: {  	s3 =	rddreg [dreg:$0x2];
	s4 =	simm.s32 $0x0  }
0x3: {  	s11 =	stileid.u32;
	s1 =	srdreg.scid;
	s17 =	simm.s32 $0x2  }
0x4: {  	s18 =	simm.s32 $0x1400;
	s28 =	simm.s32 $0x1;
	s29 =	simm.s32 $0x17F90  }
0x5: {  	s30 =	simm.s32 $0x17690;
	s31 =	simm.s32 $0x17710;
	[smem:$0x7FF] =	sst s4  }
0x6: {  	s2 =	smul.u32 $0x1400, s11;
	s1 =	sand.u32 $0x1, s1;
	s5 =	sadd.s32 $0x1400, s0  }
0x7: {  	s6 =	sadd.s32 $0x6A400, s0;
	s8 =	sshll.u32 s11, $0x1;
	s23 =	smul.u32 $0x5400, s11  }
0x8: {  	s24 =	sshll.u32 s11, $0x6;
	_ =	strace $0x8000004A;
	s19 =	smul.u32 $0x14000, s1  }
0x9: {  	s20 =	sor.u32 s1, s8;
	s21 =	ssub.s32 $0x2, s1;
	s1 =	smul.u32 $0x2A00, s1  }
0xa: {  	[dreg:$0x4] =	wrdreg s5;
	s7 =	sshrl.u32 s2, $0x3;
	s10 =	smul.u32 $0xAC0, s20  }
0xb: {  	s22 =	sshrl.u32 s21, $0x1;
	s9 =	sadd.s32 s7, s0;
	s5 =	sadd.s32 s2, s19  }
0xc: {  	s7 =	smul.u32 $0x2B, s20;
	s2 =	sadd.s32 s2, s3;
	s26 =	sadd.s32 s1, s23  }
0xd: {  	s19 =	simm.s32 $0x14C80;
	s20 =	simm.s32 $0x17390;
	s23 =	simm.s32 $0x80  }
0xe: {  	s5 =	sshrl.u32 s5, $0x3;
	s9 =	sadd.s32 $0x1A00, s9;
	s10 =	sadd.s32 s6, s10  }
0xf: {  	[dreg:$0x9] =	wrdreg s26;
	s16 =	sshrl.u32 s2, $0x3;
	s2 =	simm.s32 $0x0  }
0x10: {  	s0 =	sadd.s32 s5, s0;
	s5 =	ssub.s32 s21, s22;
	[dreg:$0x5] =	wrdreg s9  }
0x11: {  	s9 =	sor.u32 $0x1C02, s24;
	[dreg:$0x6] =	wrdreg s10;
	s11 =	sadd.s32 $0x2, s7  }
0x12: {  	s21 =	simm.s32 $0x17590;
	s22 =	simm.s32 $0x17790;
	s0 =	sadd.s32 $0x4200, s0  }
0x13: {  	s24 =	simm.s32 $0x17490;
	s25 =	smax.u32 s5, $0x1;
	[dreg:$0x7] =	wrdreg s0  }
0x14: {  	v1 =	vlaneseq.u32;
	[dreg:$0x8] =	wrdreg s25;
	s0 =	sor.u32 $0x100, s26;
	s25 =	simm.s32 $0x17510  }
0x15: {  	v0 =	vimm.f32 $1.000000000e+00;
	v1 =	vmul.u32 $0x8, v1;
	s26 =	simm.s32 $0x17B90;
	[dreg:$0xa] =	wrdreg s0;
	s0 =	simm.s32 $0x18390  }
.LBB2_1:
0x16: {  	s1 =	rddreg [dreg:$0x5]  }
0x17: {  	[spmem:s16], [sflag:s9] =	dma.local [hbm:s1], $0x280  }
0x18: {  	_ =	swait.ge [sflag:s17], $0x280  }
0x19: {  	[sflag:s17] =	ssyncset.done $0x0  }
0x1a: {  	[sflag:s17] =	ssyncadd.s32 $0xFFFFFD80  }
0x1b: {  	s13 =	rddreg [dreg:$0x0]  }
0x1c: {  	[tilespmem:s18], [sflag:$0x2] =	stream.linear.gather [hbm4b:s13+s4], $0x13880, $0x38;
	[tilespmem:$0x18790] =	vst v63  }
0x1d: {  	_ =	swait.ge [sflag:s17], $0x13880  }
0x1e: {  	[sflag:s17] =	ssyncset.done $0x0  }
0x1f: {  	s14 =	rddreg [dreg:$0x4];
	[sflag:s17] =	ssyncadd.s32 $0xFFFEC780  }
0x20: {  	[tilespmem:s19], [sflag:$0x2] =	stream.linear.gather [hbm4b:s14+s4], $0x2710, $0x38;
	[tilespmem:$0x18790] =	vst v63  }
0x21: {  	_ =	swait.ge [sflag:s17], $0x2710  }
0x22: {  	[sflag:s17] =	ssyncset.done $0x0  }
0x23: {  	[sflag:s17] =	ssyncadd.s32 $0xFFFFD8F0  }
0x24: {  	[bflag:$0x0] =	sbarrier.arrive $0xFFFF  }
0x25: {  	s15 =	rddreg [dreg:$0x6]  }
0x26: {  	[tilespmem:s20], [sflag:$0x2] =	stream.linear.gather [hbm4b:s15+s4], $0x200, $0x38;
	[tilespmem:$0x18790] =	vst v63  }
0x27: {  	_ =	swait.ge [sflag:s17], $0x200  }
0x28: {  	[sflag:s17] =	ssyncset.done $0x0;
	s15 =	rddreg [dreg:$0xa]  }
0x29: {  	s8 =	simm.s32 $0x0;
	s14 =	rddreg [dreg:$0x9];
	[sflag:s17] =	ssyncadd.s32 $0xFFFFFE00  }
.LBB2_2:
0x2a: {  	s10 =	sshll.u32 s8, $0x1  }
0x2b: {  	s1 =	sadd.s32 s10, s7  }
0x2c: {  	s1 =	sshll.u32 s1, $0x6  }
0x2d: {  	s1 =	sadd.s32 $0x40, s1  }
0x2e: {  	s1 =	sand.u32 $0x1FFFFFC0, s1  }
0x2f: {  	s5 =	simm.s32 $0x0;
	s1 =	sadd.s32 s6, s1  }
0x30: {  	[tilespmem:s21], [sflag:$0x2] =	stream.linear.gather [hbm4b:s1+s5], $0x200, $0x38;
	[tilespmem:$0x18790] =	vst v63  }
0x31: {  	s13 =	simm.s32 $0x0;
	_ =	swait.ge [sflag:s17], $0x200  }
0x32: {  	s12 =	sand.u32 $0x70, s5;
	s1 =	sand.u32 $0x80, s13;
	[sflag:s17] =	ssyncset.done $0x0  }
0x33: {  	s1 =	sor.u32 s12, s1;
	[sflag:s17] =	ssyncadd.s32 $0xFFFFFE00  }
0x34: {  	v2 =	vld [tilespmem:s1+$0x17390];
	_ =	sdelay $0x1  }
0x35: {  	v3 =	vld [tilespmem:s1+$0x17490];
	_ =	sdelay $0x2  }
0x36: {  	v2 =	vshll.u32 v2, $0x3  }
0x37: {  	v4 =	vor.u32 $0x7, v2;
	_ =	sdelay $0x3  }
0x38: {  	v3 =	vld.idx.msk [tilespmem:v3+s19+$0x0], $0xffff  }
0x39: {  	v4 =	vld.idx.msk [tilespmem:v4+s18+$0x0], $0xffff;
	_ =	sdelay $0x4  }
0x3a: {  	v3 =	vadd.f32 v3, v4;
	_ =	sdelay $0x1  }
0x3b: {  	v4 =	vmul.f32 $2.000000030e-01, v3  }
0x3c: {  	vm0 =	vge.f32 v3, $0.0e+00  }
0x3d: {  	v3 =	vsel vm0, v3, v4  }
0x3e: {  	v3 =	vmul.f32 $1.442695020e+00, v3;
	_ =	sdelay $0x1  }
0x3f: {  	(erf) = vpow2.f32 v3;
	_ =	sdelay $0x3  }
0x40: {  	v3 =	vmov s5  }
0x41: {  	v3 =	vshll.u32 v3, $0x3  }
0x42: {  	v3 =	vor.u32 v1, v3  }
0x43: {  	s13 =	sadd.s32 $0x0, s14;
	v4 =	vor.u32 $0x7, v3  }
0x44: {  	p0 =	slt.u32 s13, $0x50910  }
0x45: {  	v5 =	vpsel !p0, $0x0, v0;
	v6 =	vpop (erf)  }
0x46: {  	v5 =	vmul.f32 v6, v5;
	_ =	sdelay $0x1  }
0x47: {  	[tilespmem:v4+s22+$0x0] =	vst.idx.msk $0xffff, v5  }
0x48: {  	v4 =	vld.idx.msk [tilespmem:v2+s18+$0x0], $0xffff;
	_ =	sdelay $0x2  }
0x49: {  	v55 =	vor.u32 $0x1, v2;
	_ =	sdelay $0x1  }
0x4a: {  	v4 =	vmul.f32 v5, v4;
	_ =	sdelay $0x1  }
0x4b: {  	[tilespmem:v3+s22+$0x0] =	vst.idx.msk $0xffff, v4  }
0x4c: {  	v4 =	vld.idx.msk [tilespmem:v55+s18+$0x0], $0xffff;
	_ =	sdelay $0x1  }
0x4d: {  	v56 =	vor.u32 $0x1, v3  }
0x4e: {  	v7 =	vor.u32 $0x2, v2;
	_ =	sdelay $0x1  }
0x4f: {  	v4 =	vmul.f32 v5, v4;
	_ =	sdelay $0x1  }
0x50: {  	[tilespmem:v56+s22+$0x0] =	vst.idx.msk $0xffff, v4  }
0x51: {  	v4 =	vld.idx.msk [tilespmem:v7+s18+$0x0], $0xffff;
	_ =	sdelay $0x1  }
0x52: {  	v57 =	vor.u32 $0x2, v3  }
0x53: {  	v58 =	vor.u32 $0x3, v2;
	_ =	sdelay $0x1  }
0x54: {  	v4 =	vmul.f32 v4, v5;
	_ =	sdelay $0x1  }
0x55: {  	[tilespmem:v57+s22+$0x0] =	vst.idx.msk $0xffff, v4  }
0x56: {  	v4 =	vld.idx.msk [tilespmem:v58+s18+$0x0], $0xffff;
	_ =	sdelay $0x1  }
0x57: {  	v59 =	vor.u32 $0x3, v3  }
0x58: {  	v60 =	vor.u32 $0x4, v2;
	_ =	sdelay $0x1  }
0x59: {  	v4 =	vmul.f32 v4, v5;
	_ =	sdelay $0x1  }
0x5a: {  	[tilespmem:v59+s22+$0x0] =	vst.idx.msk $0xffff, v4  }
0x5b: {  	v4 =	vld.idx.msk [tilespmem:v60+s18+$0x0], $0xffff;
	_ =	sdelay $0x1  }
0x5c: {  	v61 =	vor.u32 $0x4, v3  }
0x5d: {  	v62 =	vor.u32 $0x5, v2;
	_ =	sdelay $0x1  }
0x5e: {  	v4 =	vmul.f32 v4, v5;
	_ =	sdelay $0x1  }
0x5f: {  	[tilespmem:v61+s22+$0x0] =	vst.idx.msk $0xffff, v4  }
0x60: {  	v4 =	vld.idx.msk [tilespmem:v62+s18+$0x0], $0xffff;
	_ =	sdelay $0x1  }
0x61: {  	v63 =	vor.u32 $0x5, v3  }
0x62: {  	v2 =	vor.u32 $0x6, v2;
	_ =	sdelay $0x1  }
0x63: {  	v4 =	vmul.f32 v4, v5;
	_ =	sdelay $0x1  }
0x64: {  	[tilespmem:v63+s22+$0x0] =	vst.idx.msk $0xffff, v4  }
0x65: {  	v4 =	vld.idx.msk [tilespmem:v2+s18+$0x0], $0xffff;
	_ =	sdelay $0x2  }
0x66: {  	v2 =	vor.u32 $0x6, v3  }
0x67: {  	s12 =	simm.s32 $0x10;
	s5 =	simm.s32 $0x10  }
0x68: {  	s13 =	simm.s32 $0x80;
	s1 =	sand.u32 $0x70, s12;
	s5 =	sand.u32 $0x80, s5;
	v3 =	vmul.f32 v4, v5  }
.LBB2_3:
0x69: {  	p0 =	sne.s32 s13, $0x3C0  }
0x6a: {  	s5 =	sor.u32 s1, s5;
	s1 =	smov.u32 s13;
	s13 =	sadd.s32 $0x40, s13  }
0x6b: {  	[tilespmem:v2+s22+$0x0] =	vst.idx.msk $0xffff, v3  }
0x6c: {  	v2 =	vld [tilespmem:s5+$0x17390];
	_ =	sdelay $0x1  }
0x6d: {  	v3 =	vld [tilespmem:s5+$0x17490];
	_ =	sdelay $0x2  }
0x6e: {  	v2 =	vshll.u32 v2, $0x3  }
0x6f: {  	v4 =	vor.u32 $0x7, v2;
	_ =	sdelay $0x3  }
0x70: {  	v3 =	vld.idx.msk [tilespmem:v3+s19+$0x0], $0xffff  }
0x71: {  	v4 =	vld.idx.msk [tilespmem:v4+s18+$0x0], $0xffff;
	_ =	sdelay $0x5  }
0x72: {  	v3 =	vadd.f32 v3, v4;
	_ =	sdelay $0x1  }
0x73: {  	vm0 =	vge.f32 v3, $0.0e+00;
	v4 =	vmul.f32 $2.000000030e-01, v3;
	_ =	sdelay $0x1  }
0x74: {  	v3 =	vsel vm0, v3, v4  }
0x75: {  	v3 =	vmul.f32 $1.442695020e+00, v3;
	_ =	sdelay $0x1  }
0x76: {  	(erf) = vpow2.f32 v3;
	_ =	sdelay $0x2  }
0x77: {  	v3 =	vmov s12  }
0x78: {  	v3 =	vshll.u32 v3, $0x3  }
0x79: {  	v3 =	vor.u32 v1, v3  }
0x7a: {  	s5 =	sadd.s32 s12, s14;
	v4 =	vor.u32 $0x7, v3  }
0x7b: {  	p1 =	slt.u32 s5, $0x50910  }
0x7c: {  	v5 =	vpsel !p1, $0x0, v0  }
0x7d: {  	v6 =	vpop (erf)  }
0x7e: {  	v5 =	vmul.f32 v6, v5;
	_ =	sdelay $0x1  }
0x7f: {  	[tilespmem:v4+s22+$0x0] =	vst.idx.msk $0xffff, v5  }
0x80: {  	v4 =	vld.idx.msk [tilespmem:v2+s18+$0x0], $0xffff;
	_ =	sdelay $0x2  }
0x81: {  	v6 =	vor.u32 $0x1, v2;
	_ =	sdelay $0x2  }
0x82: {  	v4 =	vmul.f32 v5, v4;
	_ =	sdelay $0x1  }
0x83: {  	[tilespmem:v3+s22+$0x0] =	vst.idx.msk $0xffff, v4  }
0x84: {  	v4 =	vld.idx.msk [tilespmem:v6+s18+$0x0], $0xffff;
	_ =	sdelay $0x1  }
0x85: {  	v6 =	vor.u32 $0x1, v3  }
0x86: {  	v7 =	vor.u32 $0x2, v2;
	_ =	sdelay $0x2  }
0x87: {  	v4 =	vmul.f32 v5, v4;
	_ =	sdelay $0x1  }
0x88: {  	[tilespmem:v6+s22+$0x0] =	vst.idx.msk $0xffff, v4  }
0x89: {  	v4 =	vld.idx.msk [tilespmem:v7+s18+$0x0], $0xffff;
	_ =	sdelay $0x1  }
0x8a: {  	v6 =	vor.u32 $0x2, v3  }
0x8b: {  	v7 =	vor.u32 $0x3, v2;
	_ =	sdelay $0x2  }
0x8c: {  	v4 =	vmul.f32 v4, v5;
	_ =	sdelay $0x1  }
0x8d: {  	[tilespmem:v6+s22+$0x0] =	vst.idx.msk $0xffff, v4  }
0x8e: {  	v4 =	vld.idx.msk [tilespmem:v7+s18+$0x0], $0xffff;
	_ =	sdelay $0x1  }
0x8f: {  	v6 =	vor.u32 $0x3, v3  }
0x90: {  	v7 =	vor.u32 $0x4, v2;
	_ =	sdelay $0x2  }
0x91: {  	v4 =	vmul.f32 v4, v5;
	_ =	sdelay $0x1  }
0x92: {  	[tilespmem:v6+s22+$0x0] =	vst.idx.msk $0xffff, v4  }
0x93: {  	v4 =	vld.idx.msk [tilespmem:v7+s18+$0x0], $0xffff;
	_ =	sdelay $0x1  }
0x94: {  	v6 =	vor.u32 $0x4, v3  }
0x95: {  	v7 =	vor.u32 $0x5, v2;
	_ =	sdelay $0x2  }
0x96: {  	v4 =	vmul.f32 v4, v5;
	_ =	sdelay $0x1  }
0x97: {  	[tilespmem:v6+s22+$0x0] =	vst.idx.msk $0xffff, v4  }
0x98: {  	v4 =	vld.idx.msk [tilespmem:v7+s18+$0x0], $0xffff;
	_ =	sdelay $0x1  }
0x99: {  	v6 =	vor.u32 $0x5, v3  }
0x9a: {  	v2 =	vor.u32 $0x6, v2;
	_ =	sdelay $0x2  }
0x9b: {  	v4 =	vmul.f32 v4, v5;
	_ =	sdelay $0x1  }
0x9c: {  	[tilespmem:v6+s22+$0x0] =	vst.idx.msk $0xffff, v4  }
0x9d: {  	v4 =	vld.idx.msk [tilespmem:v2+s18+$0x0], $0xffff;
	_ =	sdelay $0x1  }
.Ltmp0:
0x9e: {  	v2 =	vor.u32 $0x6, v3;
	(pc) =	sbr.rel @p0 .LBB2_3-.Ltmp0, $3  }
0x9f: {  	_ =	sdelay $0x1  }
0xa0: {  	s5 =	sshrl.u32 s1, $0x2;
	s12 =	sadd.s32 $0x10, s12  }
0xa1: {  	s5 =	sand.u32 $0x80, s5;
	s1 =	sand.u32 $0x70, s12;
	v3 =	vmul.f32 v4, v5  }
0xa2: {  	_ =	sdelay $0x3  }
0xa3: {  	s1 =	sor.u32 s1, s5;
	[tilespmem:v2+s22+$0x0] =	vst.idx.msk $0xffff, v3  }
0xa4: {  	v2 =	vld [tilespmem:s1+$0x17390];
	_ =	sdelay $0x1  }
0xa5: {  	v3 =	vld [tilespmem:s1+$0x17490];
	_ =	sdelay $0x2  }
0xa6: {  	v2 =	vshll.u32 v2, $0x3  }
0xa7: {  	v4 =	vor.u32 $0x7, v2;
	_ =	sdelay $0x3  }
0xa8: {  	v3 =	vld.idx.msk [tilespmem:v3+s19+$0x0], $0xffff  }
0xa9: {  	v4 =	vld.idx.msk [tilespmem:v4+s18+$0x0], $0xffff;
	_ =	sdelay $0x4  }
0xaa: {  	v3 =	vadd.f32 v3, v4;
	_ =	sdelay $0x1  }
0xab: {  	v4 =	vmul.f32 $2.000000030e-01, v3  }
0xac: {  	vm0 =	vge.f32 v3, $0.0e+00  }
0xad: {  	v3 =	vsel vm0, v3, v4  }
0xae: {  	v3 =	vmul.f32 $1.442695020e+00, v3;
	_ =	sdelay $0x1  }
0xaf: {  	(erf) = vpow2.f32 v3;
	_ =	sdelay $0x3  }
0xb0: {  	v3 =	vmov s12  }
0xb1: {  	v3 =	vshll.u32 v3, $0x3  }
0xb2: {  	v3 =	vor.u32 v1, v3  }
0xb3: {  	s5 =	sadd.s32 s12, s14;
	v4 =	vor.u32 $0x7, v3  }
0xb4: {  	p0 =	slt.u32 s5, $0x50910  }
0xb5: {  	v5 =	vpsel !p0, $0x0, v0;
	v6 =	vpop (erf)  }
0xb6: {  	v5 =	vmul.f32 v6, v5;
	_ =	sdelay $0x1  }
0xb7: {  	[tilespmem:v4+s22+$0x0] =	vst.idx.msk $0xffff, v5  }
0xb8: {  	v4 =	vld.idx.msk [tilespmem:v2+s18+$0x0], $0xffff;
	_ =	sdelay $0x2  }
0xb9: {  	v44 =	vor.u32 $0x1, v2;
	_ =	sdelay $0x1  }
0xba: {  	v4 =	vmul.f32 v5, v4;
	_ =	sdelay $0x1  }
0xbb: {  	[tilespmem:v3+s22+$0x0] =	vst.idx.msk $0xffff, v4  }
0xbc: {  	v4 =	vld.idx.msk [tilespmem:v44+s18+$0x0], $0xffff;
	_ =	sdelay $0x1  }
0xbd: {  	v45 =	vor.u32 $0x1, v3  }
0xbe: {  	v7 =	vor.u32 $0x2, v2;
	_ =	sdelay $0x1  }
0xbf: {  	v4 =	vmul.f32 v5, v4;
	_ =	sdelay $0x1  }
0xc0: {  	[tilespmem:v45+s22+$0x0] =	vst.idx.msk $0xffff, v4  }
0xc1: {  	v4 =	vld.idx.msk [tilespmem:v7+s18+$0x0], $0xffff;
	_ =	sdelay $0x1  }
0xc2: {  	v46 =	vor.u32 $0x2, v3  }
0xc3: {  	v47 =	vor.u32 $0x3, v2;
	_ =	sdelay $0x1  }
0xc4: {  	v4 =	vmul.f32 v4, v5;
	_ =	sdelay $0x1  }
0xc5: {  	[tilespmem:v46+s22+$0x0] =	vst.idx.msk $0xffff, v4  }
0xc6: {  	v4 =	vld.idx.msk [tilespmem:v47+s18+$0x0], $0xffff;
	_ =	sdelay $0x1  }
0xc7: {  	v48 =	vor.u32 $0x3, v3  }
0xc8: {  	v49 =	vor.u32 $0x4, v2;
	_ =	sdelay $0x1  }
0xc9: {  	v4 =	vmul.f32 v4, v5;
	_ =	sdelay $0x1  }
0xca: {  	[tilespmem:v48+s22+$0x0] =	vst.idx.msk $0xffff, v4  }
0xcb: {  	v4 =	vld.idx.msk [tilespmem:v49+s18+$0x0], $0xffff;
	_ =	sdelay $0x1  }
0xcc: {  	v50 =	vor.u32 $0x4, v3  }
0xcd: {  	v51 =	vor.u32 $0x5, v2;
	_ =	sdelay $0x1  }
0xce: {  	v4 =	vmul.f32 v4, v5;
	_ =	sdelay $0x1  }
0xcf: {  	[tilespmem:v50+s22+$0x0] =	vst.idx.msk $0xffff, v4  }
0xd0: {  	v4 =	vld.idx.msk [tilespmem:v51+s18+$0x0], $0xffff;
	_ =	sdelay $0x1  }
0xd1: {  	v52 =	vor.u32 $0x5, v3  }
0xd2: {  	v2 =	vor.u32 $0x6, v2;
	_ =	sdelay $0x1  }
0xd3: {  	v4 =	vmul.f32 v4, v5;
	_ =	sdelay $0x1  }
0xd4: {  	[tilespmem:v52+s22+$0x0] =	vst.idx.msk $0xffff, v4  }
0xd5: {  	v2 =	vld.idx.msk [tilespmem:v2+s18+$0x0], $0xffff;
	_ =	sdelay $0x1  }
0xd6: {  	v3 =	vor.u32 $0x6, v3;
	_ =	sdelay $0x2  }
0xd7: {  	v2 =	vmul.f32 v2, v5;
	_ =	sdelay $0x1  }
0xd8: {  	[tilespmem:v3+s22+$0x0] =	vst.idx.msk $0xffff, v2  }
0xd9: {  	[spmem:s3] =	stream.indirect.scatter.add.f32 [tilespmem:s22], [sflag:$0x1], $0x8, s24, s23, $0xb8;
	[tilespmem:$0x18790] =	vst v63  }
0xda: {  	_ = 	snop  }
0xdb: {  	[spmem:s3] =	stream.indirect.scatter.add.f32 [tilespmem:s26], [sflag:$0x1], $0x8, s25, s23, $0xb8;
	[tilespmem:$0x18790] =	vst v63  }
0xdc: {  	_ =	swait.ge [sflag:s28], $0x400  }
0xdd: {  	[sflag:s28] =	ssyncset.done $0x0  }
0xde: {  	s10 =	sadd.s32 s10, s11;
	[sflag:s28] =	ssyncadd.s32 $0xFFFFFC00  }
0xdf: {  	s1 =	sshll.u32 s10, $0x6;
	_ =	swait.ge [sflag:s28], $0x400  }
0xe0: {  	s1 =	sand.u32 $0x1FFFFFC0, s1;
	[sflag:s28] =	ssyncset.done $0x0  }
0xe1: {  	s5 =	simm.s32 $0x0;
	s1 =	sadd.s32 s6, s1;
	[sflag:s28] =	ssyncadd.s32 $0xFFFFFC00  }
0xe2: {  	[tilespmem:s20], [sflag:$0x2] =	stream.linear.gather [hbm4b:s1+s5], $0x200, $0x38;
	[tilespmem:$0x18790] =	vst v63  }
0xe3: {  	s12 =	simm.s32 $0x0;
	_ =	swait.ge [sflag:s17], $0x200  }
0xe4: {  	s13 =	sand.u32 $0x70, s5;
	s1 =	sand.u32 $0x80, s12;
	[sflag:s17] =	ssyncset.done $0x0  }
0xe5: {  	s1 =	sor.u32 s13, s1;
	[sflag:s17] =	ssyncadd.s32 $0xFFFFFE00  }
0xe6: {  	v2 =	vld [tilespmem:s1+$0x17590];
	_ =	sdelay $0x1  }
0xe7: {  	v3 =	vld [tilespmem:s1+$0x17690];
	_ =	sdelay $0x2  }
0xe8: {  	v2 =	vshll.u32 v2, $0x3  }
0xe9: {  	v4 =	vor.u32 $0x7, v2;
	_ =	sdelay $0x3  }
0xea: {  	v3 =	vld.idx.msk [tilespmem:v3+s19+$0x0], $0xffff  }
0xeb: {  	v4 =	vld.idx.msk [tilespmem:v4+s18+$0x0], $0xffff;
	_ =	sdelay $0x4  }
0xec: {  	v3 =	vadd.f32 v3, v4;
	_ =	sdelay $0x1  }
0xed: {  	v4 =	vmul.f32 $2.000000030e-01, v3  }
0xee: {  	vm15 =	vge.f32 v3, $0.0e+00  }
0xef: {  	v3 =	vsel vm15, v3, v4  }
0xf0: {  	v3 =	vmul.f32 $1.442695020e+00, v3;
	_ =	sdelay $0x1  }
0xf1: {  	(erf) = vpow2.f32 v3;
	_ =	sdelay $0x3  }
0xf2: {  	v3 =	vmov s5  }
0xf3: {  	v3 =	vshll.u32 v3, $0x3  }
0xf4: {  	v3 =	vor.u32 v1, v3  }
0xf5: {  	s12 =	sadd.s32 $0x0, s15;
	v4 =	vor.u32 $0x7, v3  }
0xf6: {  	p6 =	slt.u32 s12, $0x50910  }
0xf7: {  	v5 =	vpsel !p6, $0x0, v0;
	v53 =	vpop (erf)  }
0xf8: {  	v5 =	vmul.f32 v53, v5;
	_ =	sdelay $0x1  }
0xf9: {  	[tilespmem:v4+s29+$0x0] =	vst.idx.msk $0xffff, v5  }
0xfa: {  	v4 =	vld.idx.msk [tilespmem:v2+s18+$0x0], $0xffff;
	_ =	sdelay $0x2  }
0xfb: {  	v54 =	vor.u32 $0x1, v2;
	_ =	sdelay $0x1  }
0xfc: {  	v4 =	vmul.f32 v5, v4;
	_ =	sdelay $0x1  }
0xfd: {  	[tilespmem:v3+s29+$0x0] =	vst.idx.msk $0xffff, v4  }
0xfe: {  	v4 =	vld.idx.msk [tilespmem:v54+s18+$0x0], $0xffff;
	_ =	sdelay $0x1  }
0xff: {  	v55 =	vor.u32 $0x1, v3  }
0x100: {  	v56 =	vor.u32 $0x2, v2;
	_ =	sdelay $0x1  }
0x101: {  	v4 =	vmul.f32 v5, v4;
	_ =	sdelay $0x1  }
0x102: {  	[tilespmem:v55+s29+$0x0] =	vst.idx.msk $0xffff, v4  }
0x103: {  	v4 =	vld.idx.msk [tilespmem:v56+s18+$0x0], $0xffff;
	_ =	sdelay $0x1  }
0x104: {  	v57 =	vor.u32 $0x2, v3  }
0x105: {  	v58 =	vor.u32 $0x3, v2;
	_ =	sdelay $0x1  }
0x106: {  	v4 =	vmul.f32 v4, v5;
	_ =	sdelay $0x1  }
0x107: {  	[tilespmem:v57+s29+$0x0] =	vst.idx.msk $0xffff, v4  }
0x108: {  	v4 =	vld.idx.msk [tilespmem:v58+s18+$0x0], $0xffff;
	_ =	sdelay $0x1  }
0x109: {  	v59 =	vor.u32 $0x3, v3  }
0x10a: {  	v60 =	vor.u32 $0x4, v2;
	_ =	sdelay $0x1  }
0x10b: {  	v4 =	vmul.f32 v4, v5;
	_ =	sdelay $0x1  }
0x10c: {  	[tilespmem:v59+s29+$0x0] =	vst.idx.msk $0xffff, v4  }
0x10d: {  	v4 =	vld.idx.msk [tilespmem:v60+s18+$0x0], $0xffff;
	_ =	sdelay $0x1  }
0x10e: {  	v61 =	vor.u32 $0x4, v3  }
0x10f: {  	v62 =	vor.u32 $0x5, v2;
	_ =	sdelay $0x1  }
0x110: {  	v4 =	vmul.f32 v4, v5;
	_ =	sdelay $0x1  }
0x111: {  	[tilespmem:v61+s29+$0x0] =	vst.idx.msk $0xffff, v4  }
0x112: {  	v4 =	vld.idx.msk [tilespmem:v62+s18+$0x0], $0xffff;
	_ =	sdelay $0x1  }
0x113: {  	v63 =	vor.u32 $0x5, v3  }
0x114: {  	v2 =	vor.u32 $0x6, v2;
	_ =	sdelay $0x1  }
0x115: {  	v4 =	vmul.f32 v4, v5;
	_ =	sdelay $0x1  }
0x116: {  	[tilespmem:v63+s29+$0x0] =	vst.idx.msk $0xffff, v4  }
0x117: {  	v4 =	vld.idx.msk [tilespmem:v2+s18+$0x0], $0xffff;
	_ =	sdelay $0x2  }
0x118: {  	v2 =	vor.u32 $0x6, v3  }
0x119: {  	s10 =	simm.s32 $0x10;
	s13 =	simm.s32 $0x10  }
0x11a: {  	s12 =	simm.s32 $0x80;
	s1 =	sand.u32 $0x70, s10;
	s5 =	sand.u32 $0x80, s13;
	v3 =	vmul.f32 v4, v5  }
.LBB2_5:
0x11b: {  	p0 =	sne.s32 s12, $0x3C0  }
0x11c: {  	s5 =	sor.u32 s1, s5;
	s1 =	smov.u32 s12;
	s12 =	sadd.s32 $0x40, s12  }
0x11d: {  	[tilespmem:v2+s29+$0x0] =	vst.idx.msk $0xffff, v3  }
0x11e: {  	v2 =	vld [tilespmem:s5+$0x17590];
	_ =	sdelay $0x1  }
0x11f: {  	v3 =	vld [tilespmem:s5+$0x17690];
	_ =	sdelay $0x2  }
0x120: {  	v2 =	vshll.u32 v2, $0x3  }
0x121: {  	v4 =	vor.u32 $0x7, v2;
	_ =	sdelay $0x3  }
0x122: {  	v3 =	vld.idx.msk [tilespmem:v3+s19+$0x0], $0xffff  }
0x123: {  	v4 =	vld.idx.msk [tilespmem:v4+s18+$0x0], $0xffff;
	_ =	sdelay $0x5  }
0x124: {  	v3 =	vadd.f32 v3, v4;
	_ =	sdelay $0x1  }
0x125: {  	vm0 =	vge.f32 v3, $0.0e+00;
	v4 =	vmul.f32 $2.000000030e-01, v3;
	_ =	sdelay $0x1  }
0x126: {  	v3 =	vsel vm0, v3, v4  }
0x127: {  	v3 =	vmul.f32 $1.442695020e+00, v3;
	_ =	sdelay $0x1  }
0x128: {  	(erf) = vpow2.f32 v3;
	_ =	sdelay $0x2  }
0x129: {  	v3 =	vmov s10  }
0x12a: {  	v3 =	vshll.u32 v3, $0x3  }
0x12b: {  	v3 =	vor.u32 v1, v3  }
0x12c: {  	s5 =	sadd.s32 s10, s15;
	v4 =	vor.u32 $0x7, v3  }
0x12d: {  	p1 =	slt.u32 s5, $0x50910  }
0x12e: {  	v5 =	vpsel !p1, $0x0, v0  }
0x12f: {  	v6 =	vpop (erf)  }
0x130: {  	v5 =	vmul.f32 v6, v5;
	_ =	sdelay $0x1  }
0x131: {  	[tilespmem:v4+s29+$0x0] =	vst.idx.msk $0xffff, v5  }
0x132: {  	v4 =	vld.idx.msk [tilespmem:v2+s18+$0x0], $0xffff;
	_ =	sdelay $0x2  }
0x133: {  	v6 =	vor.u32 $0x1, v2;
	_ =	sdelay $0x2  }
0x134: {  	v4 =	vmul.f32 v5, v4;
	_ =	sdelay $0x1  }
0x135: {  	[tilespmem:v3+s29+$0x0] =	vst.idx.msk $0xffff, v4  }
0x136: {  	v4 =	vld.idx.msk [tilespmem:v6+s18+$0x0], $0xffff;
	_ =	sdelay $0x1  }
0x137: {  	v6 =	vor.u32 $0x1, v3  }
0x138: {  	v7 =	vor.u32 $0x2, v2;
	_ =	sdelay $0x2  }
0x139: {  	v4 =	vmul.f32 v5, v4;
	_ =	sdelay $0x1  }
0x13a: {  	[tilespmem:v6+s29+$0x0] =	vst.idx.msk $0xffff, v4  }
0x13b: {  	v4 =	vld.idx.msk [tilespmem:v7+s18+$0x0], $0xffff;
	_ =	sdelay $0x1  }
0x13c: {  	v6 =	vor.u32 $0x2, v3  }
0x13d: {  	v7 =	vor.u32 $0x3, v2;
	_ =	sdelay $0x2  }
0x13e: {  	v4 =	vmul.f32 v4, v5;
	_ =	sdelay $0x1  }
0x13f: {  	[tilespmem:v6+s29+$0x0] =	vst.idx.msk $0xffff, v4  }
0x140: {  	v4 =	vld.idx.msk [tilespmem:v7+s18+$0x0], $0xffff;
	_ =	sdelay $0x1  }
0x141: {  	v6 =	vor.u32 $0x3, v3  }
0x142: {  	v7 =	vor.u32 $0x4, v2;
	_ =	sdelay $0x2  }
0x143: {  	v4 =	vmul.f32 v4, v5;
	_ =	sdelay $0x1  }
0x144: {  	[tilespmem:v6+s29+$0x0] =	vst.idx.msk $0xffff, v4  }
0x145: {  	v4 =	vld.idx.msk [tilespmem:v7+s18+$0x0], $0xffff;
	_ =	sdelay $0x1  }
0x146: {  	v6 =	vor.u32 $0x4, v3  }
0x147: {  	v7 =	vor.u32 $0x5, v2;
	_ =	sdelay $0x2  }
0x148: {  	v4 =	vmul.f32 v4, v5;
	_ =	sdelay $0x1  }
0x149: {  	[tilespmem:v6+s29+$0x0] =	vst.idx.msk $0xffff, v4  }
0x14a: {  	v4 =	vld.idx.msk [tilespmem:v7+s18+$0x0], $0xffff;
	_ =	sdelay $0x1  }
0x14b: {  	v6 =	vor.u32 $0x5, v3  }
0x14c: {  	v2 =	vor.u32 $0x6, v2;
	_ =	sdelay $0x2  }
0x14d: {  	v4 =	vmul.f32 v4, v5;
	_ =	sdelay $0x1  }
0x14e: {  	[tilespmem:v6+s29+$0x0] =	vst.idx.msk $0xffff, v4  }
0x14f: {  	v4 =	vld.idx.msk [tilespmem:v2+s18+$0x0], $0xffff;
	_ =	sdelay $0x1  }
.Ltmp1:
0x150: {  	v2 =	vor.u32 $0x6, v3;
	(pc) =	sbr.rel @p0 .LBB2_5-.Ltmp1, $3  }
0x151: {  	_ =	sdelay $0x1  }
0x152: {  	s5 =	sshrl.u32 s1, $0x2;
	s10 =	sadd.s32 $0x10, s10  }
0x153: {  	s5 =	sand.u32 $0x80, s5;
	s1 =	sand.u32 $0x70, s10;
	v3 =	vmul.f32 v4, v5  }
0x154: {  	_ =	sdelay $0x3  }
0x155: {  	s1 =	sor.u32 s1, s5;
	[tilespmem:v2+s29+$0x0] =	vst.idx.msk $0xffff, v3  }
0x156: {  	v2 =	vld [tilespmem:s1+$0x17590];
	_ =	sdelay $0x1  }
0x157: {  	v3 =	vld [tilespmem:s1+$0x17690];
	_ =	sdelay $0x2  }
0x158: {  	v2 =	vshll.u32 v2, $0x3  }
0x159: {  	v4 =	vor.u32 $0x7, v2;
	_ =	sdelay $0x3  }
0x15a: {  	v3 =	vld.idx.msk [tilespmem:v3+s19+$0x0], $0xffff  }
0x15b: {  	v4 =	vld.idx.msk [tilespmem:v4+s18+$0x0], $0xffff;
	_ =	sdelay $0x4  }
0x15c: {  	v3 =	vadd.f32 v3, v4;
	_ =	sdelay $0x1  }
0x15d: {  	v4 =	vmul.f32 $2.000000030e-01, v3  }
0x15e: {  	vm0 =	vge.f32 v3, $0.0e+00  }
0x15f: {  	v3 =	vsel vm0, v3, v4  }
0x160: {  	v3 =	vmul.f32 $1.442695020e+00, v3;
	_ =	sdelay $0x1  }
0x161: {  	(erf) = vpow2.f32 v3;
	_ =	sdelay $0x3  }
0x162: {  	v3 =	vmov s10  }
0x163: {  	v3 =	vshll.u32 v3, $0x3  }
0x164: {  	v3 =	vor.u32 v1, v3  }
0x165: {  	s13 =	sadd.s32 s10, s15;
	v54 =	vor.u32 $0x7, v3  }
0x166: {  	p0 =	slt.u32 s13, $0x50910  }
0x167: {  	v5 =	vpsel !p0, $0x0, v0;
	v6 =	vpop (erf)  }
0x168: {  	v5 =	vmul.f32 v6, v5;
	_ =	sdelay $0x1  }
0x169: {  	[tilespmem:v54+s29+$0x0] =	vst.idx.msk $0xffff, v5  }
0x16a: {  	v4 =	vld.idx.msk [tilespmem:v2+s18+$0x0], $0xffff;
	_ =	sdelay $0x2  }
0x16b: {  	v55 =	vor.u32 $0x1, v2;
	_ =	sdelay $0x1  }
0x16c: {  	v4 =	vmul.f32 v5, v4;
	_ =	sdelay $0x1  }
0x16d: {  	[tilespmem:v3+s29+$0x0] =	vst.idx.msk $0xffff, v4  }
0x16e: {  	v4 =	vld.idx.msk [tilespmem:v55+s18+$0x0], $0xffff;
	_ =	sdelay $0x1  }
0x16f: {  	v56 =	vor.u32 $0x1, v3  }
0x170: {  	v7 =	vor.u32 $0x2, v2;
	_ =	sdelay $0x1  }
0x171: {  	v4 =	vmul.f32 v5, v4;
	_ =	sdelay $0x1  }
0x172: {  	[tilespmem:v56+s29+$0x0] =	vst.idx.msk $0xffff, v4  }
0x173: {  	v4 =	vld.idx.msk [tilespmem:v7+s18+$0x0], $0xffff;
	_ =	sdelay $0x1  }
0x174: {  	v57 =	vor.u32 $0x2, v3  }
0x175: {  	v58 =	vor.u32 $0x3, v2;
	_ =	sdelay $0x1  }
0x176: {  	v4 =	vmul.f32 v4, v5;
	_ =	sdelay $0x1  }
0x177: {  	[tilespmem:v57+s29+$0x0] =	vst.idx.msk $0xffff, v4  }
0x178: {  	v4 =	vld.idx.msk [tilespmem:v58+s18+$0x0], $0xffff;
	_ =	sdelay $0x1  }
0x179: {  	v59 =	vor.u32 $0x3, v3  }
0x17a: {  	v60 =	vor.u32 $0x4, v2;
	_ =	sdelay $0x1  }
0x17b: {  	v4 =	vmul.f32 v4, v5;
	_ =	sdelay $0x1  }
0x17c: {  	[tilespmem:v59+s29+$0x0] =	vst.idx.msk $0xffff, v4  }
0x17d: {  	v4 =	vld.idx.msk [tilespmem:v60+s18+$0x0], $0xffff;
	_ =	sdelay $0x1  }
0x17e: {  	v61 =	vor.u32 $0x4, v3  }
0x17f: {  	v62 =	vor.u32 $0x5, v2;
	_ =	sdelay $0x1  }
0x180: {  	v4 =	vmul.f32 v4, v5;
	_ =	sdelay $0x1  }
0x181: {  	[tilespmem:v61+s29+$0x0] =	vst.idx.msk $0xffff, v4  }
0x182: {  	v4 =	vld.idx.msk [tilespmem:v62+s18+$0x0], $0xffff;
	_ =	sdelay $0x1  }
0x183: {  	v63 =	vor.u32 $0x5, v3  }
0x184: {  	v2 =	vor.u32 $0x6, v2;
	_ =	sdelay $0x1  }
0x185: {  	v4 =	vmul.f32 v4, v5;
	_ =	sdelay $0x1  }
0x186: {  	[tilespmem:v63+s29+$0x0] =	vst.idx.msk $0xffff, v4  }
0x187: {  	v2 =	vld.idx.msk [tilespmem:v2+s18+$0x0], $0xffff;
	_ =	sdelay $0x1  }
0x188: {  	v3 =	vor.u32 $0x6, v3;
	_ =	sdelay $0x2  }
0x189: {  	v2 =	vmul.f32 v2, v5;
	_ =	sdelay $0x1  }
0x18a: {  	[tilespmem:v3+s29+$0x0] =	vst.idx.msk $0xffff, v2  }
0x18b: {  	[spmem:s3] =	stream.indirect.scatter.add.f32 [tilespmem:s29], [sflag:$0x1], $0x8, s30, s23, $0xb8;
	[tilespmem:$0x18790] =	vst v63  }
0x18c: {  	s8 =	sadd.s32 $0x1, s8  }
0x18d: {  	[spmem:s3] =	stream.indirect.scatter.add.f32 [tilespmem:s0], [sflag:$0x1], $0x8, s31, s23, $0xb8;
	[tilespmem:$0x18790] =	vst v63  }
0x18e: {  	p0 =	sne.s32 s8, $0x15;
	_ =	swait.ge [sflag:s28], $0x400  }
.Ltmp2:
0x18f: {  	[sflag:s28] =	ssyncset.done $0x0;
	(pc) =	sbr.rel @p0 .LBB2_2-.Ltmp2, $4  }
0x190: {  	[sflag:s28] =	ssyncadd.s32 $0xFFFFFC00  }
0x191: {  	_ =	swait.ge [sflag:s28], $0x400  }
0x192: {  	[sflag:s28] =	ssyncset.done $0x0  }
0x193: {  	s14 =	sadd.s32 $0x200, s14;
	s15 =	sadd.s32 $0x200, s15;
	[sflag:s28] =	ssyncadd.s32 $0xFFFFFC00  }
0x194: {  	[bflag:$0x0] =	sbarrier.arrive $0xFFFF  }
0x195: {  	s1 =	rddreg [dreg:$0x7]  }
0x196: {  	[hbm:s1], [sflag:s9] =	dma.local [spmem:s16], $0x280  }
0x197: {  	_ =	swait.ge [sflag:s17], $0x280  }
0x198: {  	s2 =	sadd.s32 $0x1, s2;
	s15 =	rddreg [dreg:$0x8]  }
0x199: {  	p0 =	sne.s32 s2, s15  }
.Ltmp3:
0x19a: {  	_ = 	snop;
	(pc) =	sbr.rel @p0 .LBB2_1-.Ltmp3, $3  }
0x19b: {  	_ =	sdelay $0x1  }
0x19c: {  	[sflag:s17] =	ssyncset.done $0x0  }
0x19d: {  	[sflag:s17] =	ssyncadd.s32 $0xFFFFFD80  }
0x19e: {  	_ =	sfence.sel $0x180000  }
0x19f: {  	[bflag:$0x0] =	sbarrier.arrive $0xFFFF  }
0x1a0: {  	_ =	strace $0x9000004A  }
0x1a1: {  	s0 =	stileid.u32;
	[bflag:$0x2] =	sbarrier.arrive $0xFFFF  }
0x1a2: {  	p0 =	sne.s32 s0, $0x0;
	s0 =	rddreg [dreg:$0x3]  }
0x1a3: {  	s0 =	sadd.s32 @!p0 $0x100000, s0  }
0x1a4: {  	[sflag:s0] =	ssyncadd.tile.s32 @!p0 $0x1;
	_ =	shalt  }
.Lfunc_end2:
_tile_overlayer_lowered:
.L_overlay_start_2:
0x1a5: {  	(tag) =	ssettag $0x2  }
0x1a6: {  	s0 =	rddreg [dreg:$0x0];
	s2 =	stileid.u32  }
0x1a7: {  	s1 =	rddreg [dreg:$0x1];
	p0 =	sne.s32 s2, $0x0  }
0x1a8: {  	s3 =	rddreg [dreg:$0x2];
	[bflag:$0x3] =	sbarrier.arrive $0xFFFF;
	s2 =	simm.s32 @!p0 $0x1C02  }
0x1a9: {  	[timem:s3], [sflag:s2] =	dma.local @!p0 [hbm:s0], s1  }
0x1aa: {  	s0 =	simm.s32 @!p0 $0x2  }
0x1ab: {  	_ =	swait.ge @!p0 [sflag:s0], s1  }
0x1ac: {  	s1 =	ssub.s32 @!p0 $0x0, s1;
	[sflag:s0] =	ssyncset.done @!p0 $0x0  }
0x1ad: {  	[sflag:s0] =	ssyncadd.s32 @!p0 s1  }
0x1ae: {  	[bflag:$0x3] =	sbarrier.arrive $0xFFFF  }
0x1af: {  	_ =	shalt  }

// kernel: kernel.7.cloned.1.call-start
scs
__scs_entry_jumppad:
0x0: {  	(pc) =	sbr.rel $0x88, $3  }
0x1: {  	(tag) =	ssettag $0x0;
	lr =	simm.s32 $0x1  }
0x2: {  	[smem:$0x3F97] =	sst lr;
	_ =	strace $0xD0000000  }
0x3: {  	_ = 	snop  }
0x4: {  	_ = 	snop  }
0x5: {  	_ = 	snop  }
0x6: {  	_ = 	snop  }
0x7: {  	_ = 	snop  }
__scs_overlays_trampoline_lowered:
0x8: {  	[smem:$0x3FA6] =	sst s0  }
0x9: {  	[smem:$0x3FA7] =	sst s1  }
0xa: {  	[smem:$0x3FA8] =	sst s2  }
0xb: {  	[smem:$0x3FA9] =	sst s3  }
0xc: {  	[smem:$0x3FAA] =	sst s4  }
0xd: {  	[smem:$0x3FAB] =	sst s5  }
0xe: {  	[smem:$0x3FAC] =	sst s6  }
0xf: {  	[smem:$0x3FAD] =	sst s7  }
0x10: {  	[smem:$0x3FAE] =	sst s8  }
0x11: {  	[smem:$0x3FAF] =	sst s9;
	s0 =	simm.s32 @!p0 $0x0  }
0x12: {  	s1 =	sld [smem:$0x3F95];
	s0 =	simm.s32 @p0 $0x1  }
0x13: {  	[smem:$0x3FB0] =	sst s0;
	s0 =	simm.s32 @!p1 $0x0  }
0x14: {  	s2 =	sld [smem:$0x3F94];
	s0 =	simm.s32 @p1 $0x1  }
0x15: {  	[smem:$0x3FB1] =	sst s0;
	s0 =	simm.s32 @!p2 $0x0  }
0x16: {  	s3 =	sld [smem:$0x3FDB];
	s0 =	simm.s32 @p2 $0x1  }
0x17: {  	s4 =	simm.s32 $0x1BF5;
	[smem:$0x3FB3] =	sst s0  }
0x18: {  	s0 =	sld [smem:$0x3F96];
	_ =	swait.ge [sflag:s4], $0x0  }
0x19: {  	s7 =	sld [smem:$0x3F97]  }
0x1a: {  	s8 =	sadd.s32 $0xFFFFE003, lr  }
0x1b: {  	s9 =	sadd.s32 $0xFFFFFEF7, lr;
	s5 =	simm.s32 $0xFFFFFFFF;
	p2 =	slt.u32 s8, $0xFFFFF086  }
0x1c: {  	p1 =	slt.u32 s9, $0xF7A;
	s5 =	simm.s32 @!p2 $0x0  }
0x1d: {  	s5 =	simm.s32 @p1 $0x1;
	p0 =	seq.s32 s7, s2  }
0x1e: {  	s7 =	smul.u32 @!p0 $0xF7A, s2;
	p2 =	seq.s32 @!p0 s5, $0x0  }
0x1f: {  	s9 =	smul.u32 $0xF7A, s1;
	s8 =	simm.s32 @!p0 $0x1BF5;
	p2 =	por !p2, p0  }
0x20: {  	[sflag:s8] =	ssyncset.s32 @!p0 $0xFFFFF086;
	s6 =	sadd.s32 @!p0 s3, s7;
	s7 =	simm.s32 @!p0 $0x108  }
0x21: {  	s3 =	sadd.s32 s3, s9;
	s6 =	sadd.s32 @!p0 $0x88, s6;
	s7 =	simm.s32 @p2 $0x1082  }
0x22: {  	[simem:s7], [sflag:s8] =	dma.local @!p0 [hbm:s6], $0xF7A  }
0x23: {  	s9 =	sor.u32 $0xD0000000, s2;
	s6 =	simm.s32 $0x108;
	_ =	swait.ge @!p0 [sflag:s8], $0x0  }
0x24: {  	s3 =	sadd.s32 $0x88, s3;
	s6 =	simm.s32 @!p1 $0x1082;
	[sflag:s4] =	ssyncset.s32 $0xFFFFF086  }
0x25: {  	[simem:s6], [sflag:s4] =	dma.local [hbm:s3], $0xF7A  }
0x26: {  	[smem:$0x3F97] =	sst s1;
	(tag) =	ssettag s2;
	_ =	strace s9  }
0x27: {  	s1 =	sld [smem:$0x3FA7]  }
0x28: {  	s2 =	sld [smem:$0x3FA8]  }
0x29: {  	s4 =	sld [smem:$0x3FAA]  }
0x2a: {  	p0 =	seq.s32 s5, $0x0;
	s5 =	sld [smem:$0x3FAB]  }
0x2b: {  	s6 =	sld [smem:$0x3FAC]  }
0x2c: {  	s7 =	sld [smem:$0x3FAD]  }
0x2d: {  	s3 =	simm.s32 $0x108;
	s8 =	sld [smem:$0x3FAE]  }
0x2e: {  	s3 =	simm.s32 @!p0 $0x1082;
	s9 =	sld [smem:$0x3FAF]  }
0x2f: {  	lr =	sadd.s32 s0, s3;
	s0 =	sld [smem:$0x3FA6]  }
0x30: {  	s3 =	sld [smem:$0x3FA9]  }
0x31: {  	[smem:$0x3FB2] =	sst s10  }
0x32: {  	s10 =	sld [smem:$0x3FB0];
	_ =	sdelay $0x3  }
0x33: {  	p0 =	seq.s32 s10, $0x1;
	s10 =	sld [smem:$0x3FB2];
	_ =	sdelay $0x3  }
0x34: {  	[smem:$0x3FB2] =	sst s10  }
0x35: {  	s10 =	sld [smem:$0x3FB1];
	_ =	sdelay $0x3  }
0x36: {  	p1 =	seq.s32 s10, $0x1;
	s10 =	sld [smem:$0x3FB2];
	_ =	sdelay $0x3  }
0x37: {  	[smem:$0x3FB2] =	sst s10  }
0x38: {  	s10 =	sld [smem:$0x3FB3]  }
0x39: {  	_ = 	snop;
	(pc) =	sbr.ind lr, $3  }
0x3a: {  	_ = 	snop  }
0x3b: {  	_ = 	snop  }
0x3c: {  	p2 =	seq.s32 s10, $0x1;
	s10 =	sld [smem:$0x3FB2]  }
0x3d: {  	_ =	shalt  }
0x3e: {  	_ =	shalt  }
0x3f: {  	_ =	shalt  }
0x40: {  	_ =	shalt  }
0x41: {  	_ =	shalt  }
0x42: {  	_ =	shalt  }
0x43: {  	_ =	shalt  }
0x44: {  	_ =	shalt  }
0x45: {  	_ =	shalt  }
0x46: {  	_ =	shalt  }
0x47: {  	_ =	shalt  }
0x48: {  	_ =	shalt  }
0x49: {  	_ =	shalt  }
0x4a: {  	_ =	shalt  }
0x4b: {  	_ =	shalt  }
0x4c: {  	_ =	shalt  }
0x4d: {  	_ =	shalt  }
0x4e: {  	_ =	shalt  }
0x4f: {  	_ =	shalt  }
0x50: {  	_ =	shalt  }
0x51: {  	_ =	shalt  }
0x52: {  	_ =	shalt  }
0x53: {  	_ =	shalt  }
0x54: {  	_ =	shalt  }
0x55: {  	_ =	shalt  }
0x56: {  	_ =	shalt  }
0x57: {  	_ =	shalt  }
0x58: {  	_ =	shalt  }
0x59: {  	_ =	shalt  }
0x5a: {  	_ =	shalt  }
0x5b: {  	_ =	shalt  }
0x5c: {  	_ =	shalt  }
0x5d: {  	_ =	shalt  }
0x5e: {  	_ =	shalt  }
0x5f: {  	_ =	shalt  }
0x60: {  	_ =	shalt  }
0x61: {  	_ =	shalt  }
0x62: {  	_ =	shalt  }
0x63: {  	_ =	shalt  }
0x64: {  	_ =	shalt  }
0x65: {  	_ =	shalt  }
0x66: {  	_ =	shalt  }
0x67: {  	_ =	shalt  }
0x68: {  	_ =	shalt  }
0x69: {  	_ =	shalt  }
0x6a: {  	_ =	shalt  }
0x6b: {  	_ =	shalt  }
0x6c: {  	_ =	shalt  }
0x6d: {  	_ =	shalt  }
0x6e: {  	_ =	shalt  }
0x6f: {  	_ =	shalt  }
0x70: {  	_ =	shalt  }
0x71: {  	_ =	shalt  }
0x72: {  	_ =	shalt  }
0x73: {  	_ =	shalt  }
0x74: {  	_ =	shalt  }
0x75: {  	_ =	shalt  }
0x76: {  	_ =	shalt  }
0x77: {  	_ =	shalt  }
0x78: {  	_ =	shalt  }
0x79: {  	_ =	shalt  }
0x7a: {  	_ =	shalt  }
0x7b: {  	_ =	shalt  }
0x7c: {  	_ =	shalt  }
0x7d: {  	_ =	shalt  }
0x7e: {  	_ =	shalt  }
0x7f: {  	_ =	shalt  }
0x80: {  	_ =	shalt  }
0x81: {  	_ =	shalt  }
0x82: {  	_ =	shalt  }
0x83: {  	_ =	shalt  }
0x84: {  	_ =	shalt  }
0x85: {  	_ =	shalt  }
0x86: {  	_ =	shalt  }
0x87: {  	_ =	shalt  }
.Lfunc_end0:
.L_simem_size_0:
called_computation_lowered:
.L_overlay_start_0:
0x88: {  	s2 =	sld [smem:$0x3FD9]  }
0x89: {  	s3 =	sld [smem:$0x3FFE];
	_ =	sdelay $0x1  }
0x8a: {  	s1 =	srdreg.scid  }
0x8b: {  	s0 =	sand.u32 $0x1, s1  }
0x8c: {  	s16 =	sshll.u32 s0, $0xA;
	s2 =	sadd.s32 s3, s2  }
0x8d: {  	s2 =	sadd.s32 s2, s16  }
0x8e: {  	[smem:$0x3FBE] =	sst s2  }
0x8f: {  	_ = 	snop  }
0x90: {  	(tm) =	ssettm $0x1  }
0x91: {  	s17 =	sld [smem:$0x3FFB];
	_ =	sdelay $0x3  }
0x92: {  	_ =	strace s17  }
0x93: {  	s2 =	sld [smem:$0x3FFC];
	_ =	sdelay $0x3  }
0x94: {  	_ =	strace s2  }
0x95: {  	s2 =	sld [smem:$0x3FFD];
	_ =	sdelay $0x3  }
0x96: {  	_ =	strace s2  }
0x97: {  	_ =	strace $0x8FFFFFFF  }
0x98: {  	s18 =	sld [smem:$0x3FDB];
	_ =	sdelay $0x1  }
0x99: {  	s19 =	simm.s32 $_scs_section_size  }
0x9a: {  	s4 =	simm.s32 $_size__tile_overlayer_lowered;
	s5 =	simm.s32 $_tile_overlayer_lowered  }
0x9b: {  	s22 =	simm.s32 $0x1BFF;
	s21 =	sshll.u32 s5, $0x1;
	s2 =	sadd.s32 s19, s18  }
0x9c: {  	s6 =	simm.s32 $0x0;
	s20 =	sshll.u32 s4, $0x1;
	s4 =	sadd.s32 s21, s2  }
0x9d: {  	[timem:s6], [sflag:s22] =	dma.local [hbm:s4], s20  }
0x9e: {  	_ =	swait.ge [sflag:s22], s20  }
0x9f: {  	s3 =	ssub.s32 $0x0, s20;
	[sflag:s22] =	ssyncset.done $0x0  }
0xa0: {  	[sflag:s22] =	ssyncadd.s32 s3;
	_ =	sdelay $0x1  }
0xa1: {  	s23 =	simm.s32 $0x1B8B  }
0xa2: {  	_ =	swait.ge [sflag:s23], $0x1  }
0xa3: {  	[sflag:s23] =	ssyncset.done $0x0  }
0xa4: {  	s25 =	simm.s32 $0x1B8E;
	s24 =	sld [smem:$0x3FFE];
	[sflag:s23] =	ssyncadd.s32 $0xFFFFFFFF  }
0xa5: {  	s26 =	simm.s32 $execute0_lowered;
	[smem:$0x3FD2] =	sst s25  }
0xa6: {  	s4 =	sshll.u32 s26, $0x1;
	_ =	strace $0x80000046;
	[dreg:$0x1] =	wrdreg $0xFFFFFFFF  }
0xa7: {  	s28 =	simm.s32 $_size_execute0_lowered;
	s2 =	sadd.s32 s2, s4;
	[dreg:$0x0] =	wrdreg $0x0  }
0xa8: {  	s4 =	sshll.u32 s28, $0x1;
	[dreg:$0x2] =	wrdreg s2  }
0xa9: {  	[dreg:$0x3] =	wrdreg s4  }
0xaa: {  	[dreg:$0x4] =	wrdreg $0xC0  }
0xab: {  	_ =	task [dreg:s6], $0x5FFFF  }
0xac: {  	[dreg:$0x1] =	wrdreg $0xFFFFFFFF  }
0xad: {  	[dreg:$0x0] =	wrdreg $0x60  }
0xae: {  	[dreg:$0x2] =	wrdreg s24  }
0xaf: {  	[dreg:$0x3] =	wrdreg $0x0  }
0xb0: {  	[dreg:$0x4] =	wrdreg $0x64000  }
0xb1: {  	[dreg:$0x5] =	wrdreg $0xC8000  }
0xb2: {  	[dreg:$0x6] =	wrdreg $0x9  }
0xb3: {  	_ =	task.clear_ibuf [dreg:s6], $0x7FFFF;
	_ =	strace $0x90000046  }
0xb4: {  	s29 =	simm.s32 $0x9;
	_ =	strace $0x80000048  }
0xb5: {  	_ =	swait.ge [sflag:s29], $0x1  }
0xb6: {  	[sflag:s29] =	ssyncadd.s32 $0xFFFFFFFF  }
0xb7: {  	_ =	strace $0x90000048  }
0xb8: {  	_ =	sfence  }
0xb9: {  	s30 =	sld [smem:$0x0];
	_ =	sdelay $0x2  }
0xba: {  	s31 =	sshll.u32 s1, $0xD;
	s1 =	sshrl.u32 s1, $0x2  }
0xbb: {  	s3 =	sand.u32 $0x4000, s31;
	s1 =	sadd.s32 s1, s30  }
0xbc: {  	s0 =	sor.u32 s3, s0;
	s1 =	sshll.u32 s1, $0x11  }
0xbd: {  	s0 =	sor.u32 s1, s0  }
0xbe: {  	s0 =	sadd.s32 $0x8F2B, s0  }
0xbf: {  	[sflag:s0] =	ssyncadd.remote.s32 $0x1  }
0xc0: {  	_ =	sfence.sel $0xFFFF  }
0xc1: {  	[dreg:$0x0] =	wrdreg $0xFFFFFFFF;
	(pc) =	sbr.abs _section_cstart, $3  }
0xc2: {  	[dreg:$0x1] =	wrdreg $0xFFFFFFFF  }
0xc3: {  	_ =	task.clear_ibuf [dreg:s6], $0x2FFFF;
	_ =	strace $0x9FFFFFFF  }
0xc4: {  	(tm) =	ssettm $0x7FFFFFFF  }
0xc5: {  	_ =	shalt  }
tec
execute0_lowered:
.L_overlay_start_1:
0x0: {  	(tag) =	ssettag $0x1  }
0x1: {  	s0 =	rddreg [dreg:$0x0]  }
0x2: {  	s1 =	rddreg [dreg:$0x1];
	s2 =	srdreg.scid  }
0x3: {  	s3 =	rddreg [dreg:$0x2];
	s12 =	stileid.u32  }
0x4: {  	s4 =	rddreg [dreg:$0x3];
	s6 =	simm.s32 $0x0;
	s7 =	smul.u32 $0x1400, s12  }
0x5: {  	s30 =	simm.s32 $0xDD80;
	s16 =	simm.s32 $0xDF80;
	s8 =	smul.u32 $0x6400, s12  }
0x6: {  	s13 =	simm.s32 $0x3;
	s18 =	simm.s32 $0x16800;
	s21 =	smul.u32 $0x14C0, s12  }
0x7: {  	s31 =	simm.s32 $0x11C00;
	s2 =	sand.u32 $0x1, s2;
	s24 =	smul.u32 $0x5200, s12  }
0x8: {  	[smem:$0x7FF] =	sst s6;
	s6 =	sadd.s32 $0x6400, s0;
	s5 =	smul.u32 $0x14000, s2  }
0x9: {  	s20 =	sshll.u32 s12, $0x6;
	s9 =	smul.u32 $0x64000, s2;
	_ =	strace $0x80000047  }
0xa: {  	s2 =	ssub.s32 $0x2, s2;
	s15 =	sor.u32 $0x1C04, s20;
	s20 =	simm.s32 $0x0  }
0xb: {  	s10 =	sshrl.u32 s8, $0x3;
	s11 =	sshrl.u32 s2, $0x1;
	s19 =	sadd.s32 s8, s1  }
0xc: {  	s23 =	sadd.s32 s6, s21;
	[dreg:$0xa] =	wrdreg s24;
	s26 =	sor.u32 $0x100, s24  }
0xd: {  	s24 =	simm.s32 $0xE000;
	s21 =	simm.s32 $0x14000;
	[dreg:$0x6] =	wrdreg s15  }
0xe: {  	s5 =	sadd.s32 s7, s5;
	s9 =	sadd.s32 s8, s9;
	s10 =	sadd.s32 s10, s0  }
0xf: {  	s2 =	ssub.s32 s2, s11;
	s8 =	sadd.s32 s8, s3;
	[dreg:$0x9] =	wrdreg s23  }
0x10: {  	s7 =	sadd.s32 s7, s4;
	[dreg:$0xd] =	wrdreg s26;
	s17 =	sshrl.u32 s19, $0x3  }
0x11: {  	s19 =	simm.s32 $0x4;
	s23 =	simm.s32 $0x80;
	s26 =	simm.s32 $0x13000  }
0x12: {  	s11 =	simm.s32 $0x13800;
	s5 =	sshrl.u32 s5, $0x3;
	s9 =	sshrl.u32 s9, $0x3  }
0x13: {  	s10 =	sadd.s32 $0x1B000, s10;
	s25 =	smax.u32 s2, $0x1;
	[dreg:$0xe] =	wrdreg s17  }
0x14: {  	s28 =	sshrl.u32 s8, $0x3;
	s29 =	sshrl.u32 s7, $0x3;
	[dreg:$0x5] =	wrdreg s10  }
0x15: {  	s2 =	simm.s32 $0x1;
	s7 =	simm.s32 $0x10800;
	[dreg:$0xc] =	wrdreg s25  }
0x16: {  	s5 =	sadd.s32 s5, s0;
	s0 =	sadd.s32 s9, s0;
	[dreg:$0xf] =	wrdreg s28  }
0x17: {  	s8 =	simm.s32 $0x17C00;
	[dreg:$0x10] =	wrdreg s29;
	s22 =	sadd.s32 $0x51400, s0  }
0x18: {  	s10 =	smul.u32 $0x53, s12;
	s5 =	sadd.s32 $0x1400, s5;
	[dreg:$0x7] =	wrdreg s22  }
0x19: {  	s25 =	simm.s32 $0xDD00;
	s0 =	sadd.s32 $0x27800, s0;
	[dreg:$0x8] =	wrdreg s5  }
0x1a: {  	s9 =	simm.s32 $0xDF00;
	s14 =	sadd.s32 $0x2, s10;
	[dreg:$0xb] =	wrdreg s0  }
0x1b: {  	v0 =	vlaneseq.u32;
	v1 =	vimm.f32 $1.000000000e+00;
	s22 =	simm.s32 $0xDC00;
	s0 =	simm.s32 $0x2;
	s5 =	simm.s32 $0xDE00  }
.LBB2_1:
0x1c: {  	[dreg:$0x11] =	wrdreg s20  }
0x1d: {  	s12 =	rddreg [dreg:$0x5]  }
0x1e: {  	[spmem:s17], [sflag:s15] =	dma.local [hbm:s12], $0xC80  }
0x1f: {  	_ =	swait.ge [sflag:s19], $0xC80  }
0x20: {  	[sflag:s19] =	ssyncset.done $0x0;
	s17 =	rddreg [dreg:$0x7]  }
0x21: {  	s20 =	rddreg [dreg:$0xf];
	[sflag:s19] =	ssyncadd.s32 $0xFFFFF380  }
0x22: {  	[spmem:s20], [sflag:s15] =	dma.local [hbm:s17], $0xC80  }
0x23: {  	_ =	swait.ge [sflag:s19], $0xC80  }
0x24: {  	[sflag:s19] =	ssyncset.done $0x0;
	s28 =	rddreg [dreg:$0x8]  }
0x25: {  	s29 =	rddreg [dreg:$0x10];
	[sflag:s19] =	ssyncadd.s32 $0xFFFFF380  }
0x26: {  	[spmem:s29], [sflag:s15] =	dma.local [hbm:s28], $0x280  }
0x27: {  	_ =	swait.ge [sflag:s19], $0x280  }
0x28: {  	[sflag:s19] =	ssyncset.done $0x0  }
0x29: {  	[sflag:s19] =	ssyncadd.s32 $0xFFFFFD80  }
0x2a: {  	[bflag:$0x0] =	sbarrier.arrive $0xFFFF  }
0x2b: {  	s15 =	simm.s32 $0x0;
	s17 =	rddreg [dreg:$0x9]  }
0x2c: {  	[tilespmem:s22], [sflag:$0x4] =	stream.linear.gather [hbm4b:s17+s15], $0x200, $0x38;
	[tilespmem:$0x19000] =	vst v63  }
0x2d: {  	_ =	swait.ge [sflag:s19], $0x200  }
0x2e: {  	[sflag:s19] =	ssyncset.done $0x0  }
0x2f: {  	[sflag:s19] =	ssyncadd.s32 $0xFFFFFE00  }
0x30: {  	[tilespmem:s24], [sflag:$0x1] =	stream.indirect.gather [spmem:s3], $0x28, s22, s23, $0xb8;
	[tilespmem:$0x19000] =	vst v63  }
0x31: {  	_ = 	snop  }
0x32: {  	[tilespmem:s26], [sflag:$0x2] =	stream.indirect.gather [spmem:s4], $0x8, s25, s23, $0xb8;
	[tilespmem:$0x19000] =	vst v63  }
0x33: {  	s20 =	simm.s32 $0xDC80;
	s28 =	simm.s32 $0xF400  }
0x34: {  	[tilespmem:s28], [sflag:$0x1] =	stream.indirect.gather [spmem:s3], $0x28, s20, s23, $0xb8;
	[tilespmem:$0x19000] =	vst v63  }
0x35: {  	s29 =	simm.s32 $0x13400  }
0x36: {  	[tilespmem:s29], [sflag:$0x2] =	stream.indirect.gather [spmem:s4], $0x8, s30, s23, $0xb8;
	[tilespmem:$0x19000] =	vst v63  }
0x37: {  	_ =	swait.ge [sflag:s2], $0x1400  }
0x38: {  	[sflag:s2] =	ssyncset.done $0x0  }
0x39: {  	[sflag:s2] =	ssyncadd.s32 $0xFFFFEC00  }
0x3a: {  	_ =	swait.ge [sflag:s0], $0x400  }
0x3b: {  	[sflag:s0] =	ssyncset.done $0x0  }
0x3c: {  	[sflag:s0] =	ssyncadd.s32 $0xFFFFFC00  }
0x3d: {  	_ =	swait.ge [sflag:s2], $0x1400  }
0x3e: {  	[sflag:s2] =	ssyncset.done $0x0  }
0x3f: {  	[sflag:s2] =	ssyncadd.s32 $0xFFFFEC00  }
0x40: {  	_ =	swait.ge [sflag:s0], $0x400  }
0x41: {  	[sflag:s0] =	ssyncset.done $0x0;
	s12 =	rddreg [dreg:$0xd]  }
0x42: {  	s20 =	simm.s32 $0x0;
	s15 =	rddreg [dreg:$0xa];
	[sflag:s0] =	ssyncadd.s32 $0xFFFFFC00  }
.LBB2_2:
0x43: {  	s17 =	sshll.u32 s20, $0x1  }
0x44: {  	s28 =	sadd.s32 s17, s10  }
0x45: {  	s28 =	sshll.u32 s28, $0x6  }
0x46: {  	s28 =	sadd.s32 s6, s28  }
0x47: {  	s29 =	sadd.s32 $0x40, s28;
	s28 =	simm.s32 $0x0  }
0x48: {  	[tilespmem:s5], [sflag:$0x4] =	stream.linear.gather [hbm4b:s29+s28], $0x200, $0x38;
	[tilespmem:$0x19000] =	vst v63  }
0x49: {  	_ =	swait.ge [sflag:s19], $0x200  }
0x4a: {  	[sflag:s19] =	ssyncset.done $0x0  }
0x4b: {  	[sflag:s19] =	ssyncadd.s32 $0xFFFFFE00  }
0x4c: {  	[tilespmem:s7], [sflag:$0x1] =	stream.indirect.gather [spmem:s3], $0x28, s5, s23, $0xb8;
	[tilespmem:$0x19000] =	vst v63  }
0x4d: {  	_ = 	snop  }
0x4e: {  	[tilespmem:s11], [sflag:$0x2] =	stream.indirect.gather [spmem:s4], $0x8, s9, s23, $0xb8;
	[tilespmem:$0x19000] =	vst v63  }
0x4f: {  	s29 =	simm.s32 $0xDE80  }
0x50: {  	[tilespmem:s31], [sflag:$0x1] =	stream.indirect.gather [spmem:s3], $0x28, s29, s23, $0xb8;
	[tilespmem:$0x19000] =	vst v63  }
0x51: {  	s29 =	simm.s32 $0x13C00  }
0x52: {  	[tilespmem:s29], [sflag:$0x2] =	stream.indirect.gather [spmem:s4], $0x8, s16, s23, $0xb8;
	[tilespmem:$0x19000] =	vst v63  }
.LBB2_3:
0x53: {  	v3 =	vor.u32 s28, v0  }
0x54: {  	v2 =	vmul.u32 $0x28, v3  }
0x55: {  	v4 =	vshll.u32 v3, $0x3  }
0x56: {  	v5 =	vadd.s32 $0x20, v2;
	_ =	sdelay $0x3  }
0x57: {  	v6 =	vld.idx.msk [tilespmem:v4+s26+$0x0], $0xffff  }
0x58: {  	v3 =	vld.idx.msk [tilespmem:v5+s24+$0x0], $0xffff;
	_ =	sdelay $0x4  }
0x59: {  	v3 =	vadd.f32 v6, v3;
	_ =	sdelay $0x1  }
0x5a: {  	v6 =	vmul.f32 $2.000000030e-01, v3  }
0x5b: {  	vm0 =	vge.f32 v3, $0.0e+00  }
0x5c: {  	v3 =	vsel vm0, v3, v6  }
0x5d: {  	v3 =	vmul.f32 $1.442695020e+00, v3;
	_ =	sdelay $0x1  }
0x5e: {  	(erf) = vpow2.f32 v3;
	_ =	sdelay $0x6  }
0x5f: {  	s29 =	sadd.s32 s28, s15  }
0x60: {  	p0 =	slt.u32 s29, $0x50910  }
0x61: {  	v3 =	vpsel !p0, $0x0, v1;
	v25 =	vpop (erf)  }
0x62: {  	v6 =	vmul.f32 v25, v3;
	_ =	sdelay $0x1  }
0x63: {  	[tilespmem:v5+s21+$0x0] =	vst.idx.msk $0xffff, v6  }
0x64: {  	v5 =	vld.idx.msk [tilespmem:v2+s24+$0x0], $0xffff;
	_ =	sdelay $0x2  }
0x65: {  	v7 =	vor.u32 $0x1, v2;
	_ =	sdelay $0x1  }
0x66: {  	v5 =	vmul.f32 v6, v5;
	_ =	sdelay $0x1  }
0x67: {  	[tilespmem:v2+s21+$0x0] =	vst.idx.msk $0xffff, v5  }
0x68: {  	v5 =	vld.idx.msk [tilespmem:v7+s24+$0x0], $0xffff;
	_ =	sdelay $0x2  }
0x69: {  	v8 =	vor.u32 $0x2, v2;
	_ =	sdelay $0x1  }
0x6a: {  	v5 =	vmul.f32 v6, v5;
	_ =	sdelay $0x1  }
0x6b: {  	[tilespmem:v7+s21+$0x0] =	vst.idx.msk $0xffff, v5  }
0x6c: {  	v5 =	vld.idx.msk [tilespmem:v8+s24+$0x0], $0xffff;
	_ =	sdelay $0x2  }
0x6d: {  	v26 =	vor.u32 $0x3, v2;
	_ =	sdelay $0x1  }
0x6e: {  	v5 =	vmul.f32 v5, v6;
	_ =	sdelay $0x1  }
0x6f: {  	[tilespmem:v8+s21+$0x0] =	vst.idx.msk $0xffff, v5  }
0x70: {  	v5 =	vld.idx.msk [tilespmem:v26+s24+$0x0], $0xffff;
	_ =	sdelay $0x2  }
0x71: {  	v27 =	vor.u32 $0x4, v2;
	_ =	sdelay $0x1  }
0x72: {  	v5 =	vmul.f32 v5, v6;
	_ =	sdelay $0x1  }
0x73: {  	[tilespmem:v26+s21+$0x0] =	vst.idx.msk $0xffff, v5  }
0x74: {  	v5 =	vld.idx.msk [tilespmem:v27+s24+$0x0], $0xffff;
	_ =	sdelay $0x2  }
0x75: {  	v28 =	vor.u32 $0x5, v2;
	_ =	sdelay $0x1  }
0x76: {  	v5 =	vmul.f32 v5, v6;
	_ =	sdelay $0x1  }
0x77: {  	[tilespmem:v27+s21+$0x0] =	vst.idx.msk $0xffff, v5  }
0x78: {  	v5 =	vld.idx.msk [tilespmem:v28+s24+$0x0], $0xffff;
	_ =	sdelay $0x2  }
0x79: {  	v29 =	vor.u32 $0x6, v2;
	_ =	sdelay $0x1  }
0x7a: {  	v5 =	vmul.f32 v5, v6;
	_ =	sdelay $0x1  }
0x7b: {  	[tilespmem:v28+s21+$0x0] =	vst.idx.msk $0xffff, v5  }
0x7c: {  	v5 =	vld.idx.msk [tilespmem:v29+s24+$0x0], $0xffff;
	_ =	sdelay $0x2  }
0x7d: {  	v30 =	vor.u32 $0x7, v2;
	_ =	sdelay $0x1  }
0x7e: {  	v5 =	vmul.f32 v5, v6;
	_ =	sdelay $0x1  }
0x7f: {  	[tilespmem:v29+s21+$0x0] =	vst.idx.msk $0xffff, v5  }
0x80: {  	v5 =	vld.idx.msk [tilespmem:v30+s24+$0x0], $0xffff;
	_ =	sdelay $0x2  }
0x81: {  	v31 =	vadd.s32 $0x21, v2  }
0x82: {  	v9 =	vor.u32 $0x1, v4  }
0x83: {  	v5 =	vmul.f32 v5, v6;
	_ =	sdelay $0x1  }
0x84: {  	[tilespmem:v30+s21+$0x0] =	vst.idx.msk $0xffff, v5  }
0x85: {  	v5 =	vld.idx.msk [tilespmem:v31+s24+$0x0], $0xffff  }
0x86: {  	v32 =	vld.idx.msk [tilespmem:v9+s26+$0x0], $0xffff;
	_ =	sdelay $0x4  }
0x87: {  	v5 =	vadd.f32 v32, v5;
	_ =	sdelay $0x1  }
0x88: {  	v6 =	vmul.f32 $2.000000030e-01, v5  }
0x89: {  	vm13 =	vge.f32 v5, $0.0e+00  }
0x8a: {  	v5 =	vsel vm13, v5, v6  }
0x8b: {  	v5 =	vmul.f32 $1.442695020e+00, v5;
	_ =	sdelay $0x1  }
0x8c: {  	(erf) = vpow2.f32 v5;
	_ =	sdelay $0x7  }
0x8d: {  	v33 =	vadd.s32 $0x8, v2  }
0x8e: {  	v34 =	vpop (erf)  }
0x8f: {  	v6 =	vmul.f32 v34, v3;
	_ =	sdelay $0x1  }
0x90: {  	[tilespmem:v31+s21+$0x0] =	vst.idx.msk $0xffff, v6  }
0x91: {  	v7 =	vld.idx.msk [tilespmem:v33+s24+$0x0], $0xffff;
	_ =	sdelay $0x2  }
0x92: {  	v35 =	vadd.s32 $0x9, v2;
	_ =	sdelay $0x1  }
0x93: {  	v7 =	vmul.f32 v6, v7;
	_ =	sdelay $0x1  }
0x94: {  	[tilespmem:v33+s21+$0x0] =	vst.idx.msk $0xffff, v7  }
0x95: {  	v5 =	vld.idx.msk [tilespmem:v35+s24+$0x0], $0xffff;
	_ =	sdelay $0x2  }
0x96: {  	v36 =	vadd.s32 $0xA, v2;
	_ =	sdelay $0x1  }
0x97: {  	v5 =	vmul.f32 v6, v5;
	_ =	sdelay $0x1  }
0x98: {  	[tilespmem:v35+s21+$0x0] =	vst.idx.msk $0xffff, v5  }
0x99: {  	v5 =	vld.idx.msk [tilespmem:v36+s24+$0x0], $0xffff;
	_ =	sdelay $0x2  }
0x9a: {  	v37 =	vadd.s32 $0xB, v2;
	_ =	sdelay $0x1  }
0x9b: {  	v5 =	vmul.f32 v5, v6;
	_ =	sdelay $0x1  }
0x9c: {  	[tilespmem:v36+s21+$0x0] =	vst.idx.msk $0xffff, v5  }
0x9d: {  	v5 =	vld.idx.msk [tilespmem:v37+s24+$0x0], $0xffff;
	_ =	sdelay $0x2  }
0x9e: {  	v38 =	vadd.s32 $0xC, v2;
	_ =	sdelay $0x1  }
0x9f: {  	v5 =	vmul.f32 v5, v6;
	_ =	sdelay $0x1  }
0xa0: {  	[tilespmem:v37+s21+$0x0] =	vst.idx.msk $0xffff, v5  }
0xa1: {  	v5 =	vld.idx.msk [tilespmem:v38+s24+$0x0], $0xffff;
	_ =	sdelay $0x2  }
0xa2: {  	v39 =	vadd.s32 $0xD, v2;
	_ =	sdelay $0x1  }
0xa3: {  	v5 =	vmul.f32 v5, v6;
	_ =	sdelay $0x1  }
0xa4: {  	[tilespmem:v38+s21+$0x0] =	vst.idx.msk $0xffff, v5  }
0xa5: {  	v5 =	vld.idx.msk [tilespmem:v39+s24+$0x0], $0xffff;
	_ =	sdelay $0x2  }
0xa6: {  	v40 =	vadd.s32 $0xE, v2;
	_ =	sdelay $0x1  }
0xa7: {  	v5 =	vmul.f32 v5, v6;
	_ =	sdelay $0x1  }
0xa8: {  	[tilespmem:v39+s21+$0x0] =	vst.idx.msk $0xffff, v5  }
0xa9: {  	v5 =	vld.idx.msk [tilespmem:v40+s24+$0x0], $0xffff;
	_ =	sdelay $0x2  }
0xaa: {  	v41 =	vadd.s32 $0xF, v2;
	_ =	sdelay $0x1  }
0xab: {  	v5 =	vmul.f32 v5, v6;
	_ =	sdelay $0x1  }
0xac: {  	[tilespmem:v40+s21+$0x0] =	vst.idx.msk $0xffff, v5  }
0xad: {  	v5 =	vld.idx.msk [tilespmem:v41+s24+$0x0], $0xffff;
	_ =	sdelay $0x2  }
0xae: {  	v42 =	vadd.s32 $0x22, v2  }
0xaf: {  	v43 =	vor.u32 $0x2, v4  }
0xb0: {  	v5 =	vmul.f32 v5, v6;
	_ =	sdelay $0x1  }
0xb1: {  	[tilespmem:v41+s21+$0x0] =	vst.idx.msk $0xffff, v5  }
0xb2: {  	v5 =	vld.idx.msk [tilespmem:v42+s24+$0x0], $0xffff  }
0xb3: {  	v44 =	vld.idx.msk [tilespmem:v43+s26+$0x0], $0xffff;
	_ =	sdelay $0x4  }
0xb4: {  	v5 =	vadd.f32 v44, v5;
	_ =	sdelay $0x1  }
0xb5: {  	v6 =	vmul.f32 $2.000000030e-01, v5  }
0xb6: {  	vm14 =	vge.f32 v5, $0.0e+00  }
0xb7: {  	v5 =	vsel vm14, v5, v6  }
0xb8: {  	v5 =	vmul.f32 $1.442695020e+00, v5;
	_ =	sdelay $0x1  }
0xb9: {  	(erf) = vpow2.f32 v5;
	_ =	sdelay $0x7  }
0xba: {  	v45 =	vadd.s32 $0x10, v2  }
0xbb: {  	v46 =	vpop (erf)  }
0xbc: {  	v6 =	vmul.f32 v46, v3;
	_ =	sdelay $0x1  }
0xbd: {  	[tilespmem:v42+s21+$0x0] =	vst.idx.msk $0xffff, v6  }
0xbe: {  	v7 =	vld.idx.msk [tilespmem:v45+s24+$0x0], $0xffff;
	_ =	sdelay $0x2  }
0xbf: {  	v47 =	vadd.s32 $0x11, v2;
	_ =	sdelay $0x1  }
0xc0: {  	v7 =	vmul.f32 v6, v7;
	_ =	sdelay $0x1  }
0xc1: {  	[tilespmem:v45+s21+$0x0] =	vst.idx.msk $0xffff, v7  }
0xc2: {  	v5 =	vld.idx.msk [tilespmem:v47+s24+$0x0], $0xffff;
	_ =	sdelay $0x2  }
0xc3: {  	v48 =	vadd.s32 $0x12, v2;
	_ =	sdelay $0x1  }
0xc4: {  	v5 =	vmul.f32 v6, v5;
	_ =	sdelay $0x1  }
0xc5: {  	[tilespmem:v47+s21+$0x0] =	vst.idx.msk $0xffff, v5  }
0xc6: {  	v5 =	vld.idx.msk [tilespmem:v48+s24+$0x0], $0xffff;
	_ =	sdelay $0x2  }
0xc7: {  	v49 =	vadd.s32 $0x13, v2;
	_ =	sdelay $0x1  }
0xc8: {  	v5 =	vmul.f32 v5, v6;
	_ =	sdelay $0x1  }
0xc9: {  	[tilespmem:v48+s21+$0x0] =	vst.idx.msk $0xffff, v5  }
0xca: {  	v5 =	vld.idx.msk [tilespmem:v49+s24+$0x0], $0xffff;
	_ =	sdelay $0x2  }
0xcb: {  	v50 =	vadd.s32 $0x14, v2;
	_ =	sdelay $0x1  }
0xcc: {  	v5 =	vmul.f32 v5, v6;
	_ =	sdelay $0x1  }
0xcd: {  	[tilespmem:v49+s21+$0x0] =	vst.idx.msk $0xffff, v5  }
0xce: {  	v5 =	vld.idx.msk [tilespmem:v50+s24+$0x0], $0xffff;
	_ =	sdelay $0x2  }
0xcf: {  	v51 =	vadd.s32 $0x15, v2;
	_ =	sdelay $0x1  }
0xd0: {  	v5 =	vmul.f32 v5, v6;
	_ =	sdelay $0x1  }
0xd1: {  	[tilespmem:v50+s21+$0x0] =	vst.idx.msk $0xffff, v5  }
0xd2: {  	v5 =	vld.idx.msk [tilespmem:v51+s24+$0x0], $0xffff;
	_ =	sdelay $0x2  }
0xd3: {  	v52 =	vadd.s32 $0x16, v2;
	_ =	sdelay $0x1  }
0xd4: {  	v5 =	vmul.f32 v5, v6;
	_ =	sdelay $0x1  }
0xd5: {  	[tilespmem:v51+s21+$0x0] =	vst.idx.msk $0xffff, v5  }
0xd6: {  	v5 =	vld.idx.msk [tilespmem:v52+s24+$0x0], $0xffff;
	_ =	sdelay $0x2  }
0xd7: {  	v53 =	vadd.s32 $0x17, v2;
	_ =	sdelay $0x1  }
0xd8: {  	v5 =	vmul.f32 v5, v6;
	_ =	sdelay $0x1  }
0xd9: {  	[tilespmem:v52+s21+$0x0] =	vst.idx.msk $0xffff, v5  }
0xda: {  	v5 =	vld.idx.msk [tilespmem:v53+s24+$0x0], $0xffff;
	_ =	sdelay $0x2  }
0xdb: {  	v54 =	vadd.s32 $0x23, v2  }
0xdc: {  	v4 =	vor.u32 $0x3, v4  }
0xdd: {  	v5 =	vmul.f32 v5, v6;
	_ =	sdelay $0x1  }
0xde: {  	[tilespmem:v53+s21+$0x0] =	vst.idx.msk $0xffff, v5  }
0xdf: {  	v5 =	vld.idx.msk [tilespmem:v54+s24+$0x0], $0xffff  }
0xe0: {  	v4 =	vld.idx.msk [tilespmem:v4+s26+$0x0], $0xffff;
	_ =	sdelay $0x4  }
0xe1: {  	v4 =	vadd.f32 v4, v5;
	_ =	sdelay $0x1  }
0xe2: {  	v5 =	vmul.f32 $2.000000030e-01, v4  }
0xe3: {  	vm15 =	vge.f32 v4, $0.0e+00  }
0xe4: {  	v4 =	vsel vm15, v4, v5  }
0xe5: {  	v4 =	vmul.f32 $1.442695020e+00, v4;
	_ =	sdelay $0x1  }
0xe6: {  	(erf) = vpow2.f32 v4;
	_ =	sdelay $0x7  }
0xe7: {  	v55 =	vadd.s32 $0x18, v2  }
0xe8: {  	v56 =	vpop (erf)  }
0xe9: {  	v3 =	vmul.f32 v56, v3;
	_ =	sdelay $0x1  }
0xea: {  	[tilespmem:v54+s21+$0x0] =	vst.idx.msk $0xffff, v3  }
0xeb: {  	v57 =	vld.idx.msk [tilespmem:v55+s24+$0x0], $0xffff;
	_ =	sdelay $0x2  }
0xec: {  	v58 =	vadd.s32 $0x19, v2;
	_ =	sdelay $0x1  }
0xed: {  	v5 =	vmul.f32 v3, v57;
	_ =	sdelay $0x1  }
0xee: {  	[tilespmem:v55+s21+$0x0] =	vst.idx.msk $0xffff, v5  }
0xef: {  	v4 =	vld.idx.msk [tilespmem:v58+s24+$0x0], $0xffff;
	_ =	sdelay $0x2  }
0xf0: {  	v59 =	vadd.s32 $0x1A, v2;
	_ =	sdelay $0x1  }
0xf1: {  	v4 =	vmul.f32 v3, v4;
	_ =	sdelay $0x1  }
0xf2: {  	[tilespmem:v58+s21+$0x0] =	vst.idx.msk $0xffff, v4  }
0xf3: {  	v4 =	vld.idx.msk [tilespmem:v59+s24+$0x0], $0xffff;
	_ =	sdelay $0x2  }
0xf4: {  	v60 =	vadd.s32 $0x1B, v2;
	_ =	sdelay $0x1  }
0xf5: {  	v4 =	vmul.f32 v4, v3;
	_ =	sdelay $0x1  }
0xf6: {  	[tilespmem:v59+s21+$0x0] =	vst.idx.msk $0xffff, v4  }
0xf7: {  	v4 =	vld.idx.msk [tilespmem:v60+s24+$0x0], $0xffff;
	_ =	sdelay $0x2  }
0xf8: {  	v61 =	vadd.s32 $0x1C, v2;
	_ =	sdelay $0x1  }
0xf9: {  	v4 =	vmul.f32 v4, v3;
	_ =	sdelay $0x1  }
0xfa: {  	[tilespmem:v60+s21+$0x0] =	vst.idx.msk $0xffff, v4  }
0xfb: {  	v4 =	vld.idx.msk [tilespmem:v61+s24+$0x0], $0xffff;
	_ =	sdelay $0x2  }
0xfc: {  	v62 =	vadd.s32 $0x1D, v2;
	_ =	sdelay $0x1  }
0xfd: {  	v4 =	vmul.f32 v4, v3;
	_ =	sdelay $0x1  }
0xfe: {  	[tilespmem:v61+s21+$0x0] =	vst.idx.msk $0xffff, v4  }
0xff: {  	v4 =	vld.idx.msk [tilespmem:v62+s24+$0x0], $0xffff;
	_ =	sdelay $0x2  }
0x100: {  	v63 =	vadd.s32 $0x1E, v2;
	_ =	sdelay $0x1  }
0x101: {  	v4 =	vmul.f32 v4, v3;
	_ =	sdelay $0x1  }
0x102: {  	[tilespmem:v62+s21+$0x0] =	vst.idx.msk $0xffff, v4  }
0x103: {  	v4 =	vld.idx.msk [tilespmem:v63+s24+$0x0], $0xffff;
	_ =	sdelay $0x2  }
0x104: {  	v2 =	vadd.s32 $0x1F, v2;
	_ =	sdelay $0x1  }
0x105: {  	v4 =	vmul.f32 v4, v3;
	_ =	sdelay $0x1  }
0x106: {  	[tilespmem:v63+s21+$0x0] =	vst.idx.msk $0xffff, v4  }
0x107: {  	v4 =	vld.idx.msk [tilespmem:v2+s24+$0x0], $0xffff;
	_ =	sdelay $0x1  }
0x108: {  	p0 =	sne.s32 s28, $0xF0  }
.Ltmp0:
0x109: {  	_ = 	snop;
	(pc) =	sbr.rel @p0 .LBB2_3-.Ltmp0, $3  }
0x10a: {  	_ = 	snop  }
0x10b: {  	v3 =	vmul.f32 v4, v3;
	_ =	sdelay $0x1  }
0x10c: {  	s28 =	sadd.s32 $0x10, s28;
	[tilespmem:v2+s21+$0x0] =	vst.idx.msk $0xffff, v3  }
0x10d: {  	[spmem:s1] =	stream.indirect.scatter.add.f32 [tilespmem:s21], [sflag:$0x3], $0x28, s25, s23, $0xb8;
	[tilespmem:$0x19000] =	vst v63  }
0x10e: {  	s28 =	simm.s32 $0x15400  }
0x10f: {  	[spmem:s1] =	stream.indirect.scatter.add.f32 [tilespmem:s28], [sflag:$0x3], $0x28, s30, s23, $0xb8;
	[tilespmem:$0x19000] =	vst v63  }
0x110: {  	_ =	swait.ge [sflag:s2], $0x1400  }
0x111: {  	[sflag:s2] =	ssyncset.done $0x0  }
0x112: {  	[sflag:s2] =	ssyncadd.s32 $0xFFFFEC00  }
0x113: {  	_ =	swait.ge [sflag:s0], $0x400  }
0x114: {  	[sflag:s0] =	ssyncset.done $0x0  }
0x115: {  	[sflag:s0] =	ssyncadd.s32 $0xFFFFFC00  }
0x116: {  	_ =	swait.ge [sflag:s2], $0x1400  }
0x117: {  	[sflag:s2] =	ssyncset.done $0x0  }
0x118: {  	[sflag:s2] =	ssyncadd.s32 $0xFFFFEC00  }
0x119: {  	_ =	swait.ge [sflag:s0], $0x400  }
0x11a: {  	[sflag:s0] =	ssyncset.done $0x0  }
0x11b: {  	[sflag:s0] =	ssyncadd.s32 $0xFFFFFC00  }
0x11c: {  	_ =	swait.ge [sflag:s13], $0x1400  }
0x11d: {  	[sflag:s13] =	ssyncset.done $0x0  }
0x11e: {  	[sflag:s13] =	ssyncadd.s32 $0xFFFFEC00  }
0x11f: {  	s17 =	sadd.s32 s17, s14;
	_ =	swait.ge [sflag:s13], $0x1400  }
0x120: {  	s17 =	sshll.u32 s17, $0x6;
	[sflag:s13] =	ssyncset.done $0x0  }
0x121: {  	s29 =	sadd.s32 s6, s17;
	s17 =	simm.s32 $0x0;
	[sflag:s13] =	ssyncadd.s32 $0xFFFFEC00  }
0x122: {  	[tilespmem:s22], [sflag:$0x4] =	stream.linear.gather [hbm4b:s29+s17], $0x200, $0x38;
	[tilespmem:$0x19000] =	vst v63  }
0x123: {  	_ =	swait.ge [sflag:s19], $0x200  }
0x124: {  	[sflag:s19] =	ssyncset.done $0x0  }
0x125: {  	[sflag:s19] =	ssyncadd.s32 $0xFFFFFE00  }
0x126: {  	[tilespmem:s24], [sflag:$0x1] =	stream.indirect.gather [spmem:s3], $0x28, s22, s23, $0xb8;
	[tilespmem:$0x19000] =	vst v63  }
0x127: {  	_ = 	snop  }
0x128: {  	[tilespmem:s26], [sflag:$0x2] =	stream.indirect.gather [spmem:s4], $0x8, s25, s23, $0xb8;
	[tilespmem:$0x19000] =	vst v63  }
0x129: {  	s28 =	simm.s32 $0xDC80;
	s29 =	simm.s32 $0xF400  }
0x12a: {  	[tilespmem:s29], [sflag:$0x1] =	stream.indirect.gather [spmem:s3], $0x28, s28, s23, $0xb8;
	[tilespmem:$0x19000] =	vst v63  }
0x12b: {  	s29 =	simm.s32 $0x13400  }
0x12c: {  	[tilespmem:s29], [sflag:$0x2] =	stream.indirect.gather [spmem:s4], $0x8, s30, s23, $0xb8;
	[tilespmem:$0x19000] =	vst v63  }
.LBB2_5:
0x12d: {  	v3 =	vor.u32 s17, v0  }
0x12e: {  	v2 =	vmul.u32 $0x28, v3  }
0x12f: {  	v4 =	vshll.u32 v3, $0x3  }
0x130: {  	v5 =	vadd.s32 $0x20, v2;
	_ =	sdelay $0x3  }
0x131: {  	v6 =	vld.idx.msk [tilespmem:v4+s11+$0x0], $0xffff  }
0x132: {  	v3 =	vld.idx.msk [tilespmem:v5+s7+$0x0], $0xffff;
	_ =	sdelay $0x4  }
0x133: {  	v3 =	vadd.f32 v6, v3;
	_ =	sdelay $0x1  }
0x134: {  	v6 =	vmul.f32 $2.000000030e-01, v3  }
0x135: {  	vm0 =	vge.f32 v3, $0.0e+00  }
0x136: {  	v3 =	vsel vm0, v3, v6  }
0x137: {  	v3 =	vmul.f32 $1.442695020e+00, v3;
	_ =	sdelay $0x1  }
0x138: {  	(erf) = vpow2.f32 v3;
	_ =	sdelay $0x6  }
0x139: {  	s28 =	sadd.s32 s17, s12  }
0x13a: {  	p0 =	slt.u32 s28, $0x50910  }
0x13b: {  	v3 =	vpsel !p0, $0x0, v1;
	v25 =	vpop (erf)  }
0x13c: {  	v6 =	vmul.f32 v25, v3;
	_ =	sdelay $0x1  }
0x13d: {  	[tilespmem:v5+s18+$0x0] =	vst.idx.msk $0xffff, v6  }
0x13e: {  	v5 =	vld.idx.msk [tilespmem:v2+s7+$0x0], $0xffff;
	_ =	sdelay $0x2  }
0x13f: {  	v7 =	vor.u32 $0x1, v2;
	_ =	sdelay $0x1  }
0x140: {  	v5 =	vmul.f32 v6, v5;
	_ =	sdelay $0x1  }
0x141: {  	[tilespmem:v2+s18+$0x0] =	vst.idx.msk $0xffff, v5  }
0x142: {  	v5 =	vld.idx.msk [tilespmem:v7+s7+$0x0], $0xffff;
	_ =	sdelay $0x2  }
0x143: {  	v8 =	vor.u32 $0x2, v2;
	_ =	sdelay $0x1  }
0x144: {  	v5 =	vmul.f32 v6, v5;
	_ =	sdelay $0x1  }
0x145: {  	[tilespmem:v7+s18+$0x0] =	vst.idx.msk $0xffff, v5  }
0x146: {  	v5 =	vld.idx.msk [tilespmem:v8+s7+$0x0], $0xffff;
	_ =	sdelay $0x2  }
0x147: {  	v26 =	vor.u32 $0x3, v2;
	_ =	sdelay $0x1  }
0x148: {  	v5 =	vmul.f32 v5, v6;
	_ =	sdelay $0x1  }
0x149: {  	[tilespmem:v8+s18+$0x0] =	vst.idx.msk $0xffff, v5  }
0x14a: {  	v5 =	vld.idx.msk [tilespmem:v26+s7+$0x0], $0xffff;
	_ =	sdelay $0x2  }
0x14b: {  	v27 =	vor.u32 $0x4, v2;
	_ =	sdelay $0x1  }
0x14c: {  	v5 =	vmul.f32 v5, v6;
	_ =	sdelay $0x1  }
0x14d: {  	[tilespmem:v26+s18+$0x0] =	vst.idx.msk $0xffff, v5  }
0x14e: {  	v5 =	vld.idx.msk [tilespmem:v27+s7+$0x0], $0xffff;
	_ =	sdelay $0x2  }
0x14f: {  	v28 =	vor.u32 $0x5, v2;
	_ =	sdelay $0x1  }
0x150: {  	v5 =	vmul.f32 v5, v6;
	_ =	sdelay $0x1  }
0x151: {  	[tilespmem:v27+s18+$0x0] =	vst.idx.msk $0xffff, v5  }
0x152: {  	v5 =	vld.idx.msk [tilespmem:v28+s7+$0x0], $0xffff;
	_ =	sdelay $0x2  }
0x153: {  	v29 =	vor.u32 $0x6, v2;
	_ =	sdelay $0x1  }
0x154: {  	v5 =	vmul.f32 v5, v6;
	_ =	sdelay $0x1  }
0x155: {  	[tilespmem:v28+s18+$0x0] =	vst.idx.msk $0xffff, v5  }
0x156: {  	v5 =	vld.idx.msk [tilespmem:v29+s7+$0x0], $0xffff;
	_ =	sdelay $0x2  }
0x157: {  	v30 =	vor.u32 $0x7, v2;
	_ =	sdelay $0x1  }
0x158: {  	v5 =	vmul.f32 v5, v6;
	_ =	sdelay $0x1  }
0x159: {  	[tilespmem:v29+s18+$0x0] =	vst.idx.msk $0xffff, v5  }
0x15a: {  	v5 =	vld.idx.msk [tilespmem:v30+s7+$0x0], $0xffff;
	_ =	sdelay $0x2  }
0x15b: {  	v31 =	vadd.s32 $0x21, v2  }
0x15c: {  	v9 =	vor.u32 $0x1, v4  }
0x15d: {  	v5 =	vmul.f32 v5, v6;
	_ =	sdelay $0x1  }
0x15e: {  	[tilespmem:v30+s18+$0x0] =	vst.idx.msk $0xffff, v5  }
0x15f: {  	v5 =	vld.idx.msk [tilespmem:v31+s7+$0x0], $0xffff  }
0x160: {  	v32 =	vld.idx.msk [tilespmem:v9+s11+$0x0], $0xffff;
	_ =	sdelay $0x4  }
0x161: {  	v5 =	vadd.f32 v32, v5;
	_ =	sdelay $0x1  }
0x162: {  	v6 =	vmul.f32 $2.000000030e-01, v5  }
0x163: {  	vm13 =	vge.f32 v5, $0.0e+00  }
0x164: {  	v5 =	vsel vm13, v5, v6  }
0x165: {  	v5 =	vmul.f32 $1.442695020e+00, v5;
	_ =	sdelay $0x1  }
0x166: {  	(erf) = vpow2.f32 v5;
	_ =	sdelay $0x7  }
0x167: {  	v33 =	vadd.s32 $0x8, v2  }
0x168: {  	v34 =	vpop (erf)  }
0x169: {  	v6 =	vmul.f32 v34, v3;
	_ =	sdelay $0x1  }
0x16a: {  	[tilespmem:v31+s18+$0x0] =	vst.idx.msk $0xffff, v6  }
0x16b: {  	v7 =	vld.idx.msk [tilespmem:v33+s7+$0x0], $0xffff;
	_ =	sdelay $0x2  }
0x16c: {  	v35 =	vadd.s32 $0x9, v2;
	_ =	sdelay $0x1  }
0x16d: {  	v7 =	vmul.f32 v6, v7;
	_ =	sdelay $0x1  }
0x16e: {  	[tilespmem:v33+s18+$0x0] =	vst.idx.msk $0xffff, v7  }
0x16f: {  	v5 =	vld.idx.msk [tilespmem:v35+s7+$0x0], $0xffff;
	_ =	sdelay $0x2  }
0x170: {  	v36 =	vadd.s32 $0xA, v2;
	_ =	sdelay $0x1  }
0x171: {  	v5 =	vmul.f32 v6, v5;
	_ =	sdelay $0x1  }
0x172: {  	[tilespmem:v35+s18+$0x0] =	vst.idx.msk $0xffff, v5  }
0x173: {  	v5 =	vld.idx.msk [tilespmem:v36+s7+$0x0], $0xffff;
	_ =	sdelay $0x2  }
0x174: {  	v37 =	vadd.s32 $0xB, v2;
	_ =	sdelay $0x1  }
0x175: {  	v5 =	vmul.f32 v5, v6;
	_ =	sdelay $0x1  }
0x176: {  	[tilespmem:v36+s18+$0x0] =	vst.idx.msk $0xffff, v5  }
0x177: {  	v5 =	vld.idx.msk [tilespmem:v37+s7+$0x0], $0xffff;
	_ =	sdelay $0x2  }
0x178: {  	v38 =	vadd.s32 $0xC, v2;
	_ =	sdelay $0x1  }
0x179: {  	v5 =	vmul.f32 v5, v6;
	_ =	sdelay $0x1  }
0x17a: {  	[tilespmem:v37+s18+$0x0] =	vst.idx.msk $0xffff, v5  }
0x17b: {  	v5 =	vld.idx.msk [tilespmem:v38+s7+$0x0], $0xffff;
	_ =	sdelay $0x2  }
0x17c: {  	v39 =	vadd.s32 $0xD, v2;
	_ =	sdelay $0x1  }
0x17d: {  	v5 =	vmul.f32 v5, v6;
	_ =	sdelay $0x1  }
0x17e: {  	[tilespmem:v38+s18+$0x0] =	vst.idx.msk $0xffff, v5  }
0x17f: {  	v5 =	vld.idx.msk [tilespmem:v39+s7+$0x0], $0xffff;
	_ =	sdelay $0x2  }
0x180: {  	v40 =	vadd.s32 $0xE, v2;
	_ =	sdelay $0x1  }
0x181: {  	v5 =	vmul.f32 v5, v6;
	_ =	sdelay $0x1  }
0x182: {  	[tilespmem:v39+s18+$0x0] =	vst.idx.msk $0xffff, v5  }
0x183: {  	v5 =	vld.idx.msk [tilespmem:v40+s7+$0x0], $0xffff;
	_ =	sdelay $0x2  }
0x184: {  	v41 =	vadd.s32 $0xF, v2;
	_ =	sdelay $0x1  }
0x185: {  	v5 =	vmul.f32 v5, v6;
	_ =	sdelay $0x1  }
0x186: {  	[tilespmem:v40+s18+$0x0] =	vst.idx.msk $0xffff, v5  }
0x187: {  	v5 =	vld.idx.msk [tilespmem:v41+s7+$0x0], $0xffff;
	_ =	sdelay $0x2  }
0x188: {  	v42 =	vadd.s32 $0x22, v2  }
0x189: {  	v43 =	vor.u32 $0x2, v4  }
0x18a: {  	v5 =	vmul.f32 v5, v6;
	_ =	sdelay $0x1  }
0x18b: {  	[tilespmem:v41+s18+$0x0] =	vst.idx.msk $0xffff, v5  }
0x18c: {  	v5 =	vld.idx.msk [tilespmem:v42+s7+$0x0], $0xffff  }
0x18d: {  	v44 =	vld.idx.msk [tilespmem:v43+s11+$0x0], $0xffff;
	_ =	sdelay $0x4  }
0x18e: {  	v5 =	vadd.f32 v44, v5;
	_ =	sdelay $0x1  }
0x18f: {  	v6 =	vmul.f32 $2.000000030e-01, v5  }
0x190: {  	vm14 =	vge.f32 v5, $0.0e+00  }
0x191: {  	v5 =	vsel vm14, v5, v6  }
0x192: {  	v5 =	vmul.f32 $1.442695020e+00, v5;
	_ =	sdelay $0x1  }
0x193: {  	(erf) = vpow2.f32 v5;
	_ =	sdelay $0x7  }
0x194: {  	v45 =	vadd.s32 $0x10, v2  }
0x195: {  	v46 =	vpop (erf)  }
0x196: {  	v6 =	vmul.f32 v46, v3;
	_ =	sdelay $0x1  }
0x197: {  	[tilespmem:v42+s18+$0x0] =	vst.idx.msk $0xffff, v6  }
0x198: {  	v7 =	vld.idx.msk [tilespmem:v45+s7+$0x0], $0xffff;
	_ =	sdelay $0x2  }
0x199: {  	v47 =	vadd.s32 $0x11, v2;
	_ =	sdelay $0x1  }
0x19a: {  	v7 =	vmul.f32 v6, v7;
	_ =	sdelay $0x1  }
0x19b: {  	[tilespmem:v45+s18+$0x0] =	vst.idx.msk $0xffff, v7  }
0x19c: {  	v5 =	vld.idx.msk [tilespmem:v47+s7+$0x0], $0xffff;
	_ =	sdelay $0x2  }
0x19d: {  	v48 =	vadd.s32 $0x12, v2;
	_ =	sdelay $0x1  }
0x19e: {  	v5 =	vmul.f32 v6, v5;
	_ =	sdelay $0x1  }
0x19f: {  	[tilespmem:v47+s18+$0x0] =	vst.idx.msk $0xffff, v5  }
0x1a0: {  	v5 =	vld.idx.msk [tilespmem:v48+s7+$0x0], $0xffff;
	_ =	sdelay $0x2  }
0x1a1: {  	v49 =	vadd.s32 $0x13, v2;
	_ =	sdelay $0x1  }
0x1a2: {  	v5 =	vmul.f32 v5, v6;
	_ =	sdelay $0x1  }
0x1a3: {  	[tilespmem:v48+s18+$0x0] =	vst.idx.msk $0xffff, v5  }
0x1a4: {  	v5 =	vld.idx.msk [tilespmem:v49+s7+$0x0], $0xffff;
	_ =	sdelay $0x2  }
0x1a5: {  	v50 =	vadd.s32 $0x14, v2;
	_ =	sdelay $0x1  }
0x1a6: {  	v5 =	vmul.f32 v5, v6;
	_ =	sdelay $0x1  }
0x1a7: {  	[tilespmem:v49+s18+$0x0] =	vst.idx.msk $0xffff, v5  }
0x1a8: {  	v5 =	vld.idx.msk [tilespmem:v50+s7+$0x0], $0xffff;
	_ =	sdelay $0x2  }
0x1a9: {  	v51 =	vadd.s32 $0x15, v2;
	_ =	sdelay $0x1  }
0x1aa: {  	v5 =	vmul.f32 v5, v6;
	_ =	sdelay $0x1  }
0x1ab: {  	[tilespmem:v50+s18+$0x0] =	vst.idx.msk $0xffff, v5  }
0x1ac: {  	v5 =	vld.idx.msk [tilespmem:v51+s7+$0x0], $0xffff;
	_ =	sdelay $0x2  }
0x1ad: {  	v52 =	vadd.s32 $0x16, v2;
	_ =	sdelay $0x1  }
0x1ae: {  	v5 =	vmul.f32 v5, v6;
	_ =	sdelay $0x1  }
0x1af: {  	[tilespmem:v51+s18+$0x0] =	vst.idx.msk $0xffff, v5  }
0x1b0: {  	v5 =	vld.idx.msk [tilespmem:v52+s7+$0x0], $0xffff;
	_ =	sdelay $0x2  }
0x1b1: {  	v53 =	vadd.s32 $0x17, v2;
	_ =	sdelay $0x1  }
0x1b2: {  	v5 =	vmul.f32 v5, v6;
	_ =	sdelay $0x1  }
0x1b3: {  	[tilespmem:v52+s18+$0x0] =	vst.idx.msk $0xffff, v5  }
0x1b4: {  	v5 =	vld.idx.msk [tilespmem:v53+s7+$0x0], $0xffff;
	_ =	sdelay $0x2  }
0x1b5: {  	v54 =	vadd.s32 $0x23, v2  }
0x1b6: {  	v4 =	vor.u32 $0x3, v4  }
0x1b7: {  	v5 =	vmul.f32 v5, v6;
	_ =	sdelay $0x1  }
0x1b8: {  	[tilespmem:v53+s18+$0x0] =	vst.idx.msk $0xffff, v5  }
0x1b9: {  	v5 =	vld.idx.msk [tilespmem:v54+s7+$0x0], $0xffff  }
0x1ba: {  	v4 =	vld.idx.msk [tilespmem:v4+s11+$0x0], $0xffff;
	_ =	sdelay $0x4  }
0x1bb: {  	v4 =	vadd.f32 v4, v5;
	_ =	sdelay $0x1  }
0x1bc: {  	v5 =	vmul.f32 $2.000000030e-01, v4  }
0x1bd: {  	vm15 =	vge.f32 v4, $0.0e+00  }
0x1be: {  	v4 =	vsel vm15, v4, v5  }
0x1bf: {  	v4 =	vmul.f32 $1.442695020e+00, v4;
	_ =	sdelay $0x1  }
0x1c0: {  	(erf) = vpow2.f32 v4;
	_ =	sdelay $0x7  }
0x1c1: {  	v55 =	vadd.s32 $0x18, v2  }
0x1c2: {  	v56 =	vpop (erf)  }
0x1c3: {  	v3 =	vmul.f32 v56, v3;
	_ =	sdelay $0x1  }
0x1c4: {  	[tilespmem:v54+s18+$0x0] =	vst.idx.msk $0xffff, v3  }
0x1c5: {  	v57 =	vld.idx.msk [tilespmem:v55+s7+$0x0], $0xffff;
	_ =	sdelay $0x2  }
0x1c6: {  	v58 =	vadd.s32 $0x19, v2;
	_ =	sdelay $0x1  }
0x1c7: {  	v5 =	vmul.f32 v3, v57;
	_ =	sdelay $0x1  }
0x1c8: {  	[tilespmem:v55+s18+$0x0] =	vst.idx.msk $0xffff, v5  }
0x1c9: {  	v4 =	vld.idx.msk [tilespmem:v58+s7+$0x0], $0xffff;
	_ =	sdelay $0x2  }
0x1ca: {  	v59 =	vadd.s32 $0x1A, v2;
	_ =	sdelay $0x1  }
0x1cb: {  	v4 =	vmul.f32 v3, v4;
	_ =	sdelay $0x1  }
0x1cc: {  	[tilespmem:v58+s18+$0x0] =	vst.idx.msk $0xffff, v4  }
0x1cd: {  	v4 =	vld.idx.msk [tilespmem:v59+s7+$0x0], $0xffff;
	_ =	sdelay $0x2  }
0x1ce: {  	v60 =	vadd.s32 $0x1B, v2;
	_ =	sdelay $0x1  }
0x1cf: {  	v4 =	vmul.f32 v4, v3;
	_ =	sdelay $0x1  }
0x1d0: {  	[tilespmem:v59+s18+$0x0] =	vst.idx.msk $0xffff, v4  }
0x1d1: {  	v4 =	vld.idx.msk [tilespmem:v60+s7+$0x0], $0xffff;
	_ =	sdelay $0x2  }
0x1d2: {  	v61 =	vadd.s32 $0x1C, v2;
	_ =	sdelay $0x1  }
0x1d3: {  	v4 =	vmul.f32 v4, v3;
	_ =	sdelay $0x1  }
0x1d4: {  	[tilespmem:v60+s18+$0x0] =	vst.idx.msk $0xffff, v4  }
0x1d5: {  	v4 =	vld.idx.msk [tilespmem:v61+s7+$0x0], $0xffff;
	_ =	sdelay $0x2  }
0x1d6: {  	v62 =	vadd.s32 $0x1D, v2;
	_ =	sdelay $0x1  }
0x1d7: {  	v4 =	vmul.f32 v4, v3;
	_ =	sdelay $0x1  }
0x1d8: {  	[tilespmem:v61+s18+$0x0] =	vst.idx.msk $0xffff, v4  }
0x1d9: {  	v4 =	vld.idx.msk [tilespmem:v62+s7+$0x0], $0xffff;
	_ =	sdelay $0x2  }
0x1da: {  	v63 =	vadd.s32 $0x1E, v2;
	_ =	sdelay $0x1  }
0x1db: {  	v4 =	vmul.f32 v4, v3;
	_ =	sdelay $0x1  }
0x1dc: {  	[tilespmem:v62+s18+$0x0] =	vst.idx.msk $0xffff, v4  }
0x1dd: {  	v4 =	vld.idx.msk [tilespmem:v63+s7+$0x0], $0xffff;
	_ =	sdelay $0x2  }
0x1de: {  	v2 =	vadd.s32 $0x1F, v2;
	_ =	sdelay $0x1  }
0x1df: {  	v4 =	vmul.f32 v4, v3;
	_ =	sdelay $0x1  }
0x1e0: {  	[tilespmem:v63+s18+$0x0] =	vst.idx.msk $0xffff, v4  }
0x1e1: {  	v4 =	vld.idx.msk [tilespmem:v2+s7+$0x0], $0xffff;
	_ =	sdelay $0x1  }
0x1e2: {  	p0 =	sne.s32 s17, $0xF0  }
.Ltmp1:
0x1e3: {  	_ = 	snop;
	(pc) =	sbr.rel @p0 .LBB2_5-.Ltmp1, $3  }
0x1e4: {  	_ = 	snop  }
0x1e5: {  	v3 =	vmul.f32 v4, v3;
	_ =	sdelay $0x1  }
0x1e6: {  	s17 =	sadd.s32 $0x10, s17;
	[tilespmem:v2+s18+$0x0] =	vst.idx.msk $0xffff, v3  }
0x1e7: {  	[spmem:s1] =	stream.indirect.scatter.add.f32 [tilespmem:s18], [sflag:$0x3], $0x28, s9, s23, $0xb8;
	[tilespmem:$0x19000] =	vst v63  }
0x1e8: {  	_ = 	snop  }
0x1e9: {  	[spmem:s1] =	stream.indirect.scatter.add.f32 [tilespmem:s8], [sflag:$0x3], $0x28, s16, s23, $0xb8;
	[tilespmem:$0x19000] =	vst v63  }
0x1ea: {  	_ =	swait.ge [sflag:s2], $0x1400  }
0x1eb: {  	[sflag:s2] =	ssyncset.done $0x0  }
0x1ec: {  	[sflag:s2] =	ssyncadd.s32 $0xFFFFEC00  }
0x1ed: {  	_ =	swait.ge [sflag:s0], $0x400  }
0x1ee: {  	[sflag:s0] =	ssyncset.done $0x0  }
0x1ef: {  	[sflag:s0] =	ssyncadd.s32 $0xFFFFFC00  }
0x1f0: {  	_ =	swait.ge [sflag:s2], $0x1400  }
0x1f1: {  	[sflag:s2] =	ssyncset.done $0x0  }
0x1f2: {  	[sflag:s2] =	ssyncadd.s32 $0xFFFFEC00  }
0x1f3: {  	_ =	swait.ge [sflag:s0], $0x400  }
0x1f4: {  	[sflag:s0] =	ssyncset.done $0x0  }
0x1f5: {  	s20 =	sadd.s32 $0x1, s20;
	[sflag:s0] =	ssyncadd.s32 $0xFFFFFC00  }
0x1f6: {  	p0 =	sne.s32 s20, $0x29;
	_ =	swait.ge [sflag:s13], $0x1400  }
.Ltmp2:
0x1f7: {  	[sflag:s13] =	ssyncset.done $0x0;
	(pc) =	sbr.rel @p0 .LBB2_2-.Ltmp2, $4  }
0x1f8: {  	[sflag:s13] =	ssyncadd.s32 $0xFFFFEC00  }
0x1f9: {  	_ =	swait.ge [sflag:s13], $0x1400  }
0x1fa: {  	[sflag:s13] =	ssyncset.done $0x0  }
0x1fb: {  	s15 =	sadd.s32 $0x200, s15;
	s12 =	sadd.s32 $0x200, s12;
	[sflag:s13] =	ssyncadd.s32 $0xFFFFEC00  }
0x1fc: {  	[bflag:$0x0] =	sbarrier.arrive $0xFFFF  }
0x1fd: {  	s15 =	rddreg [dreg:$0x6]  }
0x1fe: {  	s12 =	rddreg [dreg:$0xb]  }
0x1ff: {  	s17 =	rddreg [dreg:$0xe]  }
0x200: {  	[hbm:s12], [sflag:s15] =	dma.local [spmem:s17], $0xC80  }
0x201: {  	_ =	swait.ge [sflag:s19], $0xC80  }
0x202: {  	s20 =	rddreg [dreg:$0x11]  }
0x203: {  	s29 =	rddreg [dreg:$0xc];
	s20 =	sadd.s32 $0x1, s20  }
0x204: {  	p0 =	sne.s32 s20, s29  }
.Ltmp3:
0x205: {  	_ = 	snop;
	(pc) =	sbr.rel @p0 .LBB2_1-.Ltmp3, $3  }
0x206: {  	_ =	sdelay $0x1  }
0x207: {  	[sflag:s19] =	ssyncset.done $0x0  }
0x208: {  	[sflag:s19] =	ssyncadd.s32 $0xFFFFF380  }
0x209: {  	_ =	sfence.sel $0x180000  }
0x20a: {  	[bflag:$0x0] =	sbarrier.arrive $0xFFFF  }
0x20b: {  	_ =	strace $0x90000047  }
0x20c: {  	s0 =	stileid.u32;
	[bflag:$0x2] =	sbarrier.arrive $0xFFFF  }
0x20d: {  	p0 =	sne.s32 s0, $0x0;
	s0 =	rddreg [dreg:$0x4]  }
0x20e: {  	s0 =	sadd.s32 @!p0 $0x100000, s0  }
0x20f: {  	[sflag:s0] =	ssyncadd.tile.s32 @!p0 $0x1;
	_ =	shalt  }
.Lfunc_end2:
_tile_overlayer_lowered:
.L_overlay_start_2:
0x210: {  	(tag) =	ssettag $0x2  }
0x211: {  	s0 =	rddreg [dreg:$0x0];
	s2 =	stileid.u32  }
0x212: {  	s1 =	rddreg [dreg:$0x1];
	p0 =	sne.s32 s2, $0x0  }
0x213: {  	s3 =	rddreg [dreg:$0x2];
	[bflag:$0x3] =	sbarrier.arrive $0xFFFF;
	s2 =	simm.s32 @!p0 $0x1C04  }
0x214: {  	[timem:s3], [sflag:s2] =	dma.local @!p0 [hbm:s0], s1  }
0x215: {  	s0 =	simm.s32 @!p0 $0x4  }
0x216: {  	_ =	swait.ge @!p0 [sflag:s0], s1  }
0x217: {  	s1 =	ssub.s32 @!p0 $0x0, s1;
	[sflag:s0] =	ssyncset.done @!p0 $0x0  }
0x218: {  	[sflag:s0] =	ssyncadd.s32 @!p0 s1  }
0x219: {  	[bflag:$0x3] =	sbarrier.arrive $0xFFFF  }
0x21a: {  	_ =	shalt  }

</sc_bundles>
